<compile_context>
chip_gen: v7x
topology: tpu7x:2x2x1
jax: 0.10.2.dev20260603
libtpu: 0.0.44.dev20260713+nightly
codegen_flags: <defaults>
</compile_context>

<pallas_src>
import functools

import jax
import jax.numpy as jnp
from jax import lax
from jax.experimental import pallas as pl
from jax.experimental.pallas import tpu as pltpu
from jax.experimental.pallas import tpu_sc as plsc

_N = 10000
_E = 320000
_D = 128
_G = 64
_NC = 2
_NS = 16
_NT = _NC * _NS
_EPT = _E // _NT
_CH = 80
_NCHK = _EPT // _CH
_NSUP = 5
_NSCH = _NCHK // _NSUP
_RB = 2000
_NRB = _N // _RB


def _mesh():
    return plsc.VectorSubcoreMesh(core_axis_name="c", subcore_axis_name="s")


def _sc_degree(dst3):

    @functools.partial(
        pl.kernel,
        out_type=jax.ShapeDtypeStruct((_NC * _N, 16), jnp.float32),
        mesh=_mesh(),
        scratch_types=[
            pltpu.VMEM((_NSCH * _CH,), jnp.int32),
            pltpu.VMEM((_CH,), jnp.int32),
            pltpu.VMEM((_CH, 16), jnp.float32),
            pltpu.VMEM((_CH, 16), jnp.float32),
            pltpu.VMEM_SHARED((_N, 16), jnp.float32),
        ],
    )
    def k(dst_hbm, out_hbm, idx_v, idx_c, ones_v, zbuf, acc):
        c = lax.axis_index("c")
        s = lax.axis_index("s")
        tid = c * _NS + s

        def fill(r, _):
            ones_v[r, :] = jnp.ones((16,), jnp.float32)
            zbuf[r, :] = jnp.zeros((16,), jnp.float32)
            return 0

        lax.fori_loop(0, _CH, fill, 0)

        def iota_idx(base):
            for j in range(_CH // 16):
                idx_c[pl.ds(j * 16, 16)] = (
                    lax.broadcasted_iota(jnp.int32, (16,), 0) + base + j * 16)

        def zero_chunk(r, _):
            iota_idx(s * 640 + r * 80)
            pltpu.sync_copy(zbuf, acc.at[idx_c])
            return 0

        nz = jnp.where(s < _NS - 1, 8, 5)
        lax.fori_loop(0, nz, zero_chunk, 0)
        pltpu.sync_copy(acc.at[idx_c], zbuf)

        plsc.subcore_barrier()

        def inner(g, _):
            for j in range(_CH // 16):
                idx_c[pl.ds(j * 16, 16)] = idx_v[pl.ds(g * _CH + j * 16, 16)]
            pltpu.sync_copy(ones_v, acc.at[idx_c], add=True)
            return 0

        def outer(u, _):
            pltpu.sync_copy(
                dst_hbm.at[pl.ds((tid * _NSUP + u) * _NSCH * _CH,
                                 _NSCH * _CH)], idx_v)
            lax.fori_loop(0, _NSCH, inner, 0)
            return 0

        lax.fori_loop(0, _NSUP, outer, 0)
        pltpu.sync_copy(acc.at[idx_c], ones_v)
        plsc.subcore_barrier()

        def rb_chunk(r, _):
            base = s * 640 + r * 80
            iota_idx(base)
            pltpu.sync_copy(acc.at[idx_c], zbuf)
            pltpu.sync_copy(zbuf, out_hbm.at[pl.ds(c * _N + base, _CH)])
            return 0

        lax.fori_loop(0, nz, rb_chunk, 0)

    return k(dst3)


def _sc_aggregate(ph, src3, dst3):

    @functools.partial(
        pl.kernel,
        out_type=jax.ShapeDtypeStruct((_NC * _N, _D), jnp.float32),
        mesh=_mesh(),
        scratch_types=[
            pltpu.VMEM((_NSCH * _CH,), jnp.int32),
            pltpu.VMEM((_NSCH * _CH,), jnp.int32),
            pltpu.VMEM((_CH,), jnp.int32),
            pltpu.VMEM((_CH,), jnp.int32),
            pltpu.VMEM((_CH, _D), jnp.float32),
            pltpu.VMEM((_CH, _D), jnp.float32),
            pltpu.VMEM_SHARED((_N, _D), jnp.float32),
            pltpu.SemaphoreType.DMA,
        ],
    )
    def k(ph_hbm, src_hbm, dst_hbm, out_hbm, src_v, dst_v, idx_s, idx_c,
          rows_v, stage_v, acc, sem):
        c = lax.axis_index("c")
        s = lax.axis_index("s")
        tid = c * _NS + s

        def fill_zero(r, _):
            for j in range(_D // 16):
                stage_v[r, pl.ds(j * 16, 16)] = jnp.zeros((16,), jnp.float32)
            return 0

        lax.fori_loop(0, _CH, fill_zero, 0)

        def zero_chunk(r, _):
            base = s * 640 + r * 80
            for j in range(_CH // 16):
                idx_c[pl.ds(j * 16, 16)] = (
                    lax.broadcasted_iota(jnp.int32, (16,), 0) + base + j * 16)
            pltpu.sync_copy(stage_v, acc.at[idx_c])
            return 0

        @pl.when(s < _NS - 1)
        def _():
            lax.fori_loop(0, 8, zero_chunk, 0)

        @pl.when(s == _NS - 1)
        def _():
            lax.fori_loop(0, 5, zero_chunk, 0)

        pltpu.sync_copy(acc.at[idx_c], stage_v)
        plsc.subcore_barrier()

        def inner(g, _):
            for j in range(_CH // 16):
                idx_s[pl.ds(j * 16, 16)] = src_v[pl.ds(g * _CH + j * 16, 16)]
                idx_c[pl.ds(j * 16, 16)] = dst_v[pl.ds(g * _CH + j * 16, 16)]
            pltpu.async_copy(ph_hbm.at[idx_s], rows_v, sem).wait()
            pltpu.sync_copy(rows_v, acc.at[idx_c], add=True)
            return 0

        def outer(u, _):
            base = (tid * _NSUP + u) * _NSCH * _CH
            pltpu.sync_copy(src_hbm.at[pl.ds(base, _NSCH * _CH)], src_v)
            pltpu.sync_copy(dst_hbm.at[pl.ds(base, _NSCH * _CH)], dst_v)
            lax.fori_loop(0, _NSCH, inner, 0)
            return 0

        lax.fori_loop(0, _NSUP, outer, 0)
        pltpu.sync_copy(acc.at[idx_c], rows_v)
        plsc.subcore_barrier()

        def rb_chunk(r, _):
            base = s * 640 + r * 80
            for j in range(_CH // 16):
                idx_c[pl.ds(j * 16, 16)] = (
                    lax.broadcasted_iota(jnp.int32, (16,), 0) + base + j * 16)
            pltpu.sync_copy(acc.at[idx_c], stage_v)
            pltpu.sync_copy(stage_v, out_hbm.at[pl.ds(c * _N + base, _CH)])
            return 0

        lax.fori_loop(0, jnp.where(s < _NS - 1, 8, 5), rb_chunk, 0)

    return k(ph, src3, dst3)


def _tc1_body(x_ref, w_ref, da_ref, db_ref, ph_ref, dinv_ref):
    deg = da_ref[:, 0:1] + db_ref[:, 0:1] + 1.0
    dinv = lax.rsqrt(deg)
    dinv_ref[...] = dinv
    ph_ref[...] = jnp.dot(x_ref[...], w_ref[...],
                          preferred_element_type=jnp.float32) * dinv


def _tc1(x, W1, dega, degb):
    return pl.pallas_call(
        _tc1_body,
        grid=(_NRB,),
        in_specs=[
            pl.BlockSpec((_RB, _D), lambda i: (i, 0)),
            pl.BlockSpec((_D, _D), lambda i: (0, 0)),
            pl.BlockSpec((_RB, 16), lambda i: (i, 0)),
            pl.BlockSpec((_RB, 16), lambda i: (i, 0)),
        ],
        out_specs=[
            pl.BlockSpec((_RB, _D), lambda i: (i, 0)),
            pl.BlockSpec((_RB, 1), lambda i: (i, 0)),
        ],
        out_shape=[
            jax.ShapeDtypeStruct((_N, _D), jnp.float32),
            jax.ShapeDtypeStruct((_N, 1), jnp.float32),
        ],
    )(x, W1, dega, degb)


def _tc2_body(sa_ref, sb_ref, ph_ref, dinv_ref, b_ref, w_ref, out_ref):
    dinv = dinv_ref[...]
    t = sa_ref[...] + sb_ref[...] + ph_ref[...]
    h = jnp.maximum(t * dinv + b_ref[...], 0.0)
    out_ref[...] = jnp.dot(h, w_ref[...],
                           preferred_element_type=jnp.float32) * dinv


def _tc2(sa, sb, ph, dinv, b1, W2):
    return pl.pallas_call(
        _tc2_body,
        grid=(_NRB,),
        in_specs=[
            pl.BlockSpec((_RB, _D), lambda i: (i, 0)),
            pl.BlockSpec((_RB, _D), lambda i: (i, 0)),
            pl.BlockSpec((_RB, _D), lambda i: (i, 0)),
            pl.BlockSpec((_RB, 1), lambda i: (i, 0)),
            pl.BlockSpec((1, _D), lambda i: (0, 0)),
            pl.BlockSpec((_D, _D), lambda i: (0, 0)),
        ],
        out_specs=pl.BlockSpec((_RB, _D), lambda i: (i, 0)),
        out_shape=jax.ShapeDtypeStruct((_N, _D), jnp.float32),
    )(sa, sb, ph, dinv, b1, W2)


def _tc3_body(sa_ref, sb_ref, ph_ref, dinv_ref, b_ref, batch_ref,
              wm_ref, bm_ref, wt_ref, bt_ref, mem_ref, time_ref,
              pool_ref, cnt_ref):
    i = pl.program_id(0)
    t = sa_ref[...] + sb_ref[...] + ph_ref[...]
    h = jnp.maximum(t * dinv_ref[...] + b_ref[...], 0.0)
    gids = lax.broadcasted_iota(jnp.int32, (1, _G), 1)
    onehot = (batch_ref[...] == gids).astype(jnp.float32)
    dn = (((0,), (0,)), ((), ()))
    pp = lax.dot_general(onehot, h, dn,
                         preferred_element_type=jnp.float32)
    cc = lax.dot_general(onehot, jnp.ones((_RB, 1), jnp.float32), dn,
                         preferred_element_type=jnp.float32)

    @pl.when(i == 0)
    def _():
        pool_ref[...] = pp
        cnt_ref[...] = cc

    @pl.when(i > 0)
    def _():
        pool_ref[...] += pp
        cnt_ref[...] += cc

    @pl.when(i == _NRB - 1)
    def _():
        mean = pool_ref[...] / jnp.maximum(cnt_ref[...], 1.0)
        mem_ref[...] = jnp.dot(mean, wm_ref[...],
                               preferred_element_type=jnp.float32) + bm_ref[...]
        time_ref[...] = jnp.dot(mean, wt_ref[...],
                                preferred_element_type=jnp.float32) + bt_ref[...]


def _tc3(sa, sb, ph, dinv, b2, batch2, Wm, bm, Wt, bt):
    return pl.pallas_call(
        _tc3_body,
        grid=(_NRB,),
        in_specs=[
            pl.BlockSpec((_RB, _D), lambda i: (i, 0)),
            pl.BlockSpec((_RB, _D), lambda i: (i, 0)),
            pl.BlockSpec((_RB, _D), lambda i: (i, 0)),
            pl.BlockSpec((_RB, 1), lambda i: (i, 0)),
            pl.BlockSpec((1, _D), lambda i: (0, 0)),
            pl.BlockSpec((_RB, 1), lambda i: (i, 0)),
            pl.BlockSpec((_D, 1), lambda i: (0, 0)),
            pl.BlockSpec((1, 1), lambda i: (0, 0)),
            pl.BlockSpec((_D, 1), lambda i: (0, 0)),
            pl.BlockSpec((1, 1), lambda i: (0, 0)),
        ],
        out_specs=[
            pl.BlockSpec((_G, 1), lambda i: (0, 0)),
            pl.BlockSpec((_G, 1), lambda i: (0, 0)),
        ],
        out_shape=[
            jax.ShapeDtypeStruct((_G, 1), jnp.float32),
            jax.ShapeDtypeStruct((_G, 1), jnp.float32),
        ],
        scratch_shapes=[
            pltpu.VMEM((_G, _D), jnp.float32),
            pltpu.VMEM((_G, 1), jnp.float32),
        ],
    )(sa, sb, ph, dinv, b2, batch2, Wm, bm, Wt, bt)


def kernel(x, edge_index, batch, W1, b1, W2, b2, Wm, bm, Wt, bt):
    src3 = edge_index[0]
    dst3 = edge_index[1]
    batch2 = batch.reshape(_N, 1)
    b1r = b1.reshape(1, _D)
    b2r = b2.reshape(1, _D)
    bmr = bm.reshape(1, 1)
    btr = bt.reshape(1, 1)

    deg = _sc_degree(dst3)
    dega, degb = deg[:_N], deg[_N:]

    p1h, dinv = _tc1(x, W1, dega, degb)
    s1 = _sc_aggregate(p1h, src3, dst3)
    p2h = _tc2(s1[:_N], s1[_N:], p1h, dinv, b1r, W2)
    s2 = _sc_aggregate(p2h, src3, dst3)
    mem, time = _tc3(s2[:_N], s2[_N:], p2h, dinv, b2r, batch2,
                     Wm, bmr, Wt, btr)
    return mem.reshape(_G), time.reshape(_G)

# --- scband reference (transcript-rebuilt; emitter-appended) ---
"""Pipeline reference for scband-gcn-17428977287424 (READ-ONLY COPY).

The authoritative reference and input builder live on the scoring server;
editing this copy changes nothing except your own understanding.
"""

import jax, jax.numpy as jnp
import numpy as np

N = 10000
E = 320000
D = 128
H = 128
G = 64
OUT = 1
NUM_LAYERS = 2


def setup_inputs(seed: int = 0) -> dict:
    key = jax.random.key(seed)
    ks = jax.random.split(key, 12)
    x = jax.random.normal(ks[0], (N, D), dtype=jnp.float32)
    edge_index = jax.random.randint(ks[1], (2, E), 0, N, dtype=jnp.int32)
    batch = jnp.sort(jax.random.randint(ks[2], (N,), 0, G, dtype=jnp.int32))
    W1 = jax.random.normal(ks[3], (D, H), dtype=jnp.float32) * 0.05
    b1 = jnp.zeros((H,), dtype=jnp.float32)
    W2 = jax.random.normal(ks[4], (H, H), dtype=jnp.float32) * 0.05
    b2 = jnp.zeros((H,), dtype=jnp.float32)
    Wm = jax.random.normal(ks[5], (H, OUT), dtype=jnp.float32) * 0.05
    bm = jnp.zeros((OUT,), dtype=jnp.float32)
    Wt = jax.random.normal(ks[6], (H, OUT), dtype=jnp.float32) * 0.05
    bt = jnp.zeros((OUT,), dtype=jnp.float32)
    return {"x": x, "edge_index": edge_index, "batch": batch,
            "W1": W1, "b1": b1, "W2": W2, "b2": b2,
            "Wm": Wm, "bm": bm, "Wt": Wt, "bt": bt}


def gcn_conv(x, src, dst, W, b):
    # PyG GCNConv: h = D^{-1/2} (A+I) D^{-1/2} (x W) + b
    n = x.shape[0]
    h = x @ W
    loops = jnp.arange(n, dtype=src.dtype)
    s = jnp.concatenate([src, loops])
    d = jnp.concatenate([dst, loops])
    deg = jax.ops.segment_sum(jnp.ones(s.shape, dtype=h.dtype), d, num_segments=n)
    dinv = jnp.where(deg > 0, jax.lax.rsqrt(jnp.maximum(deg, 1e-12)), 0.0)
    norm = dinv[s] * dinv[d]
    msg = h[s] * norm[:, None]
    out = jax.ops.segment_sum(msg, d, num_segments=n)
    return out + b


def reference(x, edge_index, batch, W1, b1, W2, b2, Wm, bm, Wt, bt):
    src = edge_index[0]
    dst = edge_index[1]
    h = jax.nn.relu(gcn_conv(x, src, dst, W1, b1))
    for _ in range(NUM_LAYERS - 1):
        h = jax.nn.relu(gcn_conv(h, src, dst, W2, b2))
    # global_mean_pool over batch ids
    sums = jax.ops.segment_sum(h, batch, num_segments=G)
    cnt = jax.ops.segment_sum(jnp.ones((h.shape[0],), dtype=h.dtype), batch, num_segments=G)
    mean = sums / jnp.maximum(cnt, 1.0)[:, None]
    mem_pred = (mean @ Wm + bm).squeeze()
    time_pred = (mean @ Wt + bt).squeeze()
    return (mem_pred, time_pred)

if __name__ == "__main__":
    import jax
    _d = setup_inputs()
    print(jax.jit(kernel)(*tuple(_d.values())))

</pallas_src>

<mosaic_0001>
#map = affine_map<(d0, d1) -> (0, 0)>
#map1 = affine_map<(d0, d1) -> (0)>
module attributes {stable_mosaic.version = 14 : i64} {
  func.func @k(%arg0: i32, %arg1: i32, %arg2: memref<10000x128xf32, #tpu.memory_space<hbm>>, %arg3: memref<320000xi32, #tpu.memory_space<hbm>>, %arg4: memref<320000xi32, #tpu.memory_space<hbm>>, %arg5: memref<20000x128xf32, #tpu.memory_space<hbm>>, %arg6: memref<2000xi32, #tpu.memory_space<vmem>>, %arg7: memref<2000xi32, #tpu.memory_space<vmem>>, %arg8: memref<80xi32, #tpu.memory_space<vmem>>, %arg9: memref<80xi32, #tpu.memory_space<vmem>>, %arg10: memref<80x128xf32, #tpu.memory_space<vmem>>, %arg11: memref<80x128xf32, #tpu.memory_space<vmem>>, %arg12: memref<10000x128xf32, #tpu.memory_space<vmem_shared>>, %arg13: memref<!tpu.dma_semaphore, #tpu.memory_space<semaphore_mem>>) attributes {dimension_semantics = [#tpu.dimension_semantics<core_parallel>, #tpu.dimension_semantics<subcore_parallel>], iteration_bounds = array<i64: 2, 16>, scalar_prefetch = 0 : i64, scratch_operands = 8 : i64, tpu.core_type = #tpu.core_type<sc_vector_subcore>, window_params = [{transform_indices = #map}, {transform_indices = #map1}, {transform_indices = #map1}, {transform_indices = #map}]} {
    %mul3A = arith.constant 16 : i32
    %mul3A_0 = arith.muli %arg0, %mul3A : i32
    %add3A = arith.addi %mul3A_0, %arg1 : i32
    %scan3A = arith.constant 0 : i32
    %scan3A_1 = arith.constant 0 : i32
    %scan3A_2 = arith.constant 80 : i32
    %scan3A_3 = arith.addi %scan3A_1, %scan3A_2 : i32
    %scan3A_4 = arith.constant 1 : i32
    %scan3A_5 = scf.for %scan3A_35 = %scan3A_1 to %scan3A_3 step %scan3A_4 iter_args(%scan3A_36 = %scan3A) -> (i32)  : i32 {
      %broadcast_in_dim3A = arith.constant 0.000000e+00 : f32
      %broadcast_in_dim3A_37 = vector.broadcast %broadcast_in_dim3A : f32 to vector<16xf32>
      %swap3A = arith.index_cast %scan3A_35 : i32 to index
      %swap3A_38 = arith.constant 0 : index
      %swap3A_39 = tpu.vector_load %arg11[%swap3A, %swap3A_38] {strides = array<i32>} : memref<80x128xf32, #tpu.memory_space<vmem>>, vector<1x16xf32>,
      %swap3A_40 = vector.shape_cast %swap3A_39 : vector<1x16xf32> to vector<16xf32>
      %swap3A_41 = vector.shape_cast %broadcast_in_dim3A_37 : vector<16xf32> to vector<1x16xf32>
      tpu.vector_store %arg11[%swap3A, %swap3A_38], %swap3A_41 {strides = array<i32>} : memref<80x128xf32, #tpu.memory_space<vmem>>, vector<1x16xf32>,
      %broadcast_in_dim3A_42 = arith.constant 0.000000e+00 : f32
      %broadcast_in_dim3A_43 = vector.broadcast %broadcast_in_dim3A_42 : f32 to vector<16xf32>
      %swap3A_44 = arith.index_cast %scan3A_35 : i32 to index
      %swap3A_45 = arith.constant 16 : index
      %swap3A_46 = tpu.vector_load %arg11[%swap3A_44, %swap3A_45] {strides = array<i32>} : memref<80x128xf32, #tpu.memory_space<vmem>>, vector<1x16xf32>,
      %swap3A_47 = vector.shape_cast %swap3A_46 : vector<1x16xf32> to vector<16xf32>
      %swap3A_48 = vector.shape_cast %broadcast_in_dim3A_43 : vector<16xf32> to vector<1x16xf32>
      tpu.vector_store %arg11[%swap3A_44, %swap3A_45], %swap3A_48 {strides = array<i32>} : memref<80x128xf32, #tpu.memory_space<vmem>>, vector<1x16xf32>,
      %broadcast_in_dim3A_49 = arith.constant 0.000000e+00 : f32
      %broadcast_in_dim3A_50 = vector.broadcast %broadcast_in_dim3A_49 : f32 to vector<16xf32>
      %swap3A_51 = arith.index_cast %scan3A_35 : i32 to index
      %swap3A_52 = arith.constant 32 : index
      %swap3A_53 = tpu.vector_load %arg11[%swap3A_51, %swap3A_52] {strides = array<i32>} : memref<80x128xf32, #tpu.memory_space<vmem>>, vector<1x16xf32>,
      %swap3A_54 = vector.shape_cast %swap3A_53 : vector<1x16xf32> to vector<16xf32>
      %swap3A_55 = vector.shape_cast %broadcast_in_dim3A_50 : vector<16xf32> to vector<1x16xf32>
      tpu.vector_store %arg11[%swap3A_51, %swap3A_52], %swap3A_55 {strides = array<i32>} : memref<80x128xf32, #tpu.memory_space<vmem>>, vector<1x16xf32>,
      %broadcast_in_dim3A_56 = arith.constant 0.000000e+00 : f32
      %broadcast_in_dim3A_57 = vector.broadcast %broadcast_in_dim3A_56 : f32 to vector<16xf32>
      %swap3A_58 = arith.index_cast %scan3A_35 : i32 to index
      %swap3A_59 = arith.constant 48 : index
      %swap3A_60 = tpu.vector_load %arg11[%swap3A_58, %swap3A_59] {strides = array<i32>} : memref<80x128xf32, #tpu.memory_space<vmem>>, vector<1x16xf32>,
      %swap3A_61 = vector.shape_cast %swap3A_60 : vector<1x16xf32> to vector<16xf32>
      %swap3A_62 = vector.shape_cast %broadcast_in_dim3A_57 : vector<16xf32> to vector<1x16xf32>
      tpu.vector_store %arg11[%swap3A_58, %swap3A_59], %swap3A_62 {strides = array<i32>} : memref<80x128xf32, #tpu.memory_space<vmem>>, vector<1x16xf32>,
      %broadcast_in_dim3A_63 = arith.constant 0.000000e+00 : f32
      %broadcast_in_dim3A_64 = vector.broadcast %broadcast_in_dim3A_63 : f32 to vector<16xf32>
      %swap3A_65 = arith.index_cast %scan3A_35 : i32 to index
      %swap3A_66 = arith.constant 64 : index
      %swap3A_67 = tpu.vector_load %arg11[%swap3A_65, %swap3A_66] {strides = array<i32>} : memref<80x128xf32, #tpu.memory_space<vmem>>, vector<1x16xf32>,
      %swap3A_68 = vector.shape_cast %swap3A_67 : vector<1x16xf32> to vector<16xf32>
      %swap3A_69 = vector.shape_cast %broadcast_in_dim3A_64 : vector<16xf32> to vector<1x16xf32>
      tpu.vector_store %arg11[%swap3A_65, %swap3A_66], %swap3A_69 {strides = array<i32>} : memref<80x128xf32, #tpu.memory_space<vmem>>, vector<1x16xf32>,
      %broadcast_in_dim3A_70 = arith.constant 0.000000e+00 : f32
      %broadcast_in_dim3A_71 = vector.broadcast %broadcast_in_dim3A_70 : f32 to vector<16xf32>
      %swap3A_72 = arith.index_cast %scan3A_35 : i32 to index
      %swap3A_73 = arith.constant 80 : index
      %swap3A_74 = tpu.vector_load %arg11[%swap3A_72, %swap3A_73] {strides = array<i32>} : memref<80x128xf32, #tpu.memory_space<vmem>>, vector<1x16xf32>,
      %swap3A_75 = vector.shape_cast %swap3A_74 : vector<1x16xf32> to vector<16xf32>
      %swap3A_76 = vector.shape_cast %broadcast_in_dim3A_71 : vector<16xf32> to vector<1x16xf32>
      tpu.vector_store %arg11[%swap3A_72, %swap3A_73], %swap3A_76 {strides = array<i32>} : memref<80x128xf32, #tpu.memory_space<vmem>>, vector<1x16xf32>,
      %broadcast_in_dim3A_77 = arith.constant 0.000000e+00 : f32
      %broadcast_in_dim3A_78 = vector.broadcast %broadcast_in_dim3A_77 : f32 to vector<16xf32>
      %swap3A_79 = arith.index_cast %scan3A_35 : i32 to index
      %swap3A_80 = arith.constant 96 : index
      %swap3A_81 = tpu.vector_load %arg11[%swap3A_79, %swap3A_80] {strides = array<i32>} : memref<80x128xf32, #tpu.memory_space<vmem>>, vector<1x16xf32>,
      %swap3A_82 = vector.shape_cast %swap3A_81 : vector<1x16xf32> to vector<16xf32>
      %swap3A_83 = vector.shape_cast %broadcast_in_dim3A_78 : vector<16xf32> to vector<1x16xf32>
      tpu.vector_store %arg11[%swap3A_79, %swap3A_80], %swap3A_83 {strides = array<i32>} : memref<80x128xf32, #tpu.memory_space<vmem>>, vector<1x16xf32>,
      %broadcast_in_dim3A_84 = arith.constant 0.000000e+00 : f32
      %broadcast_in_dim3A_85 = vector.broadcast %broadcast_in_dim3A_84 : f32 to vector<16xf32>
      %swap3A_86 = arith.index_cast %scan3A_35 : i32 to index
      %swap3A_87 = arith.constant 112 : index
      %swap3A_88 = tpu.vector_load %arg11[%swap3A_86, %swap3A_87] {strides = array<i32>} : memref<80x128xf32, #tpu.memory_space<vmem>>, vector<1x16xf32>,
      %swap3A_89 = vector.shape_cast %swap3A_88 : vector<1x16xf32> to vector<16xf32>
      %swap3A_90 = vector.shape_cast %broadcast_in_dim3A_85 : vector<16xf32> to vector<1x16xf32>
      tpu.vector_store %arg11[%swap3A_86, %swap3A_87], %swap3A_90 {strides = array<i32>} : memref<80x128xf32, #tpu.memory_space<vmem>>, vector<1x16xf32>,
      %scan3A_91 = arith.constant 0 : i32
      scf.yield %scan3A_91 : i32
    }
    %scan3A_6 = arith.constant 80 : i32
    %lt3A = arith.constant 15 : i32
    %lt3A_7 = arith.cmpi slt, %arg1, %lt3A : i32
    %convert_element_type3A = arith.extui %lt3A_7 : i1 to i32
    %cond3A = arith.constant 0 : i32
    %cond3A_8 = arith.cmpi ne, %convert_element_type3A, %cond3A : i32
    scf.if %cond3A_8 {
      %scan3A_35 = arith.constant 0 : i32
      %scan3A_36 = arith.constant 0 : i32
      %scan3A_37 = arith.constant 8 : i32
      %scan3A_38 = arith.addi %scan3A_36, %scan3A_37 : i32
      %scan3A_39 = arith.constant 1 : i32
      %scan3A_40 = scf.for %scan3A_42 = %scan3A_36 to %scan3A_38 step %scan3A_39 iter_args(%scan3A_43 = %scan3A_35) -> (i32)  : i32 {
        %mul3A_44 = arith.constant 640 : i32
        %mul3A_45 = arith.muli %arg1, %mul3A_44 : i32
        %mul3A_46 = arith.constant 80 : i32
        %mul3A_47 = arith.muli %scan3A_42, %mul3A_46 : i32
        %add3A_48 = arith.addi %mul3A_45, %mul3A_47 : i32
        %iota3A = tpu.iota {dimensions = array<i32: 0>} : vector<16xi32>
        %add3A_49 = vector.broadcast %add3A_48 : i32 to vector<16xi32>
        %add3A_50 = arith.addi %iota3A, %add3A_49 : vector<16xi32>
        %add3A_51 = arith.constant 0 : i32
        %add3A_52 = vector.broadcast %add3A_51 : i32 to vector<16xi32>
        %add3A_53 = arith.addi %add3A_50, %add3A_52 : vector<16xi32>
        %swap3A = arith.constant 0 : index
        %swap3A_54 = tpu.vector_load %arg9[%swap3A] {strides = array<i32>} : memref<80xi32, #tpu.memory_space<vmem>>, vector<16xi32>,
        %swap3A_55 = vector.shape_cast %swap3A_54 : vector<16xi32> to vector<16xi32>
        %swap3A_56 = vector.shape_cast %add3A_53 : vector<16xi32> to vector<16xi32>
        tpu.vector_store %arg9[%swap3A], %swap3A_56 {strides = array<i32>} : memref<80xi32, #tpu.memory_space<vmem>>, vector<16xi32>,
        %iota3A_57 = tpu.iota {dimensions = array<i32: 0>} : vector<16xi32>
        %add3A_58 = vector.broadcast %add3A_48 : i32 to vector<16xi32>
        %add3A_59 = arith.addi %iota3A_57, %add3A_58 : vector<16xi32>
        %add3A_60 = arith.constant 16 : i32
        %add3A_61 = vector.broadcast %add3A_60 : i32 to vector<16xi32>
        %add3A_62 = arith.addi %add3A_59, %add3A_61 : vector<16xi32>
        %swap3A_63 = arith.constant 16 : index
        %swap3A_64 = tpu.vector_load %arg9[%swap3A_63] {strides = array<i32>} : memref<80xi32, #tpu.memory_space<vmem>>, vector<16xi32>,
        %swap3A_65 = vector.shape_cast %swap3A_64 : vector<16xi32> to vector<16xi32>
        %swap3A_66 = vector.shape_cast %add3A_62 : vector<16xi32> to vector<16xi32>
        tpu.vector_store %arg9[%swap3A_63], %swap3A_66 {strides = array<i32>} : memref<80xi32, #tpu.memory_space<vmem>>, vector<16xi32>,
        %iota3A_67 = tpu.iota {dimensions = array<i32: 0>} : vector<16xi32>
        %add3A_68 = vector.broadcast %add3A_48 : i32 to vector<16xi32>
        %add3A_69 = arith.addi %iota3A_67, %add3A_68 : vector<16xi32>
        %add3A_70 = arith.constant 32 : i32
        %add3A_71 = vector.broadcast %add3A_70 : i32 to vector<16xi32>
        %add3A_72 = arith.addi %add3A_69, %add3A_71 : vector<16xi32>
        %swap3A_73 = arith.constant 32 : index
        %swap3A_74 = tpu.vector_load %arg9[%swap3A_73] {strides = array<i32>} : memref<80xi32, #tpu.memory_space<vmem>>, vector<16xi32>,
        %swap3A_75 = vector.shape_cast %swap3A_74 : vector<16xi32> to vector<16xi32>
        %swap3A_76 = vector.shape_cast %add3A_72 : vector<16xi32> to vector<16xi32>
        tpu.vector_store %arg9[%swap3A_73], %swap3A_76 {strides = array<i32>} : memref<80xi32, #tpu.memory_space<vmem>>, vector<16xi32>,
        %iota3A_77 = tpu.iota {dimensions = array<i32: 0>} : vector<16xi32>
        %add3A_78 = vector.broadcast %add3A_48 : i32 to vector<16xi32>
        %add3A_79 = arith.addi %iota3A_77, %add3A_78 : vector<16xi32>
        %add3A_80 = arith.constant 48 : i32
        %add3A_81 = vector.broadcast %add3A_80 : i32 to vector<16xi32>
        %add3A_82 = arith.addi %add3A_79, %add3A_81 : vector<16xi32>
        %swap3A_83 = arith.constant 48 : index
        %swap3A_84 = tpu.vector_load %arg9[%swap3A_83] {strides = array<i32>} : memref<80xi32, #tpu.memory_space<vmem>>, vector<16xi32>,
        %swap3A_85 = vector.shape_cast %swap3A_84 : vector<16xi32> to vector<16xi32>
        %swap3A_86 = vector.shape_cast %add3A_82 : vector<16xi32> to vector<16xi32>
        tpu.vector_store %arg9[%swap3A_83], %swap3A_86 {strides = array<i32>} : memref<80xi32, #tpu.memory_space<vmem>>, vector<16xi32>,
        %iota3A_87 = tpu.iota {dimensions = array<i32: 0>} : vector<16xi32>
        %add3A_88 = vector.broadcast %add3A_48 : i32 to vector<16xi32>
        %add3A_89 = arith.addi %iota3A_87, %add3A_88 : vector<16xi32>
        %add3A_90 = arith.constant 64 : i32
        %add3A_91 = vector.broadcast %add3A_90 : i32 to vector<16xi32>
        %add3A_92 = arith.addi %add3A_89, %add3A_91 : vector<16xi32>
        %swap3A_93 = arith.constant 64 : index
        %swap3A_94 = tpu.vector_load %arg9[%swap3A_93] {strides = array<i32>} : memref<80xi32, #tpu.memory_space<vmem>>, vector<16xi32>,
        %swap3A_95 = vector.shape_cast %swap3A_94 : vector<16xi32> to vector<16xi32>
        %swap3A_96 = vector.shape_cast %add3A_92 : vector<16xi32> to vector<16xi32>
        tpu.vector_store %arg9[%swap3A_93], %swap3A_96 {strides = array<i32>} : memref<80xi32, #tpu.memory_space<vmem>>, vector<16xi32>,
        "tpu.region"() ({
          %run_scoped3A = tpu.sem_alloc : memref<!tpu.dma_semaphore, #tpu.memory_space<semaphore_mem>>
          %dma_start3A = arith.constant 0 : i32
          %dma_start3A_98 = arith.constant 0 : i32
          %dma_start3A_99 = tpu.memref_slice %arg12[%dma_start3A, %dma_start3A_98] : memref<10000x128xf32, #tpu.memory_space<vmem_shared>> -> memref<10000x128xf32, #tpu.memory_space<vmem_shared>>
          tpu.enqueue_indirect_dma source(%arg11 : memref<80x128xf32, #tpu.memory_space<vmem>>) target(%dma_start3A_99 : memref<10000x128xf32, #tpu.memory_space<vmem_shared>>) offsets(%arg9 : memref<80xi32, #tpu.memory_space<vmem>>) semaphore(%run_scoped3A : memref<!tpu.dma_semaphore, #tpu.memory_space<semaphore_mem>>)
          %dma_wait3A = arith.constant 0 : i32
          %dma_wait3A_100 = arith.constant 0 : i32
          %dma_wait3A_101 = tpu.memref_slice %arg12[%dma_wait3A, %dma_wait3A_100] : memref<10000x128xf32, #tpu.memory_space<vmem_shared>> -> memref<10000x128xf32, #tpu.memory_space<vmem_shared>>
          tpu.wait_indirect_dma semaphore(%run_scoped3A : memref<!tpu.dma_semaphore, #tpu.memory_space<semaphore_mem>>) src(%arg11 : memref<80x128xf32, #tpu.memory_space<vmem>>) dst(%dma_wait3A_101 : memref<10000x128xf32, #tpu.memory_space<vmem_shared>>)
          tpu.yield
        }) : () -> ()
        %scan3A_97 = arith.constant 0 : i32
        scf.yield %scan3A_97 : i32
      }
      %scan3A_41 = arith.constant 8 : i32
    } else {
    }
    %eq3A = arith.constant 15 : i32
    %eq3A_9 = arith.cmpi eq, %arg1, %eq3A : i32
    %convert_element_type3A_10 = arith.extui %eq3A_9 : i1 to i32
    %cond3A_11 = arith.constant 0 : i32
    %cond3A_12 = arith.cmpi ne, %convert_element_type3A_10, %cond3A_11 : i32
    scf.if %cond3A_12 {
      %scan3A_35 = arith.constant 0 : i32
      %scan3A_36 = arith.constant 0 : i32
      %scan3A_37 = arith.constant 5 : i32
      %scan3A_38 = arith.addi %scan3A_36, %scan3A_37 : i32
      %scan3A_39 = arith.constant 1 : i32
      %scan3A_40 = scf.for %scan3A_42 = %scan3A_36 to %scan3A_38 step %scan3A_39 iter_args(%scan3A_43 = %scan3A_35) -> (i32)  : i32 {
        %mul3A_44 = arith.constant 640 : i32
        %mul3A_45 = arith.muli %arg1, %mul3A_44 : i32
        %mul3A_46 = arith.constant 80 : i32
        %mul3A_47 = arith.muli %scan3A_42, %mul3A_46 : i32
        %add3A_48 = arith.addi %mul3A_45, %mul3A_47 : i32
        %iota3A = tpu.iota {dimensions = array<i32: 0>} : vector<16xi32>
        %add3A_49 = vector.broadcast %add3A_48 : i32 to vector<16xi32>
        %add3A_50 = arith.addi %iota3A, %add3A_49 : vector<16xi32>
        %add3A_51 = arith.constant 0 : i32
        %add3A_52 = vector.broadcast %add3A_51 : i32 to vector<16xi32>
        %add3A_53 = arith.addi %add3A_50, %add3A_52 : vector<16xi32>
        %swap3A = arith.constant 0 : index
        %swap3A_54 = tpu.vector_load %arg9[%swap3A] {strides = array<i32>} : memref<80xi32, #tpu.memory_space<vmem>>, vector<16xi32>,
        %swap3A_55 = vector.shape_cast %swap3A_54 : vector<16xi32> to vector<16xi32>
        %swap3A_56 = vector.shape_cast %add3A_53 : vector<16xi32> to vector<16xi32>
        tpu.vector_store %arg9[%swap3A], %swap3A_56 {strides = array<i32>} : memref<80xi32, #tpu.memory_space<vmem>>, vector<16xi32>,
        %iota3A_57 = tpu.iota {dimensions = array<i32: 0>} : vector<16xi32>
        %add3A_58 = vector.broadcast %add3A_48 : i32 to vector<16xi32>
        %add3A_59 = arith.addi %iota3A_57, %add3A_58 : vector<16xi32>
        %add3A_60 = arith.constant 16 : i32
        %add3A_61 = vector.broadcast %add3A_60 : i32 to vector<16xi32>
        %add3A_62 = arith.addi %add3A_59, %add3A_61 : vector<16xi32>
        %swap3A_63 = arith.constant 16 : index
        %swap3A_64 = tpu.vector_load %arg9[%swap3A_63] {strides = array<i32>} : memref<80xi32, #tpu.memory_space<vmem>>, vector<16xi32>,
        %swap3A_65 = vector.shape_cast %swap3A_64 : vector<16xi32> to vector<16xi32>
        %swap3A_66 = vector.shape_cast %add3A_62 : vector<16xi32> to vector<16xi32>
        tpu.vector_store %arg9[%swap3A_63], %swap3A_66 {strides = array<i32>} : memref<80xi32, #tpu.memory_space<vmem>>, vector<16xi32>,
        %iota3A_67 = tpu.iota {dimensions = array<i32: 0>} : vector<16xi32>
        %add3A_68 = vector.broadcast %add3A_48 : i32 to vector<16xi32>
        %add3A_69 = arith.addi %iota3A_67, %add3A_68 : vector<16xi32>
        %add3A_70 = arith.constant 32 : i32
        %add3A_71 = vector.broadcast %add3A_70 : i32 to vector<16xi32>
        %add3A_72 = arith.addi %add3A_69, %add3A_71 : vector<16xi32>
        %swap3A_73 = arith.constant 32 : index
        %swap3A_74 = tpu.vector_load %arg9[%swap3A_73] {strides = array<i32>} : memref<80xi32, #tpu.memory_space<vmem>>, vector<16xi32>,
        %swap3A_75 = vector.shape_cast %swap3A_74 : vector<16xi32> to vector<16xi32>
        %swap3A_76 = vector.shape_cast %add3A_72 : vector<16xi32> to vector<16xi32>
        tpu.vector_store %arg9[%swap3A_73], %swap3A_76 {strides = array<i32>} : memref<80xi32, #tpu.memory_space<vmem>>, vector<16xi32>,
        %iota3A_77 = tpu.iota {dimensions = array<i32: 0>} : vector<16xi32>
        %add3A_78 = vector.broadcast %add3A_48 : i32 to vector<16xi32>
        %add3A_79 = arith.addi %iota3A_77, %add3A_78 : vector<16xi32>
        %add3A_80 = arith.constant 48 : i32
        %add3A_81 = vector.broadcast %add3A_80 : i32 to vector<16xi32>
        %add3A_82 = arith.addi %add3A_79, %add3A_81 : vector<16xi32>
        %swap3A_83 = arith.constant 48 : index
        %swap3A_84 = tpu.vector_load %arg9[%swap3A_83] {strides = array<i32>} : memref<80xi32, #tpu.memory_space<vmem>>, vector<16xi32>,
        %swap3A_85 = vector.shape_cast %swap3A_84 : vector<16xi32> to vector<16xi32>
        %swap3A_86 = vector.shape_cast %add3A_82 : vector<16xi32> to vector<16xi32>
        tpu.vector_store %arg9[%swap3A_83], %swap3A_86 {strides = array<i32>} : memref<80xi32, #tpu.memory_space<vmem>>, vector<16xi32>,
        %iota3A_87 = tpu.iota {dimensions = array<i32: 0>} : vector<16xi32>
        %add3A_88 = vector.broadcast %add3A_48 : i32 to vector<16xi32>
        %add3A_89 = arith.addi %iota3A_87, %add3A_88 : vector<16xi32>
        %add3A_90 = arith.constant 64 : i32
        %add3A_91 = vector.broadcast %add3A_90 : i32 to vector<16xi32>
        %add3A_92 = arith.addi %add3A_89, %add3A_91 : vector<16xi32>
        %swap3A_93 = arith.constant 64 : index
        %swap3A_94 = tpu.vector_load %arg9[%swap3A_93] {strides = array<i32>} : memref<80xi32, #tpu.memory_space<vmem>>, vector<16xi32>,
        %swap3A_95 = vector.shape_cast %swap3A_94 : vector<16xi32> to vector<16xi32>
        %swap3A_96 = vector.shape_cast %add3A_92 : vector<16xi32> to vector<16xi32>
        tpu.vector_store %arg9[%swap3A_93], %swap3A_96 {strides = array<i32>} : memref<80xi32, #tpu.memory_space<vmem>>, vector<16xi32>,
        "tpu.region"() ({
          %run_scoped3A = tpu.sem_alloc : memref<!tpu.dma_semaphore, #tpu.memory_space<semaphore_mem>>
          %dma_start3A = arith.constant 0 : i32
          %dma_start3A_98 = arith.constant 0 : i32
          %dma_start3A_99 = tpu.memref_slice %arg12[%dma_start3A, %dma_start3A_98] : memref<10000x128xf32, #tpu.memory_space<vmem_shared>> -> memref<10000x128xf32, #tpu.memory_space<vmem_shared>>
          tpu.enqueue_indirect_dma source(%arg11 : memref<80x128xf32, #tpu.memory_space<vmem>>) target(%dma_start3A_99 : memref<10000x128xf32, #tpu.memory_space<vmem_shared>>) offsets(%arg9 : memref<80xi32, #tpu.memory_space<vmem>>) semaphore(%run_scoped3A : memref<!tpu.dma_semaphore, #tpu.memory_space<semaphore_mem>>)
          %dma_wait3A = arith.constant 0 : i32
          %dma_wait3A_100 = arith.constant 0 : i32
          %dma_wait3A_101 = tpu.memref_slice %arg12[%dma_wait3A, %dma_wait3A_100] : memref<10000x128xf32, #tpu.memory_space<vmem_shared>> -> memref<10000x128xf32, #tpu.memory_space<vmem_shared>>
          tpu.wait_indirect_dma semaphore(%run_scoped3A : memref<!tpu.dma_semaphore, #tpu.memory_space<semaphore_mem>>) src(%arg11 : memref<80x128xf32, #tpu.memory_space<vmem>>) dst(%dma_wait3A_101 : memref<10000x128xf32, #tpu.memory_space<vmem_shared>>)
          tpu.yield
        }) : () -> ()
        %scan3A_97 = arith.constant 0 : i32
        scf.yield %scan3A_97 : i32
      }
      %scan3A_41 = arith.constant 5 : i32
    } else {
    }
    "tpu.region"() ({
      %run_scoped3A = tpu.sem_alloc : memref<!tpu.dma_semaphore, #tpu.memory_space<semaphore_mem>>
      %dma_start3A = arith.constant 0 : i32
      %dma_start3A_35 = arith.constant 0 : i32
      %dma_start3A_36 = tpu.memref_slice %arg12[%dma_start3A, %dma_start3A_35] : memref<10000x128xf32, #tpu.memory_space<vmem_shared>> -> memref<10000x128xf32, #tpu.memory_space<vmem_shared>>
      tpu.enqueue_indirect_dma source(%dma_start3A_36 : memref<10000x128xf32, #tpu.memory_space<vmem_shared>>) target(%arg11 : memref<80x128xf32, #tpu.memory_space<vmem>>) offsets(%arg9 : memref<80xi32, #tpu.memory_space<vmem>>) semaphore(%run_scoped3A : memref<!tpu.dma_semaphore, #tpu.memory_space<semaphore_mem>>)
      %dma_wait3A = arith.constant 0 : i32
      %dma_wait3A_37 = arith.constant 0 : i32
      %dma_wait3A_38 = tpu.memref_slice %arg12[%dma_wait3A, %dma_wait3A_37] : memref<10000x128xf32, #tpu.memory_space<vmem_shared>> -> memref<10000x128xf32, #tpu.memory_space<vmem_shared>>
      tpu.wait_indirect_dma semaphore(%run_scoped3A : memref<!tpu.dma_semaphore, #tpu.memory_space<semaphore_mem>>) src(%dma_wait3A_38 : memref<10000x128xf32, #tpu.memory_space<vmem_shared>>) dst(%arg11 : memref<80x128xf32, #tpu.memory_space<vmem>>)
      tpu.yield
    }) : () -> ()
    %barrier3A = arith.constant 0 : index
    tpu.barrier barrier_id(%barrier3A)
    %scan3A_13 = arith.constant 0 : i32
    %scan3A_14 = arith.constant 0 : i32
    %scan3A_15 = arith.constant 5 : i32
    %scan3A_16 = arith.addi %scan3A_14, %scan3A_15 : i32
    %scan3A_17 = arith.constant 1 : i32
    %scan3A_18 = scf.for %scan3A_35 = %scan3A_14 to %scan3A_16 step %scan3A_17 iter_args(%scan3A_36 = %scan3A_13) -> (i32)  : i32 {
      %mul3A_37 = arith.constant 5 : i32
      %mul3A_38 = arith.muli %add3A, %mul3A_37 : i32
      %add3A_39 = arith.addi %mul3A_38, %scan3A_35 : i32
      %mul3A_40 = arith.constant 25 : i32
      %mul3A_41 = arith.muli %add3A_39, %mul3A_40 : i32
      %mul3A_42 = arith.constant 80 : i32
      %mul3A_43 = arith.muli %mul3A_41, %mul3A_42 : i32
      "tpu.region"() ({
        %run_scoped3A = tpu.sem_alloc : memref<!tpu.dma_semaphore, #tpu.memory_space<semaphore_mem>>
        %dma_start3A = tpu.memref_slice %arg3[%mul3A_43] : memref<320000xi32, #tpu.memory_space<hbm>> -> memref<2000xi32, #tpu.memory_space<hbm>>
        %dma_start3A_52 = tpu.memref_slice %arg3[%mul3A_43] : memref<320000xi32, #tpu.memory_space<hbm>> -> memref<2000xi32, #tpu.memory_space<hbm>>
        tpu.enqueue_dma source(%dma_start3A_52 : memref<2000xi32, #tpu.memory_space<hbm>>) target(%arg6 : memref<2000xi32, #tpu.memory_space<vmem>>) target_semaphore(%run_scoped3A : memref<!tpu.dma_semaphore, #tpu.memory_space<semaphore_mem>>)
        %dma_wait3A = tpu.memref_slice %arg3[%mul3A_43] : memref<320000xi32, #tpu.memory_space<hbm>> -> memref<2000xi32, #tpu.memory_space<hbm>>
        %dma_wait3A_53 = tpu.memref_slice %arg3[%mul3A_43] : memref<320000xi32, #tpu.memory_space<hbm>> -> memref<2000xi32, #tpu.memory_space<hbm>>
        tpu.wait_dma2 semaphore(%run_scoped3A : memref<!tpu.dma_semaphore, #tpu.memory_space<semaphore_mem>>) src(%dma_wait3A_53 : memref<2000xi32, #tpu.memory_space<hbm>>) dst(%arg6 : memref<2000xi32, #tpu.memory_space<vmem>>)
        tpu.yield
      }) : () -> ()
      "tpu.region"() ({
        %run_scoped3A = tpu.sem_alloc : memref<!tpu.dma_semaphore, #tpu.memory_space<semaphore_mem>>
        %dma_start3A = tpu.memref_slice %arg4[%mul3A_43] : memref<320000xi32, #tpu.memory_space<hbm>> -> memref<2000xi32, #tpu.memory_space<hbm>>
        %dma_start3A_52 = tpu.memref_slice %arg4[%mul3A_43] : memref<320000xi32, #tpu.memory_space<hbm>> -> memref<2000xi32, #tpu.memory_space<hbm>>
        tpu.enqueue_dma source(%dma_start3A_52 : memref<2000xi32, #tpu.memory_space<hbm>>) target(%arg7 : memref<2000xi32, #tpu.memory_space<vmem>>) target_semaphore(%run_scoped3A : memref<!tpu.dma_semaphore, #tpu.memory_space<semaphore_mem>>)
        %dma_wait3A = tpu.memref_slice %arg4[%mul3A_43] : memref<320000xi32, #tpu.memory_space<hbm>> -> memref<2000xi32, #tpu.memory_space<hbm>>
        %dma_wait3A_53 = tpu.memref_slice %arg4[%mul3A_43] : memref<320000xi32, #tpu.memory_space<hbm>> -> memref<2000xi32, #tpu.memory_space<hbm>>
        tpu.wait_dma2 semaphore(%run_scoped3A : memref<!tpu.dma_semaphore, #tpu.memory_space<semaphore_mem>>) src(%dma_wait3A_53 : memref<2000xi32, #tpu.memory_space<hbm>>) dst(%arg7 : memref<2000xi32, #tpu.memory_space<vmem>>)
        tpu.yield
      }) : () -> ()
      %scan3A_44 = arith.constant 0 : i32
      %scan3A_45 = arith.constant 0 : i32
      %scan3A_46 = arith.constant 25 : i32
      %scan3A_47 = arith.addi %scan3A_45, %scan3A_46 : i32
      %scan3A_48 = arith.constant 1 : i32
      %scan3A_49 = scf.for %scan3A_52 = %scan3A_45 to %scan3A_47 step %scan3A_48 iter_args(%scan3A_53 = %scan3A_44) -> (i32)  : i32 {
        %mul3A_54 = arith.constant 80 : i32
        %mul3A_55 = arith.muli %scan3A_52, %mul3A_54 : i32
        %add3A_56 = arith.constant 0 : i32
        %add3A_57 = arith.addi %mul3A_55, %add3A_56 : i32
        %get3A = arith.index_cast %add3A_57 : i32 to index
        %get3A_58 = tpu.vector_load %arg6[%get3A] {strides = array<i32>} : memref<2000xi32, #tpu.memory_space<vmem>>, vector<16xi32>,
        %get3A_59 = vector.shape_cast %get3A_58 : vector<16xi32> to vector<16xi32>
        %swap3A = arith.constant 0 : index
        %swap3A_60 = tpu.vector_load %arg8[%swap3A] {strides = array<i32>} : memref<80xi32, #tpu.memory_space<vmem>>, vector<16xi32>,
        %swap3A_61 = vector.shape_cast %swap3A_60 : vector<16xi32> to vector<16xi32>
        %swap3A_62 = vector.shape_cast %get3A_59 : vector<16xi32> to vector<16xi32>
        tpu.vector_store %arg8[%swap3A], %swap3A_62 {strides = array<i32>} : memref<80xi32, #tpu.memory_space<vmem>>, vector<16xi32>,
        %mul3A_63 = arith.constant 80 : i32
        %mul3A_64 = arith.muli %scan3A_52, %mul3A_63 : i32
        %add3A_65 = arith.constant 0 : i32
        %add3A_66 = arith.addi %mul3A_64, %add3A_65 : i32
        %get3A_67 = arith.index_cast %add3A_66 : i32 to index
        %get3A_68 = tpu.vector_load %arg7[%get3A_67] {strides = array<i32>} : memref<2000xi32, #tpu.memory_space<vmem>>, vector<16xi32>,
        %get3A_69 = vector.shape_cast %get3A_68 : vector<16xi32> to vector<16xi32>
        %swap3A_70 = arith.constant 0 : index
        %swap3A_71 = tpu.vector_load %arg9[%swap3A_70] {strides = array<i32>} : memref<80xi32, #tpu.memory_space<vmem>>, vector<16xi32>,
        %swap3A_72 = vector.shape_cast %swap3A_71 : vector<16xi32> to vector<16xi32>
        %swap3A_73 = vector.shape_cast %get3A_69 : vector<16xi32> to vector<16xi32>
        tpu.vector_store %arg9[%swap3A_70], %swap3A_73 {strides = array<i32>} : memref<80xi32, #tpu.memory_space<vmem>>, vector<16xi32>,
        %mul3A_74 = arith.constant 80 : i32
        %mul3A_75 = arith.muli %scan3A_52, %mul3A_74 : i32
        %add3A_76 = arith.constant 16 : i32
        %add3A_77 = arith.addi %mul3A_75, %add3A_76 : i32
        %get3A_78 = arith.index_cast %add3A_77 : i32 to index
        %get3A_79 = tpu.vector_load %arg6[%get3A_78] {strides = array<i32>} : memref<2000xi32, #tpu.memory_space<vmem>>, vector<16xi32>,
        %get3A_80 = vector.shape_cast %get3A_79 : vector<16xi32> to vector<16xi32>
        %swap3A_81 = arith.constant 16 : index
        %swap3A_82 = tpu.vector_load %arg8[%swap3A_81] {strides = array<i32>} : memref<80xi32, #tpu.memory_space<vmem>>, vector<16xi32>,
        %swap3A_83 = vector.shape_cast %swap3A_82 : vector<16xi32> to vector<16xi32>
        %swap3A_84 = vector.shape_cast %get3A_80 : vector<16xi32> to vector<16xi32>
        tpu.vector_store %arg8[%swap3A_81], %swap3A_84 {strides = array<i32>} : memref<80xi32, #tpu.memory_space<vmem>>, vector<16xi32>,
        %mul3A_85 = arith.constant 80 : i32
        %mul3A_86 = arith.muli %scan3A_52, %mul3A_85 : i32
        %add3A_87 = arith.constant 16 : i32
        %add3A_88 = arith.addi %mul3A_86, %add3A_87 : i32
        %get3A_89 = arith.index_cast %add3A_88 : i32 to index
        %get3A_90 = tpu.vector_load %arg7[%get3A_89] {strides = array<i32>} : memref<2000xi32, #tpu.memory_space<vmem>>, vector<16xi32>,
        %get3A_91 = vector.shape_cast %get3A_90 : vector<16xi32> to vector<16xi32>
        %swap3A_92 = arith.constant 16 : index
        %swap3A_93 = tpu.vector_load %arg9[%swap3A_92] {strides = array<i32>} : memref<80xi32, #tpu.memory_space<vmem>>, vector<16xi32>,
        %swap3A_94 = vector.shape_cast %swap3A_93 : vector<16xi32> to vector<16xi32>
        %swap3A_95 = vector.shape_cast %get3A_91 : vector<16xi32> to vector<16xi32>
        tpu.vector_store %arg9[%swap3A_92], %swap3A_95 {strides = array<i32>} : memref<80xi32, #tpu.memory_space<vmem>>, vector<16xi32>,
        %mul3A_96 = arith.constant 80 : i32
        %mul3A_97 = arith.muli %scan3A_52, %mul3A_96 : i32
        %add3A_98 = arith.constant 32 : i32
        %add3A_99 = arith.addi %mul3A_97, %add3A_98 : i32
        %get3A_100 = arith.index_cast %add3A_99 : i32 to index
        %get3A_101 = tpu.vector_load %arg6[%get3A_100] {strides = array<i32>} : memref<2000xi32, #tpu.memory_space<vmem>>, vector<16xi32>,
        %get3A_102 = vector.shape_cast %get3A_101 : vector<16xi32> to vector<16xi32>
        %swap3A_103 = arith.constant 32 : index
        %swap3A_104 = tpu.vector_load %arg8[%swap3A_103] {strides = array<i32>} : memref<80xi32, #tpu.memory_space<vmem>>, vector<16xi32>,
        %swap3A_105 = vector.shape_cast %swap3A_104 : vector<16xi32> to vector<16xi32>
        %swap3A_106 = vector.shape_cast %get3A_102 : vector<16xi32> to vector<16xi32>
        tpu.vector_store %arg8[%swap3A_103], %swap3A_106 {strides = array<i32>} : memref<80xi32, #tpu.memory_space<vmem>>, vector<16xi32>,
        %mul3A_107 = arith.constant 80 : i32
        %mul3A_108 = arith.muli %scan3A_52, %mul3A_107 : i32
        %add3A_109 = arith.constant 32 : i32
        %add3A_110 = arith.addi %mul3A_108, %add3A_109 : i32
        %get3A_111 = arith.index_cast %add3A_110 : i32 to index
        %get3A_112 = tpu.vector_load %arg7[%get3A_111] {strides = array<i32>} : memref<2000xi32, #tpu.memory_space<vmem>>, vector<16xi32>,
        %get3A_113 = vector.shape_cast %get3A_112 : vector<16xi32> to vector<16xi32>
        %swap3A_114 = arith.constant 32 : index
        %swap3A_115 = tpu.vector_load %arg9[%swap3A_114] {strides = array<i32>} : memref<80xi32, #tpu.memory_space<vmem>>, vector<16xi32>,
        %swap3A_116 = vector.shape_cast %swap3A_115 : vector<16xi32> to vector<16xi32>
        %swap3A_117 = vector.shape_cast %get3A_113 : vector<16xi32> to vector<16xi32>
        tpu.vector_store %arg9[%swap3A_114], %swap3A_117 {strides = array<i32>} : memref<80xi32, #tpu.memory_space<vmem>>, vector<16xi32>,
        %mul3A_118 = arith.constant 80 : i32
        %mul3A_119 = arith.muli %scan3A_52, %mul3A_118 : i32
        %add3A_120 = arith.constant 48 : i32
        %add3A_121 = arith.addi %mul3A_119, %add3A_120 : i32
        %get3A_122 = arith.index_cast %add3A_121 : i32 to index
        %get3A_123 = tpu.vector_load %arg6[%get3A_122] {strides = array<i32>} : memref<2000xi32, #tpu.memory_space<vmem>>, vector<16xi32>,
        %get3A_124 = vector.shape_cast %get3A_123 : vector<16xi32> to vector<16xi32>
        %swap3A_125 = arith.constant 48 : index
        %swap3A_126 = tpu.vector_load %arg8[%swap3A_125] {strides = array<i32>} : memref<80xi32, #tpu.memory_space<vmem>>, vector<16xi32>,
        %swap3A_127 = vector.shape_cast %swap3A_126 : vector<16xi32> to vector<16xi32>
        %swap3A_128 = vector.shape_cast %get3A_124 : vector<16xi32> to vector<16xi32>
        tpu.vector_store %arg8[%swap3A_125], %swap3A_128 {strides = array<i32>} : memref<80xi32, #tpu.memory_space<vmem>>, vector<16xi32>,
        %mul3A_129 = arith.constant 80 : i32
        %mul3A_130 = arith.muli %scan3A_52, %mul3A_129 : i32
        %add3A_131 = arith.constant 48 : i32
        %add3A_132 = arith.addi %mul3A_130, %add3A_131 : i32
        %get3A_133 = arith.index_cast %add3A_132 : i32 to index
        %get3A_134 = tpu.vector_load %arg7[%get3A_133] {strides = array<i32>} : memref<2000xi32, #tpu.memory_space<vmem>>, vector<16xi32>,
        %get3A_135 = vector.shape_cast %get3A_134 : vector<16xi32> to vector<16xi32>
        %swap3A_136 = arith.constant 48 : index
        %swap3A_137 = tpu.vector_load %arg9[%swap3A_136] {strides = array<i32>} : memref<80xi32, #tpu.memory_space<vmem>>, vector<16xi32>,
        %swap3A_138 = vector.shape_cast %swap3A_137 : vector<16xi32> to vector<16xi32>
        %swap3A_139 = vector.shape_cast %get3A_135 : vector<16xi32> to vector<16xi32>
        tpu.vector_store %arg9[%swap3A_136], %swap3A_139 {strides = array<i32>} : memref<80xi32, #tpu.memory_space<vmem>>, vector<16xi32>,
        %mul3A_140 = arith.constant 80 : i32
        %mul3A_141 = arith.muli %scan3A_52, %mul3A_140 : i32
        %add3A_142 = arith.constant 64 : i32
        %add3A_143 = arith.addi %mul3A_141, %add3A_142 : i32
        %get3A_144 = arith.index_cast %add3A_143 : i32 to index
        %get3A_145 = tpu.vector_load %arg6[%get3A_144] {strides = array<i32>} : memref<2000xi32, #tpu.memory_space<vmem>>, vector<16xi32>,
        %get3A_146 = vector.shape_cast %get3A_145 : vector<16xi32> to vector<16xi32>
        %swap3A_147 = arith.constant 64 : index
        %swap3A_148 = tpu.vector_load %arg8[%swap3A_147] {strides = array<i32>} : memref<80xi32, #tpu.memory_space<vmem>>, vector<16xi32>,
        %swap3A_149 = vector.shape_cast %swap3A_148 : vector<16xi32> to vector<16xi32>
        %swap3A_150 = vector.shape_cast %get3A_146 : vector<16xi32> to vector<16xi32>
        tpu.vector_store %arg8[%swap3A_147], %swap3A_150 {strides = array<i32>} : memref<80xi32, #tpu.memory_space<vmem>>, vector<16xi32>,
        %mul3A_151 = arith.constant 80 : i32
        %mul3A_152 = arith.muli %scan3A_52, %mul3A_151 : i32
        %add3A_153 = arith.constant 64 : i32
        %add3A_154 = arith.addi %mul3A_152, %add3A_153 : i32
        %get3A_155 = arith.index_cast %add3A_154 : i32 to index
        %get3A_156 = tpu.vector_load %arg7[%get3A_155] {strides = array<i32>} : memref<2000xi32, #tpu.memory_space<vmem>>, vector<16xi32>,
        %get3A_157 = vector.shape_cast %get3A_156 : vector<16xi32> to vector<16xi32>
        %swap3A_158 = arith.constant 64 : index
        %swap3A_159 = tpu.vector_load %arg9[%swap3A_158] {strides = array<i32>} : memref<80xi32, #tpu.memory_space<vmem>>, vector<16xi32>,
        %swap3A_160 = vector.shape_cast %swap3A_159 : vector<16xi32> to vector<16xi32>
        %swap3A_161 = vector.shape_cast %get3A_157 : vector<16xi32> to vector<16xi32>
        tpu.vector_store %arg9[%swap3A_158], %swap3A_161 {strides = array<i32>} : memref<80xi32, #tpu.memory_space<vmem>>, vector<16xi32>,
        %dma_start3A = arith.constant 0 : i32
        %dma_start3A_162 = arith.constant 0 : i32
        %dma_start3A_163 = tpu.memref_slice %arg2[%dma_start3A, %dma_start3A_162] : memref<10000x128xf32, #tpu.memory_space<hbm>> -> memref<10000x128xf32, #tpu.memory_space<hbm>>
        tpu.enqueue_indirect_dma source(%dma_start3A_163 : memref<10000x128xf32, #tpu.memory_space<hbm>>) target(%arg10 : memref<80x128xf32, #tpu.memory_space<vmem>>) offsets(%arg8 : memref<80xi32, #tpu.memory_space<vmem>>) semaphore(%arg13 : memref<!tpu.dma_semaphore, #tpu.memory_space<semaphore_mem>>)
        %dma_wait3A = arith.constant 0 : i32
        %dma_wait3A_164 = arith.constant 0 : i32
        %dma_wait3A_165 = tpu.memref_slice %arg2[%dma_wait3A, %dma_wait3A_164] : memref<10000x128xf32, #tpu.memory_space<hbm>> -> memref<10000x128xf32, #tpu.memory_space<hbm>>
        tpu.wait_indirect_dma semaphore(%arg13 : memref<!tpu.dma_semaphore, #tpu.memory_space<semaphore_mem>>) src(%dma_wait3A_165 : memref<10000x128xf32, #tpu.memory_space<hbm>>) dst(%arg10 : memref<80x128xf32, #tpu.memory_space<vmem>>)
        "tpu.region"() ({
          %run_scoped3A = tpu.sem_alloc : memref<!tpu.dma_semaphore, #tpu.memory_space<semaphore_mem>>
          %dma_start3A_167 = arith.constant 0 : i32
          %dma_start3A_168 = arith.constant 0 : i32
          %dma_start3A_169 = tpu.memref_slice %arg12[%dma_start3A_167, %dma_start3A_168] : memref<10000x128xf32, #tpu.memory_space<vmem_shared>> -> memref<10000x128xf32, #tpu.memory_space<vmem_shared>>
          tpu.enqueue_indirect_dma source(%arg10 : memref<80x128xf32, #tpu.memory_space<vmem>>) target(%dma_start3A_169 : memref<10000x128xf32, #tpu.memory_space<vmem_shared>>) offsets(%arg9 : memref<80xi32, #tpu.memory_space<vmem>>) semaphore(%run_scoped3A : memref<!tpu.dma_semaphore, #tpu.memory_space<semaphore_mem>>) {add = true}
          %dma_wait3A_170 = arith.constant 0 : i32
          %dma_wait3A_171 = arith.constant 0 : i32
          %dma_wait3A_172 = tpu.memref_slice %arg12[%dma_wait3A_170, %dma_wait3A_171] : memref<10000x128xf32, #tpu.memory_space<vmem_shared>> -> memref<10000x128xf32, #tpu.memory_space<vmem_shared>>
          tpu.wait_indirect_dma semaphore(%run_scoped3A : memref<!tpu.dma_semaphore, #tpu.memory_space<semaphore_mem>>) src(%arg10 : memref<80x128xf32, #tpu.memory_space<vmem>>) dst(%dma_wait3A_172 : memref<10000x128xf32, #tpu.memory_space<vmem_shared>>)
          tpu.yield
        }) : () -> ()
        %scan3A_166 = arith.constant 0 : i32
        scf.yield %scan3A_166 : i32
      }
      %scan3A_50 = arith.constant 25 : i32
      %scan3A_51 = arith.constant 0 : i32
      scf.yield %scan3A_51 : i32
    }
    %scan3A_19 = arith.constant 5 : i32
    "tpu.region"() ({
      %run_scoped3A = tpu.sem_alloc : memref<!tpu.dma_semaphore, #tpu.memory_space<semaphore_mem>>
      %dma_start3A = arith.constant 0 : i32
      %dma_start3A_35 = arith.constant 0 : i32
      %dma_start3A_36 = tpu.memref_slice %arg12[%dma_start3A, %dma_start3A_35] : memref<10000x128xf32, #tpu.memory_space<vmem_shared>> -> memref<10000x128xf32, #tpu.memory_space<vmem_shared>>
      tpu.enqueue_indirect_dma source(%dma_start3A_36 : memref<10000x128xf32, #tpu.memory_space<vmem_shared>>) target(%arg10 : memref<80x128xf32, #tpu.memory_space<vmem>>) offsets(%arg9 : memref<80xi32, #tpu.memory_space<vmem>>) semaphore(%run_scoped3A : memref<!tpu.dma_semaphore, #tpu.memory_space<semaphore_mem>>)
      %dma_wait3A = arith.constant 0 : i32
      %dma_wait3A_37 = arith.constant 0 : i32
      %dma_wait3A_38 = tpu.memref_slice %arg12[%dma_wait3A, %dma_wait3A_37] : memref<10000x128xf32, #tpu.memory_space<vmem_shared>> -> memref<10000x128xf32, #tpu.memory_space<vmem_shared>>
      tpu.wait_indirect_dma semaphore(%run_scoped3A : memref<!tpu.dma_semaphore, #tpu.memory_space<semaphore_mem>>) src(%dma_wait3A_38 : memref<10000x128xf32, #tpu.memory_space<vmem_shared>>) dst(%arg10 : memref<80x128xf32, #tpu.memory_space<vmem>>)
      tpu.yield
    }) : () -> ()
    %barrier3A_20 = arith.constant 0 : index
    tpu.barrier barrier_id(%barrier3A_20)
    %lt3A_21 = arith.constant 15 : i32
    %lt3A_22 = arith.cmpi slt, %arg1, %lt3A_21 : i32
    %jit3A = arith.constant 8 : i32
    %jit3A_23 = arith.constant 5 : i32
    %select_n3A = arith.select %lt3A_22, %jit3A, %jit3A_23 : i32
    %while3A = arith.constant 0 : i32
    %while3A_24 = arith.constant 0 : i32
    %while3A_25 = arith.subi %select_n3A, %while3A : i32
    %while3A_26 = arith.addi %while3A, %while3A_25 : i32
    %while3A_27 = arith.constant 1 : i32
    %while3A_28 = arith.divsi %while3A_25, %while3A_27 : i32
    %while3A_29 = arith.muli %while3A_28, %while3A_27 : i32
    %while3A_30 = arith.addi %while3A, %while3A_29 : i32
    %while3A_31 = arith.constant 1 : i32
    %while3A_32 = scf.for %while3A_35 = %while3A to %while3A_30 step %while3A_31 iter_args(%while3A_36 = %while3A_24) -> (i32)  : i32 {
      %mul3A_37 = arith.constant 640 : i32
      %mul3A_38 = arith.muli %arg1, %mul3A_37 : i32
      %mul3A_39 = arith.constant 80 : i32
      %mul3A_40 = arith.muli %while3A_35, %mul3A_39 : i32
      %add3A_41 = arith.addi %mul3A_38, %mul3A_40 : i32
      %iota3A = tpu.iota {dimensions = array<i32: 0>} : vector<16xi32>
      %add3A_42 = vector.broadcast %add3A_41 : i32 to vector<16xi32>
      %add3A_43 = arith.addi %iota3A, %add3A_42 : vector<16xi32>
      %add3A_44 = arith.constant 0 : i32
      %add3A_45 = vector.broadcast %add3A_44 : i32 to vector<16xi32>
      %add3A_46 = arith.addi %add3A_43, %add3A_45 : vector<16xi32>
      %swap3A = arith.constant 0 : index
      %swap3A_47 = tpu.vector_load %arg9[%swap3A] {strides = array<i32>} : memref<80xi32, #tpu.memory_space<vmem>>, vector<16xi32>,
      %swap3A_48 = vector.shape_cast %swap3A_47 : vector<16xi32> to vector<16xi32>
      %swap3A_49 = vector.shape_cast %add3A_46 : vector<16xi32> to vector<16xi32>
      tpu.vector_store %arg9[%swap3A], %swap3A_49 {strides = array<i32>} : memref<80xi32, #tpu.memory_space<vmem>>, vector<16xi32>,
      %iota3A_50 = tpu.iota {dimensions = array<i32: 0>} : vector<16xi32>
      %add3A_51 = vector.broadcast %add3A_41 : i32 to vector<16xi32>
      %add3A_52 = arith.addi %iota3A_50, %add3A_51 : vector<16xi32>
      %add3A_53 = arith.constant 16 : i32
      %add3A_54 = vector.broadcast %add3A_53 : i32 to vector<16xi32>
      %add3A_55 = arith.addi %add3A_52, %add3A_54 : vector<16xi32>
      %swap3A_56 = arith.constant 16 : index
      %swap3A_57 = tpu.vector_load %arg9[%swap3A_56] {strides = array<i32>} : memref<80xi32, #tpu.memory_space<vmem>>, vector<16xi32>,
      %swap3A_58 = vector.shape_cast %swap3A_57 : vector<16xi32> to vector<16xi32>
      %swap3A_59 = vector.shape_cast %add3A_55 : vector<16xi32> to vector<16xi32>
      tpu.vector_store %arg9[%swap3A_56], %swap3A_59 {strides = array<i32>} : memref<80xi32, #tpu.memory_space<vmem>>, vector<16xi32>,
      %iota3A_60 = tpu.iota {dimensions = array<i32: 0>} : vector<16xi32>
      %add3A_61 = vector.broadcast %add3A_41 : i32 to vector<16xi32>
      %add3A_62 = arith.addi %iota3A_60, %add3A_61 : vector<16xi32>
      %add3A_63 = arith.constant 32 : i32
      %add3A_64 = vector.broadcast %add3A_63 : i32 to vector<16xi32>
      %add3A_65 = arith.addi %add3A_62, %add3A_64 : vector<16xi32>
      %swap3A_66 = arith.constant 32 : index
      %swap3A_67 = tpu.vector_load %arg9[%swap3A_66] {strides = array<i32>} : memref<80xi32, #tpu.memory_space<vmem>>, vector<16xi32>,
      %swap3A_68 = vector.shape_cast %swap3A_67 : vector<16xi32> to vector<16xi32>
      %swap3A_69 = vector.shape_cast %add3A_65 : vector<16xi32> to vector<16xi32>
      tpu.vector_store %arg9[%swap3A_66], %swap3A_69 {strides = array<i32>} : memref<80xi32, #tpu.memory_space<vmem>>, vector<16xi32>,
      %iota3A_70 = tpu.iota {dimensions = array<i32: 0>} : vector<16xi32>
      %add3A_71 = vector.broadcast %add3A_41 : i32 to vector<16xi32>
      %add3A_72 = arith.addi %iota3A_70, %add3A_71 : vector<16xi32>
      %add3A_73 = arith.constant 48 : i32
      %add3A_74 = vector.broadcast %add3A_73 : i32 to vector<16xi32>
      %add3A_75 = arith.addi %add3A_72, %add3A_74 : vector<16xi32>
      %swap3A_76 = arith.constant 48 : index
      %swap3A_77 = tpu.vector_load %arg9[%swap3A_76] {strides = array<i32>} : memref<80xi32, #tpu.memory_space<vmem>>, vector<16xi32>,
      %swap3A_78 = vector.shape_cast %swap3A_77 : vector<16xi32> to vector<16xi32>
      %swap3A_79 = vector.shape_cast %add3A_75 : vector<16xi32> to vector<16xi32>
      tpu.vector_store %arg9[%swap3A_76], %swap3A_79 {strides = array<i32>} : memref<80xi32, #tpu.memory_space<vmem>>, vector<16xi32>,
      %iota3A_80 = tpu.iota {dimensions = array<i32: 0>} : vector<16xi32>
      %add3A_81 = vector.broadcast %add3A_41 : i32 to vector<16xi32>
      %add3A_82 = arith.addi %iota3A_80, %add3A_81 : vector<16xi32>
      %add3A_83 = arith.constant 64 : i32
      %add3A_84 = vector.broadcast %add3A_83 : i32 to vector<16xi32>
      %add3A_85 = arith.addi %add3A_82, %add3A_84 : vector<16xi32>
      %swap3A_86 = arith.constant 64 : index
      %swap3A_87 = tpu.vector_load %arg9[%swap3A_86] {strides = array<i32>} : memref<80xi32, #tpu.memory_space<vmem>>, vector<16xi32>,
      %swap3A_88 = vector.shape_cast %swap3A_87 : vector<16xi32> to vector<16xi32>
      %swap3A_89 = vector.shape_cast %add3A_85 : vector<16xi32> to vector<16xi32>
      tpu.vector_store %arg9[%swap3A_86], %swap3A_89 {strides = array<i32>} : memref<80xi32, #tpu.memory_space<vmem>>, vector<16xi32>,
      "tpu.region"() ({
        %run_scoped3A = tpu.sem_alloc : memref<!tpu.dma_semaphore, #tpu.memory_space<semaphore_mem>>
        %dma_start3A = arith.constant 0 : i32
        %dma_start3A_94 = arith.constant 0 : i32
        %dma_start3A_95 = tpu.memref_slice %arg12[%dma_start3A, %dma_start3A_94] : memref<10000x128xf32, #tpu.memory_space<vmem_shared>> -> memref<10000x128xf32, #tpu.memory_space<vmem_shared>>
        tpu.enqueue_indirect_dma source(%dma_start3A_95 : memref<10000x128xf32, #tpu.memory_space<vmem_shared>>) target(%arg11 : memref<80x128xf32, #tpu.memory_space<vmem>>) offsets(%arg9 : memref<80xi32, #tpu.memory_space<vmem>>) semaphore(%run_scoped3A : memref<!tpu.dma_semaphore, #tpu.memory_space<semaphore_mem>>)
        %dma_wait3A = arith.constant 0 : i32
        %dma_wait3A_96 = arith.constant 0 : i32
        %dma_wait3A_97 = tpu.memref_slice %arg12[%dma_wait3A, %dma_wait3A_96] : memref<10000x128xf32, #tpu.memory_space<vmem_shared>> -> memref<10000x128xf32, #tpu.memory_space<vmem_shared>>
        tpu.wait_indirect_dma semaphore(%run_scoped3A : memref<!tpu.dma_semaphore, #tpu.memory_space<semaphore_mem>>) src(%dma_wait3A_97 : memref<10000x128xf32, #tpu.memory_space<vmem_shared>>) dst(%arg11 : memref<80x128xf32, #tpu.memory_space<vmem>>)
        tpu.yield
      }) : () -> ()
      %mul3A_90 = arith.constant 10000 : i32
      %mul3A_91 = arith.muli %arg0, %mul3A_90 : i32
      %add3A_92 = arith.addi %mul3A_91, %add3A_41 : i32
      "tpu.region"() ({
        %run_scoped3A = tpu.sem_alloc : memref<!tpu.dma_semaphore, #tpu.memory_space<semaphore_mem>>
        %dma_start3A = arith.constant 0 : i32
        %dma_start3A_94 = tpu.memref_slice %arg5[%add3A_92, %dma_start3A] : memref<20000x128xf32, #tpu.memory_space<hbm>> -> memref<80x128xf32, #tpu.memory_space<hbm>>
        %dma_start3A_95 = arith.constant 0 : i32
        %dma_start3A_96 = tpu.memref_slice %arg5[%add3A_92, %dma_start3A_95] : memref<20000x128xf32, #tpu.memory_space<hbm>> -> memref<80x128xf32, #tpu.memory_space<hbm>>
        tpu.enqueue_dma source(%arg11 : memref<80x128xf32, #tpu.memory_space<vmem>>) target(%dma_start3A_96 : memref<80x128xf32, #tpu.memory_space<hbm>>) target_semaphore(%run_scoped3A : memref<!tpu.dma_semaphore, #tpu.memory_space<semaphore_mem>>)
        %dma_wait3A = arith.constant 0 : i32
        %dma_wait3A_97 = tpu.memref_slice %arg5[%add3A_92, %dma_wait3A] : memref<20000x128xf32, #tpu.memory_space<hbm>> -> memref<80x128xf32, #tpu.memory_space<hbm>>
        %dma_wait3A_98 = arith.constant 0 : i32
        %dma_wait3A_99 = tpu.memref_slice %arg5[%add3A_92, %dma_wait3A_98] : memref<20000x128xf32, #tpu.memory_space<hbm>> -> memref<80x128xf32, #tpu.memory_space<hbm>>
        tpu.wait_dma2 semaphore(%run_scoped3A : memref<!tpu.dma_semaphore, #tpu.memory_space<semaphore_mem>>) src(%arg11 : memref<80x128xf32, #tpu.memory_space<vmem>>) dst(%dma_wait3A_99 : memref<80x128xf32, #tpu.memory_space<hbm>>)
        tpu.yield
      }) : () -> ()
      %while3A_93 = arith.constant 0 : i32
      scf.yield %while3A_93 : i32
    }
    %while3A_33 = arith.constant 1 : i32
    %while3A_34 = scf.for %while3A_35 = %while3A_30 to %while3A_26 step %while3A_33 iter_args(%while3A_36 = %while3A_32) -> (i32)  : i32 {
      %mul3A_37 = arith.constant 640 : i32
      %mul3A_38 = arith.muli %arg1, %mul3A_37 : i32
      %mul3A_39 = arith.constant 80 : i32
      %mul3A_40 = arith.muli %while3A_35, %mul3A_39 : i32
      %add3A_41 = arith.addi %mul3A_38, %mul3A_40 : i32
      %iota3A = tpu.iota {dimensions = array<i32: 0>} : vector<16xi32>
      %add3A_42 = vector.broadcast %add3A_41 : i32 to vector<16xi32>
      %add3A_43 = arith.addi %iota3A, %add3A_42 : vector<16xi32>
      %add3A_44 = arith.constant 0 : i32
      %add3A_45 = vector.broadcast %add3A_44 : i32 to vector<16xi32>
      %add3A_46 = arith.addi %add3A_43, %add3A_45 : vector<16xi32>
      %swap3A = arith.constant 0 : index
      %swap3A_47 = tpu.vector_load %arg9[%swap3A] {strides = array<i32>} : memref<80xi32, #tpu.memory_space<vmem>>, vector<16xi32>,
      %swap3A_48 = vector.shape_cast %swap3A_47 : vector<16xi32> to vector<16xi32>
      %swap3A_49 = vector.shape_cast %add3A_46 : vector<16xi32> to vector<16xi32>
      tpu.vector_store %arg9[%swap3A], %swap3A_49 {strides = array<i32>} : memref<80xi32, #tpu.memory_space<vmem>>, vector<16xi32>,
      %iota3A_50 = tpu.iota {dimensions = array<i32: 0>} : vector<16xi32>
      %add3A_51 = vector.broadcast %add3A_41 : i32 to vector<16xi32>
      %add3A_52 = arith.addi %iota3A_50, %add3A_51 : vector<16xi32>
      %add3A_53 = arith.constant 16 : i32
      %add3A_54 = vector.broadcast %add3A_53 : i32 to vector<16xi32>
      %add3A_55 = arith.addi %add3A_52, %add3A_54 : vector<16xi32>
      %swap3A_56 = arith.constant 16 : index
      %swap3A_57 = tpu.vector_load %arg9[%swap3A_56] {strides = array<i32>} : memref<80xi32, #tpu.memory_space<vmem>>, vector<16xi32>,
      %swap3A_58 = vector.shape_cast %swap3A_57 : vector<16xi32> to vector<16xi32>
      %swap3A_59 = vector.shape_cast %add3A_55 : vector<16xi32> to vector<16xi32>
      tpu.vector_store %arg9[%swap3A_56], %swap3A_59 {strides = array<i32>} : memref<80xi32, #tpu.memory_space<vmem>>, vector<16xi32>,
      %iota3A_60 = tpu.iota {dimensions = array<i32: 0>} : vector<16xi32>
      %add3A_61 = vector.broadcast %add3A_41 : i32 to vector<16xi32>
      %add3A_62 = arith.addi %iota3A_60, %add3A_61 : vector<16xi32>
      %add3A_63 = arith.constant 32 : i32
      %add3A_64 = vector.broadcast %add3A_63 : i32 to vector<16xi32>
      %add3A_65 = arith.addi %add3A_62, %add3A_64 : vector<16xi32>
      %swap3A_66 = arith.constant 32 : index
      %swap3A_67 = tpu.vector_load %arg9[%swap3A_66] {strides = array<i32>} : memref<80xi32, #tpu.memory_space<vmem>>, vector<16xi32>,
      %swap3A_68 = vector.shape_cast %swap3A_67 : vector<16xi32> to vector<16xi32>
      %swap3A_69 = vector.shape_cast %add3A_65 : vector<16xi32> to vector<16xi32>
      tpu.vector_store %arg9[%swap3A_66], %swap3A_69 {strides = array<i32>} : memref<80xi32, #tpu.memory_space<vmem>>, vector<16xi32>,
      %iota3A_70 = tpu.iota {dimensions = array<i32: 0>} : vector<16xi32>
      %add3A_71 = vector.broadcast %add3A_41 : i32 to vector<16xi32>
      %add3A_72 = arith.addi %iota3A_70, %add3A_71 : vector<16xi32>
      %add3A_73 = arith.constant 48 : i32
      %add3A_74 = vector.broadcast %add3A_73 : i32 to vector<16xi32>
      %add3A_75 = arith.addi %add3A_72, %add3A_74 : vector<16xi32>
      %swap3A_76 = arith.constant 48 : index
      %swap3A_77 = tpu.vector_load %arg9[%swap3A_76] {strides = array<i32>} : memref<80xi32, #tpu.memory_space<vmem>>, vector<16xi32>,
      %swap3A_78 = vector.shape_cast %swap3A_77 : vector<16xi32> to vector<16xi32>
      %swap3A_79 = vector.shape_cast %add3A_75 : vector<16xi32> to vector<16xi32>
      tpu.vector_store %arg9[%swap3A_76], %swap3A_79 {strides = array<i32>} : memref<80xi32, #tpu.memory_space<vmem>>, vector<16xi32>,
      %iota3A_80 = tpu.iota {dimensions = array<i32: 0>} : vector<16xi32>
      %add3A_81 = vector.broadcast %add3A_41 : i32 to vector<16xi32>
      %add3A_82 = arith.addi %iota3A_80, %add3A_81 : vector<16xi32>
      %add3A_83 = arith.constant 64 : i32
      %add3A_84 = vector.broadcast %add3A_83 : i32 to vector<16xi32>
      %add3A_85 = arith.addi %add3A_82, %add3A_84 : vector<16xi32>
      %swap3A_86 = arith.constant 64 : index
      %swap3A_87 = tpu.vector_load %arg9[%swap3A_86] {strides = array<i32>} : memref<80xi32, #tpu.memory_space<vmem>>, vector<16xi32>,
      %swap3A_88 = vector.shape_cast %swap3A_87 : vector<16xi32> to vector<16xi32>
      %swap3A_89 = vector.shape_cast %add3A_85 : vector<16xi32> to vector<16xi32>
      tpu.vector_store %arg9[%swap3A_86], %swap3A_89 {strides = array<i32>} : memref<80xi32, #tpu.memory_space<vmem>>, vector<16xi32>,
      "tpu.region"() ({
        %run_scoped3A = tpu.sem_alloc : memref<!tpu.dma_semaphore, #tpu.memory_space<semaphore_mem>>
        %dma_start3A = arith.constant 0 : i32
        %dma_start3A_94 = arith.constant 0 : i32
        %dma_start3A_95 = tpu.memref_slice %arg12[%dma_start3A, %dma_start3A_94] : memref<10000x128xf32, #tpu.memory_space<vmem_shared>> -> memref<10000x128xf32, #tpu.memory_space<vmem_shared>>
        tpu.enqueue_indirect_dma source(%dma_start3A_95 : memref<10000x128xf32, #tpu.memory_space<vmem_shared>>) target(%arg11 : memref<80x128xf32, #tpu.memory_space<vmem>>) offsets(%arg9 : memref<80xi32, #tpu.memory_space<vmem>>) semaphore(%run_scoped3A : memref<!tpu.dma_semaphore, #tpu.memory_space<semaphore_mem>>)
        %dma_wait3A = arith.constant 0 : i32
        %dma_wait3A_96 = arith.constant 0 : i32
        %dma_wait3A_97 = tpu.memref_slice %arg12[%dma_wait3A, %dma_wait3A_96] : memref<10000x128xf32, #tpu.memory_space<vmem_shared>> -> memref<10000x128xf32, #tpu.memory_space<vmem_shared>>
        tpu.wait_indirect_dma semaphore(%run_scoped3A : memref<!tpu.dma_semaphore, #tpu.memory_space<semaphore_mem>>) src(%dma_wait3A_97 : memref<10000x128xf32, #tpu.memory_space<vmem_shared>>) dst(%arg11 : memref<80x128xf32, #tpu.memory_space<vmem>>)
        tpu.yield
      }) : () -> ()
      %mul3A_90 = arith.constant 10000 : i32
      %mul3A_91 = arith.muli %arg0, %mul3A_90 : i32
      %add3A_92 = arith.addi %mul3A_91, %add3A_41 : i32
      "tpu.region"() ({
        %run_scoped3A = tpu.sem_alloc : memref<!tpu.dma_semaphore, #tpu.memory_space<semaphore_mem>>
        %dma_start3A = arith.constant 0 : i32
        %dma_start3A_94 = tpu.memref_slice %arg5[%add3A_92, %dma_start3A] : memref<20000x128xf32, #tpu.memory_space<hbm>> -> memref<80x128xf32, #tpu.memory_space<hbm>>
        %dma_start3A_95 = arith.constant 0 : i32
        %dma_start3A_96 = tpu.memref_slice %arg5[%add3A_92, %dma_start3A_95] : memref<20000x128xf32, #tpu.memory_space<hbm>> -> memref<80x128xf32, #tpu.memory_space<hbm>>
        tpu.enqueue_dma source(%arg11 : memref<80x128xf32, #tpu.memory_space<vmem>>) target(%dma_start3A_96 : memref<80x128xf32, #tpu.memory_space<hbm>>) target_semaphore(%run_scoped3A : memref<!tpu.dma_semaphore, #tpu.memory_space<semaphore_mem>>)
        %dma_wait3A = arith.constant 0 : i32
        %dma_wait3A_97 = tpu.memref_slice %arg5[%add3A_92, %dma_wait3A] : memref<20000x128xf32, #tpu.memory_space<hbm>> -> memref<80x128xf32, #tpu.memory_space<hbm>>
        %dma_wait3A_98 = arith.constant 0 : i32
        %dma_wait3A_99 = tpu.memref_slice %arg5[%add3A_92, %dma_wait3A_98] : memref<20000x128xf32, #tpu.memory_space<hbm>> -> memref<80x128xf32, #tpu.memory_space<hbm>>
        tpu.wait_dma2 semaphore(%run_scoped3A : memref<!tpu.dma_semaphore, #tpu.memory_space<semaphore_mem>>) src(%arg11 : memref<80x128xf32, #tpu.memory_space<vmem>>) dst(%dma_wait3A_99 : memref<80x128xf32, #tpu.memory_space<hbm>>)
        tpu.yield
      }) : () -> ()
      %while3A_93 = arith.constant 0 : i32
      scf.yield %while3A_93 : i32
    }
    return
  }
}

#map = affine_map<(d0, d1) -> (0, 0)>
#map1 = affine_map<(d0, d1) -> (0)>
module attributes {stable_mosaic.version = 14 : i64} {
  func.func @k(%arg0: i32, %arg1: i32, %arg2: memref<10000x128xf32, #tpu.memory_space<hbm>>, %arg3: memref<320000xi32, #tpu.memory_space<hbm>>, %arg4: memref<320000xi32, #tpu.memory_space<hbm>>, %arg5: memref<20000x128xf32, #tpu.memory_space<hbm>>, %arg6: memref<2000xi32, #tpu.memory_space<vmem>>, %arg7: memref<2000xi32, #tpu.memory_space<vmem>>, %arg8: memref<80xi32, #tpu.memory_space<vmem>>, %arg9: memref<80xi32, #tpu.memory_space<vmem>>, %arg10: memref<80x128xf32, #tpu.memory_space<vmem>>, %arg11: memref<80x128xf32, #tpu.memory_space<vmem>>, %arg12: memref<10000x128xf32, #tpu.memory_space<vmem_shared>>, %arg13: memref<!tpu.dma_semaphore, #tpu.memory_space<semaphore_mem>>) attributes {dimension_semantics = [#tpu.dimension_semantics<core_parallel>, #tpu.dimension_semantics<subcore_parallel>], iteration_bounds = array<i64: 2, 16>, scalar_prefetch = 0 : i64, scratch_operands = 8 : i64, tpu.core_type = #tpu.core_type<sc_vector_subcore>, window_params = [{transform_indices = #map}, {transform_indices = #map1}, {transform_indices = #map1}, {transform_indices = #map}]} {
    %mul3A = arith.constant 16 : i32
    %mul3A_0 = arith.muli %arg0, %mul3A : i32
    %add3A = arith.addi %mul3A_0, %arg1 : i32
    %scan3A = arith.constant 0 : i32
    %scan3A_1 = arith.constant 0 : i32
    %scan3A_2 = arith.constant 80 : i32
    %scan3A_3 = arith.addi %scan3A_1, %scan3A_2 : i32
    %scan3A_4 = arith.constant 1 : i32
    %scan3A_5 = scf.for %scan3A_35 = %scan3A_1 to %scan3A_3 step %scan3A_4 iter_args(%scan3A_36 = %scan3A) -> (i32)  : i32 {
      %broadcast_in_dim3A = arith.constant 0.000000e+00 : f32
      %broadcast_in_dim3A_37 = vector.broadcast %broadcast_in_dim3A : f32 to vector<16xf32>
      %swap3A = arith.index_cast %scan3A_35 : i32 to index
      %swap3A_38 = arith.constant 0 : index
      %swap3A_39 = tpu.vector_load %arg11[%swap3A, %swap3A_38] {strides = array<i32>} : memref<80x128xf32, #tpu.memory_space<vmem>>, vector<1x16xf32>,
      %swap3A_40 = vector.shape_cast %swap3A_39 : vector<1x16xf32> to vector<16xf32>
      %swap3A_41 = vector.shape_cast %broadcast_in_dim3A_37 : vector<16xf32> to vector<1x16xf32>
      tpu.vector_store %arg11[%swap3A, %swap3A_38], %swap3A_41 {strides = array<i32>} : memref<80x128xf32, #tpu.memory_space<vmem>>, vector<1x16xf32>,
      %broadcast_in_dim3A_42 = arith.constant 0.000000e+00 : f32
      %broadcast_in_dim3A_43 = vector.broadcast %broadcast_in_dim3A_42 : f32 to vector<16xf32>
      %swap3A_44 = arith.index_cast %scan3A_35 : i32 to index
      %swap3A_45 = arith.constant 16 : index
      %swap3A_46 = tpu.vector_load %arg11[%swap3A_44, %swap3A_45] {strides = array<i32>} : memref<80x128xf32, #tpu.memory_space<vmem>>, vector<1x16xf32>,
      %swap3A_47 = vector.shape_cast %swap3A_46 : vector<1x16xf32> to vector<16xf32>
      %swap3A_48 = vector.shape_cast %broadcast_in_dim3A_43 : vector<16xf32> to vector<1x16xf32>
      tpu.vector_store %arg11[%swap3A_44, %swap3A_45], %swap3A_48 {strides = array<i32>} : memref<80x128xf32, #tpu.memory_space<vmem>>, vector<1x16xf32>,
      %broadcast_in_dim3A_49 = arith.constant 0.000000e+00 : f32
      %broadcast_in_dim3A_50 = vector.broadcast %broadcast_in_dim3A_49 : f32 to vector<16xf32>
      %swap3A_51 = arith.index_cast %scan3A_35 : i32 to index
      %swap3A_52 = arith.constant 32 : index
      %swap3A_53 = tpu.vector_load %arg11[%swap3A_51, %swap3A_52] {strides = array<i32>} : memref<80x128xf32, #tpu.memory_space<vmem>>, vector<1x16xf32>,
      %swap3A_54 = vector.shape_cast %swap3A_53 : vector<1x16xf32> to vector<16xf32>
      %swap3A_55 = vector.shape_cast %broadcast_in_dim3A_50 : vector<16xf32> to vector<1x16xf32>
      tpu.vector_store %arg11[%swap3A_51, %swap3A_52], %swap3A_55 {strides = array<i32>} : memref<80x128xf32, #tpu.memory_space<vmem>>, vector<1x16xf32>,
      %broadcast_in_dim3A_56 = arith.constant 0.000000e+00 : f32
      %broadcast_in_dim3A_57 = vector.broadcast %broadcast_in_dim3A_56 : f32 to vector<16xf32>
      %swap3A_58 = arith.index_cast %scan3A_35 : i32 to index
      %swap3A_59 = arith.constant 48 : index
      %swap3A_60 = tpu.vector_load %arg11[%swap3A_58, %swap3A_59] {strides = array<i32>} : memref<80x128xf32, #tpu.memory_space<vmem>>, vector<1x16xf32>,
      %swap3A_61 = vector.shape_cast %swap3A_60 : vector<1x16xf32> to vector<16xf32>
      %swap3A_62 = vector.shape_cast %broadcast_in_dim3A_57 : vector<16xf32> to vector<1x16xf32>
      tpu.vector_store %arg11[%swap3A_58, %swap3A_59], %swap3A_62 {strides = array<i32>} : memref<80x128xf32, #tpu.memory_space<vmem>>, vector<1x16xf32>,
      %broadcast_in_dim3A_63 = arith.constant 0.000000e+00 : f32
      %broadcast_in_dim3A_64 = vector.broadcast %broadcast_in_dim3A_63 : f32 to vector<16xf32>
      %swap3A_65 = arith.index_cast %scan3A_35 : i32 to index
      %swap3A_66 = arith.constant 64 : index
      %swap3A_67 = tpu.vector_load %arg11[%swap3A_65, %swap3A_66] {strides = array<i32>} : memref<80x128xf32, #tpu.memory_space<vmem>>, vector<1x16xf32>,
      %swap3A_68 = vector.shape_cast %swap3A_67 : vector<1x16xf32> to vector<16xf32>
      %swap3A_69 = vector.shape_cast %broadcast_in_dim3A_64 : vector<16xf32> to vector<1x16xf32>
      tpu.vector_store %arg11[%swap3A_65, %swap3A_66], %swap3A_69 {strides = array<i32>} : memref<80x128xf32, #tpu.memory_space<vmem>>, vector<1x16xf32>,
      %broadcast_in_dim3A_70 = arith.constant 0.000000e+00 : f32
      %broadcast_in_dim3A_71 = vector.broadcast %broadcast_in_dim3A_70 : f32 to vector<16xf32>
      %swap3A_72 = arith.index_cast %scan3A_35 : i32 to index
      %swap3A_73 = arith.constant 80 : index
      %swap3A_74 = tpu.vector_load %arg11[%swap3A_72, %swap3A_73] {strides = array<i32>} : memref<80x128xf32, #tpu.memory_space<vmem>>, vector<1x16xf32>,
      %swap3A_75 = vector.shape_cast %swap3A_74 : vector<1x16xf32> to vector<16xf32>
      %swap3A_76 = vector.shape_cast %broadcast_in_dim3A_71 : vector<16xf32> to vector<1x16xf32>
      tpu.vector_store %arg11[%swap3A_72, %swap3A_73], %swap3A_76 {strides = array<i32>} : memref<80x128xf32, #tpu.memory_space<vmem>>, vector<1x16xf32>,
      %broadcast_in_dim3A_77 = arith.constant 0.000000e+00 : f32
      %broadcast_in_dim3A_78 = vector.broadcast %broadcast_in_dim3A_77 : f32 to vector<16xf32>
      %swap3A_79 = arith.index_cast %scan3A_35 : i32 to index
      %swap3A_80 = arith.constant 96 : index
      %swap3A_81 = tpu.vector_load %arg11[%swap3A_79, %swap3A_80] {strides = array<i32>} : memref<80x128xf32, #tpu.memory_space<vmem>>, vector<1x16xf32>,
      %swap3A_82 = vector.shape_cast %swap3A_81 : vector<1x16xf32> to vector<16xf32>
      %swap3A_83 = vector.shape_cast %broadcast_in_dim3A_78 : vector<16xf32> to vector<1x16xf32>
      tpu.vector_store %arg11[%swap3A_79, %swap3A_80], %swap3A_83 {strides = array<i32>} : memref<80x128xf32, #tpu.memory_space<vmem>>, vector<1x16xf32>,
      %broadcast_in_dim3A_84 = arith.constant 0.000000e+00 : f32
      %broadcast_in_dim3A_85 = vector.broadcast %broadcast_in_dim3A_84 : f32 to vector<16xf32>
      %swap3A_86 = arith.index_cast %scan3A_35 : i32 to index
      %swap3A_87 = arith.constant 112 : index
      %swap3A_88 = tpu.vector_load %arg11[%swap3A_86, %swap3A_87] {strides = array<i32>} : memref<80x128xf32, #tpu.memory_space<vmem>>, vector<1x16xf32>,
      %swap3A_89 = vector.shape_cast %swap3A_88 : vector<1x16xf32> to vector<16xf32>
      %swap3A_90 = vector.shape_cast %broadcast_in_dim3A_85 : vector<16xf32> to vector<1x16xf32>
      tpu.vector_store %arg11[%swap3A_86, %swap3A_87], %swap3A_90 {strides = array<i32>} : memref<80x128xf32, #tpu.memory_space<vmem>>, vector<1x16xf32>,
      %scan3A_91 = arith.constant 0 : i32
      scf.yield %scan3A_91 : i32
    }
    %scan3A_6 = arith.constant 80 : i32
    %lt3A = arith.constant 15 : i32
    %lt3A_7 = arith.cmpi slt, %arg1, %lt3A : i32
    %convert_element_type3A = arith.extui %lt3A_7 : i1 to i32
    %cond3A = arith.constant 0 : i32
    %cond3A_8 = arith.cmpi ne, %convert_element_type3A, %cond3A : i32
    scf.if %cond3A_8 {
      %scan3A_35 = arith.constant 0 : i32
      %scan3A_36 = arith.constant 0 : i32
      %scan3A_37 = arith.constant 8 : i32
      %scan3A_38 = arith.addi %scan3A_36, %scan3A_37 : i32
      %scan3A_39 = arith.constant 1 : i32
      %scan3A_40 = scf.for %scan3A_42 = %scan3A_36 to %scan3A_38 step %scan3A_39 iter_args(%scan3A_43 = %scan3A_35) -> (i32)  : i32 {
        %mul3A_44 = arith.constant 640 : i32
        %mul3A_45 = arith.muli %arg1, %mul3A_44 : i32
        %mul3A_46 = arith.constant 80 : i32
        %mul3A_47 = arith.muli %scan3A_42, %mul3A_46 : i32
        %add3A_48 = arith.addi %mul3A_45, %mul3A_47 : i32
        %iota3A = tpu.iota {dimensions = array<i32: 0>} : vector<16xi32>
        %add3A_49 = vector.broadcast %add3A_48 : i32 to vector<16xi32>
        %add3A_50 = arith.addi %iota3A, %add3A_49 : vector<16xi32>
        %add3A_51 = arith.constant 0 : i32
        %add3A_52 = vector.broadcast %add3A_51 : i32 to vector<16xi32>
        %add3A_53 = arith.addi %add3A_50, %add3A_52 : vector<16xi32>
        %swap3A = arith.constant 0 : index
        %swap3A_54 = tpu.vector_load %arg9[%swap3A] {strides = array<i32>} : memref<80xi32, #tpu.memory_space<vmem>>, vector<16xi32>,
        %swap3A_55 = vector.shape_cast %swap3A_54 : vector<16xi32> to vector<16xi32>
        %swap3A_56 = vector.shape_cast %add3A_53 : vector<16xi32> to vector<16xi32>
        tpu.vector_store %arg9[%swap3A], %swap3A_56 {strides = array<i32>} : memref<80xi32, #tpu.memory_space<vmem>>, vector<16xi32>,
        %iota3A_57 = tpu.iota {dimensions = array<i32: 0>} : vector<16xi32>
        %add3A_58 = vector.broadcast %add3A_48 : i32 to vector<16xi32>
        %add3A_59 = arith.addi %iota3A_57, %add3A_58 : vector<16xi32>
        %add3A_60 = arith.constant 16 : i32
        %add3A_61 = vector.broadcast %add3A_60 : i32 to vector<16xi32>
        %add3A_62 = arith.addi %add3A_59, %add3A_61 : vector<16xi32>
        %swap3A_63 = arith.constant 16 : index
        %swap3A_64 = tpu.vector_load %arg9[%swap3A_63] {strides = array<i32>} : memref<80xi32, #tpu.memory_space<vmem>>, vector<16xi32>,
        %swap3A_65 = vector.shape_cast %swap3A_64 : vector<16xi32> to vector<16xi32>
        %swap3A_66 = vector.shape_cast %add3A_62 : vector<16xi32> to vector<16xi32>
        tpu.vector_store %arg9[%swap3A_63], %swap3A_66 {strides = array<i32>} : memref<80xi32, #tpu.memory_space<vmem>>, vector<16xi32>,
        %iota3A_67 = tpu.iota {dimensions = array<i32: 0>} : vector<16xi32>
        %add3A_68 = vector.broadcast %add3A_48 : i32 to vector<16xi32>
        %add3A_69 = arith.addi %iota3A_67, %add3A_68 : vector<16xi32>
        %add3A_70 = arith.constant 32 : i32
        %add3A_71 = vector.broadcast %add3A_70 : i32 to vector<16xi32>
        %add3A_72 = arith.addi %add3A_69, %add3A_71 : vector<16xi32>
        %swap3A_73 = arith.constant 32 : index
        %swap3A_74 = tpu.vector_load %arg9[%swap3A_73] {strides = array<i32>} : memref<80xi32, #tpu.memory_space<vmem>>, vector<16xi32>,
        %swap3A_75 = vector.shape_cast %swap3A_74 : vector<16xi32> to vector<16xi32>
        %swap3A_76 = vector.shape_cast %add3A_72 : vector<16xi32> to vector<16xi32>
        tpu.vector_store %arg9[%swap3A_73], %swap3A_76 {strides = array<i32>} : memref<80xi32, #tpu.memory_space<vmem>>, vector<16xi32>,
        %iota3A_77 = tpu.iota {dimensions = array<i32: 0>} : vector<16xi32>
        %add3A_78 = vector.broadcast %add3A_48 : i32 to vector<16xi32>
        %add3A_79 = arith.addi %iota3A_77, %add3A_78 : vector<16xi32>
        %add3A_80 = arith.constant 48 : i32
        %add3A_81 = vector.broadcast %add3A_80 : i32 to vector<16xi32>
        %add3A_82 = arith.addi %add3A_79, %add3A_81 : vector<16xi32>
        %swap3A_83 = arith.constant 48 : index
        %swap3A_84 = tpu.vector_load %arg9[%swap3A_83] {strides = array<i32>} : memref<80xi32, #tpu.memory_space<vmem>>, vector<16xi32>,
        %swap3A_85 = vector.shape_cast %swap3A_84 : vector<16xi32> to vector<16xi32>
        %swap3A_86 = vector.shape_cast %add3A_82 : vector<16xi32> to vector<16xi32>
        tpu.vector_store %arg9[%swap3A_83], %swap3A_86 {strides = array<i32>} : memref<80xi32, #tpu.memory_space<vmem>>, vector<16xi32>,
        %iota3A_87 = tpu.iota {dimensions = array<i32: 0>} : vector<16xi32>
        %add3A_88 = vector.broadcast %add3A_48 : i32 to vector<16xi32>
        %add3A_89 = arith.addi %iota3A_87, %add3A_88 : vector<16xi32>
        %add3A_90 = arith.constant 64 : i32
        %add3A_91 = vector.broadcast %add3A_90 : i32 to vector<16xi32>
        %add3A_92 = arith.addi %add3A_89, %add3A_91 : vector<16xi32>
        %swap3A_93 = arith.constant 64 : index
        %swap3A_94 = tpu.vector_load %arg9[%swap3A_93] {strides = array<i32>} : memref<80xi32, #tpu.memory_space<vmem>>, vector<16xi32>,
        %swap3A_95 = vector.shape_cast %swap3A_94 : vector<16xi32> to vector<16xi32>
        %swap3A_96 = vector.shape_cast %add3A_92 : vector<16xi32> to vector<16xi32>
        tpu.vector_store %arg9[%swap3A_93], %swap3A_96 {strides = array<i32>} : memref<80xi32, #tpu.memory_space<vmem>>, vector<16xi32>,
        "tpu.region"() ({
          %run_scoped3A = tpu.sem_alloc : memref<!tpu.dma_semaphore, #tpu.memory_space<semaphore_mem>>
          %dma_start3A = arith.constant 0 : i32
          %dma_start3A_98 = arith.constant 0 : i32
          %dma_start3A_99 = tpu.memref_slice %arg12[%dma_start3A, %dma_start3A_98] : memref<10000x128xf32, #tpu.memory_space<vmem_shared>> -> memref<10000x128xf32, #tpu.memory_space<vmem_shared>>
          tpu.enqueue_indirect_dma source(%arg11 : memref<80x128xf32, #tpu.memory_space<vmem>>) target(%dma_start3A_99 : memref<10000x128xf32, #tpu.memory_space<vmem_shared>>) offsets(%arg9 : memref<80xi32, #tpu.memory_space<vmem>>) semaphore(%run_scoped3A : memref<!tpu.dma_semaphore, #tpu.memory_space<semaphore_mem>>)
          %dma_wait3A = arith.constant 0 : i32
          %dma_wait3A_100 = arith.constant 0 : i32
          %dma_wait3A_101 = tpu.memref_slice %arg12[%dma_wait3A, %dma_wait3A_100] : memref<10000x128xf32, #tpu.memory_space<vmem_shared>> -> memref<10000x128xf32, #tpu.memory_space<vmem_shared>>
          tpu.wait_indirect_dma semaphore(%run_scoped3A : memref<!tpu.dma_semaphore, #tpu.memory_space<semaphore_mem>>) src(%arg11 : memref<80x128xf32, #tpu.memory_space<vmem>>) dst(%dma_wait3A_101 : memref<10000x128xf32, #tpu.memory_space<vmem_shared>>)
          tpu.yield
        }) : () -> ()
        %scan3A_97 = arith.constant 0 : i32
        scf.yield %scan3A_97 : i32
      }
      %scan3A_41 = arith.constant 8 : i32
    } else {
    }
    %eq3A = arith.constant 15 : i32
    %eq3A_9 = arith.cmpi eq, %arg1, %eq3A : i32
    %convert_element_type3A_10 = arith.extui %eq3A_9 : i1 to i32
    %cond3A_11 = arith.constant 0 : i32
    %cond3A_12 = arith.cmpi ne, %convert_element_type3A_10, %cond3A_11 : i32
    scf.if %cond3A_12 {
      %scan3A_35 = arith.constant 0 : i32
      %scan3A_36 = arith.constant 0 : i32
      %scan3A_37 = arith.constant 5 : i32
      %scan3A_38 = arith.addi %scan3A_36, %scan3A_37 : i32
      %scan3A_39 = arith.constant 1 : i32
      %scan3A_40 = scf.for %scan3A_42 = %scan3A_36 to %scan3A_38 step %scan3A_39 iter_args(%scan3A_43 = %scan3A_35) -> (i32)  : i32 {
        %mul3A_44 = arith.constant 640 : i32
        %mul3A_45 = arith.muli %arg1, %mul3A_44 : i32
        %mul3A_46 = arith.constant 80 : i32
        %mul3A_47 = arith.muli %scan3A_42, %mul3A_46 : i32
        %add3A_48 = arith.addi %mul3A_45, %mul3A_47 : i32
        %iota3A = tpu.iota {dimensions = array<i32: 0>} : vector<16xi32>
        %add3A_49 = vector.broadcast %add3A_48 : i32 to vector<16xi32>
        %add3A_50 = arith.addi %iota3A, %add3A_49 : vector<16xi32>
        %add3A_51 = arith.constant 0 : i32
        %add3A_52 = vector.broadcast %add3A_51 : i32 to vector<16xi32>
        %add3A_53 = arith.addi %add3A_50, %add3A_52 : vector<16xi32>
        %swap3A = arith.constant 0 : index
        %swap3A_54 = tpu.vector_load %arg9[%swap3A] {strides = array<i32>} : memref<80xi32, #tpu.memory_space<vmem>>, vector<16xi32>,
        %swap3A_55 = vector.shape_cast %swap3A_54 : vector<16xi32> to vector<16xi32>
        %swap3A_56 = vector.shape_cast %add3A_53 : vector<16xi32> to vector<16xi32>
        tpu.vector_store %arg9[%swap3A], %swap3A_56 {strides = array<i32>} : memref<80xi32, #tpu.memory_space<vmem>>, vector<16xi32>,
        %iota3A_57 = tpu.iota {dimensions = array<i32: 0>} : vector<16xi32>
        %add3A_58 = vector.broadcast %add3A_48 : i32 to vector<16xi32>
        %add3A_59 = arith.addi %iota3A_57, %add3A_58 : vector<16xi32>
        %add3A_60 = arith.constant 16 : i32
        %add3A_61 = vector.broadcast %add3A_60 : i32 to vector<16xi32>
        %add3A_62 = arith.addi %add3A_59, %add3A_61 : vector<16xi32>
        %swap3A_63 = arith.constant 16 : index
        %swap3A_64 = tpu.vector_load %arg9[%swap3A_63] {strides = array<i32>} : memref<80xi32, #tpu.memory_space<vmem>>, vector<16xi32>,
        %swap3A_65 = vector.shape_cast %swap3A_64 : vector<16xi32> to vector<16xi32>
        %swap3A_66 = vector.shape_cast %add3A_62 : vector<16xi32> to vector<16xi32>
        tpu.vector_store %arg9[%swap3A_63], %swap3A_66 {strides = array<i32>} : memref<80xi32, #tpu.memory_space<vmem>>, vector<16xi32>,
        %iota3A_67 = tpu.iota {dimensions = array<i32: 0>} : vector<16xi32>
        %add3A_68 = vector.broadcast %add3A_48 : i32 to vector<16xi32>
        %add3A_69 = arith.addi %iota3A_67, %add3A_68 : vector<16xi32>
        %add3A_70 = arith.constant 32 : i32
        %add3A_71 = vector.broadcast %add3A_70 : i32 to vector<16xi32>
        %add3A_72 = arith.addi %add3A_69, %add3A_71 : vector<16xi32>
        %swap3A_73 = arith.constant 32 : index
        %swap3A_74 = tpu.vector_load %arg9[%swap3A_73] {strides = array<i32>} : memref<80xi32, #tpu.memory_space<vmem>>, vector<16xi32>,
        %swap3A_75 = vector.shape_cast %swap3A_74 : vector<16xi32> to vector<16xi32>
        %swap3A_76 = vector.shape_cast %add3A_72 : vector<16xi32> to vector<16xi32>
        tpu.vector_store %arg9[%swap3A_73], %swap3A_76 {strides = array<i32>} : memref<80xi32, #tpu.memory_space<vmem>>, vector<16xi32>,
        %iota3A_77 = tpu.iota {dimensions = array<i32: 0>} : vector<16xi32>
        %add3A_78 = vector.broadcast %add3A_48 : i32 to vector<16xi32>
        %add3A_79 = arith.addi %iota3A_77, %add3A_78 : vector<16xi32>
        %add3A_80 = arith.constant 48 : i32
        %add3A_81 = vector.broadcast %add3A_80 : i32 to vector<16xi32>
        %add3A_82 = arith.addi %add3A_79, %add3A_81 : vector<16xi32>
        %swap3A_83 = arith.constant 48 : index
        %swap3A_84 = tpu.vector_load %arg9[%swap3A_83] {strides = array<i32>} : memref<80xi32, #tpu.memory_space<vmem>>, vector<16xi32>,
        %swap3A_85 = vector.shape_cast %swap3A_84 : vector<16xi32> to vector<16xi32>
        %swap3A_86 = vector.shape_cast %add3A_82 : vector<16xi32> to vector<16xi32>
        tpu.vector_store %arg9[%swap3A_83], %swap3A_86 {strides = array<i32>} : memref<80xi32, #tpu.memory_space<vmem>>, vector<16xi32>,
        %iota3A_87 = tpu.iota {dimensions = array<i32: 0>} : vector<16xi32>
        %add3A_88 = vector.broadcast %add3A_48 : i32 to vector<16xi32>
        %add3A_89 = arith.addi %iota3A_87, %add3A_88 : vector<16xi32>
        %add3A_90 = arith.constant 64 : i32
        %add3A_91 = vector.broadcast %add3A_90 : i32 to vector<16xi32>
        %add3A_92 = arith.addi %add3A_89, %add3A_91 : vector<16xi32>
        %swap3A_93 = arith.constant 64 : index
        %swap3A_94 = tpu.vector_load %arg9[%swap3A_93] {strides = array<i32>} : memref<80xi32, #tpu.memory_space<vmem>>, vector<16xi32>,
        %swap3A_95 = vector.shape_cast %swap3A_94 : vector<16xi32> to vector<16xi32>
        %swap3A_96 = vector.shape_cast %add3A_92 : vector<16xi32> to vector<16xi32>
        tpu.vector_store %arg9[%swap3A_93], %swap3A_96 {strides = array<i32>} : memref<80xi32, #tpu.memory_space<vmem>>, vector<16xi32>,
        "tpu.region"() ({
          %run_scoped3A = tpu.sem_alloc : memref<!tpu.dma_semaphore, #tpu.memory_space<semaphore_mem>>
          %dma_start3A = arith.constant 0 : i32
          %dma_start3A_98 = arith.constant 0 : i32
          %dma_start3A_99 = tpu.memref_slice %arg12[%dma_start3A, %dma_start3A_98] : memref<10000x128xf32, #tpu.memory_space<vmem_shared>> -> memref<10000x128xf32, #tpu.memory_space<vmem_shared>>
          tpu.enqueue_indirect_dma source(%arg11 : memref<80x128xf32, #tpu.memory_space<vmem>>) target(%dma_start3A_99 : memref<10000x128xf32, #tpu.memory_space<vmem_shared>>) offsets(%arg9 : memref<80xi32, #tpu.memory_space<vmem>>) semaphore(%run_scoped3A : memref<!tpu.dma_semaphore, #tpu.memory_space<semaphore_mem>>)
          %dma_wait3A = arith.constant 0 : i32
          %dma_wait3A_100 = arith.constant 0 : i32
          %dma_wait3A_101 = tpu.memref_slice %arg12[%dma_wait3A, %dma_wait3A_100] : memref<10000x128xf32, #tpu.memory_space<vmem_shared>> -> memref<10000x128xf32, #tpu.memory_space<vmem_shared>>
          tpu.wait_indirect_dma semaphore(%run_scoped3A : memref<!tpu.dma_semaphore, #tpu.memory_space<semaphore_mem>>) src(%arg11 : memref<80x128xf32, #tpu.memory_space<vmem>>) dst(%dma_wait3A_101 : memref<10000x128xf32, #tpu.memory_space<vmem_shared>>)
          tpu.yield
        }) : () -> ()
        %scan3A_97 = arith.constant 0 : i32
        scf.yield %scan3A_97 : i32
      }
      %scan3A_41 = arith.constant 5 : i32
    } else {
    }
    "tpu.region"() ({
      %run_scoped3A = tpu.sem_alloc : memref<!tpu.dma_semaphore, #tpu.memory_space<semaphore_mem>>
      %dma_start3A = arith.constant 0 : i32
      %dma_start3A_35 = arith.constant 0 : i32
      %dma_start3A_36 = tpu.memref_slice %arg12[%dma_start3A, %dma_start3A_35] : memref<10000x128xf32, #tpu.memory_space<vmem_shared>> -> memref<10000x128xf32, #tpu.memory_space<vmem_shared>>
      tpu.enqueue_indirect_dma source(%dma_start3A_36 : memref<10000x128xf32, #tpu.memory_space<vmem_shared>>) target(%arg11 : memref<80x128xf32, #tpu.memory_space<vmem>>) offsets(%arg9 : memref<80xi32, #tpu.memory_space<vmem>>) semaphore(%run_scoped3A : memref<!tpu.dma_semaphore, #tpu.memory_space<semaphore_mem>>)
      %dma_wait3A = arith.constant 0 : i32
      %dma_wait3A_37 = arith.constant 0 : i32
      %dma_wait3A_38 = tpu.memref_slice %arg12[%dma_wait3A, %dma_wait3A_37] : memref<10000x128xf32, #tpu.memory_space<vmem_shared>> -> memref<10000x128xf32, #tpu.memory_space<vmem_shared>>
      tpu.wait_indirect_dma semaphore(%run_scoped3A : memref<!tpu.dma_semaphore, #tpu.memory_space<semaphore_mem>>) src(%dma_wait3A_38 : memref<10000x128xf32, #tpu.memory_space<vmem_shared>>) dst(%arg11 : memref<80x128xf32, #tpu.memory_space<vmem>>)
      tpu.yield
    }) : () -> ()
    %barrier3A = arith.constant 0 : index
    tpu.barrier barrier_id(%barrier3A)
    %scan3A_13 = arith.constant 0 : i32
    %scan3A_14 = arith.constant 0 : i32
    %scan3A_15 = arith.constant 5 : i32
    %scan3A_16 = arith.addi %scan3A_14, %scan3A_15 : i32
    %scan3A_17 = arith.constant 1 : i32
    %scan3A_18 = scf.for %scan3A_35 = %scan3A_14 to %scan3A_16 step %scan3A_17 iter_args(%scan3A_36 = %scan3A_13) -> (i32)  : i32 {
      %mul3A_37 = arith.constant 5 : i32
      %mul3A_38 = arith.muli %add3A, %mul3A_37 : i32
      %add3A_39 = arith.addi %mul3A_38, %scan3A_35 : i32
      %mul3A_40 = arith.constant 25 : i32
      %mul3A_41 = arith.muli %add3A_39, %mul3A_40 : i32
      %mul3A_42 = arith.constant 80 : i32
      %mul3A_43 = arith.muli %mul3A_41, %mul3A_42 : i32
      "tpu.region"() ({
        %run_scoped3A = tpu.sem_alloc : memref<!tpu.dma_semaphore, #tpu.memory_space<semaphore_mem>>
        %dma_start3A = tpu.memref_slice %arg3[%mul3A_43] : memref<320000xi32, #tpu.memory_space<hbm>> -> memref<2000xi32, #tpu.memory_space<hbm>>
        %dma_start3A_52 = tpu.memref_slice %arg3[%mul3A_43] : memref<320000xi32, #tpu.memory_space<hbm>> -> memref<2000xi32, #tpu.memory_space<hbm>>
        tpu.enqueue_dma source(%dma_start3A_52 : memref<2000xi32, #tpu.memory_space<hbm>>) target(%arg6 : memref<2000xi32, #tpu.memory_space<vmem>>) target_semaphore(%run_scoped3A : memref<!tpu.dma_semaphore, #tpu.memory_space<semaphore_mem>>)
        %dma_wait3A = tpu.memref_slice %arg3[%mul3A_43] : memref<320000xi32, #tpu.memory_space<hbm>> -> memref<2000xi32, #tpu.memory_space<hbm>>
        %dma_wait3A_53 = tpu.memref_slice %arg3[%mul3A_43] : memref<320000xi32, #tpu.memory_space<hbm>> -> memref<2000xi32, #tpu.memory_space<hbm>>
        tpu.wait_dma2 semaphore(%run_scoped3A : memref<!tpu.dma_semaphore, #tpu.memory_space<semaphore_mem>>) src(%dma_wait3A_53 : memref<2000xi32, #tpu.memory_space<hbm>>) dst(%arg6 : memref<2000xi32, #tpu.memory_space<vmem>>)
        tpu.yield
      }) : () -> ()
      "tpu.region"() ({
        %run_scoped3A = tpu.sem_alloc : memref<!tpu.dma_semaphore, #tpu.memory_space<semaphore_mem>>
        %dma_start3A = tpu.memref_slice %arg4[%mul3A_43] : memref<320000xi32, #tpu.memory_space<hbm>> -> memref<2000xi32, #tpu.memory_space<hbm>>
        %dma_start3A_52 = tpu.memref_slice %arg4[%mul3A_43] : memref<320000xi32, #tpu.memory_space<hbm>> -> memref<2000xi32, #tpu.memory_space<hbm>>
        tpu.enqueue_dma source(%dma_start3A_52 : memref<2000xi32, #tpu.memory_space<hbm>>) target(%arg7 : memref<2000xi32, #tpu.memory_space<vmem>>) target_semaphore(%run_scoped3A : memref<!tpu.dma_semaphore, #tpu.memory_space<semaphore_mem>>)
        %dma_wait3A = tpu.memref_slice %arg4[%mul3A_43] : memref<320000xi32, #tpu.memory_space<hbm>> -> memref<2000xi32, #tpu.memory_space<hbm>>
        %dma_wait3A_53 = tpu.memref_slice %arg4[%mul3A_43] : memref<320000xi32, #tpu.memory_space<hbm>> -> memref<2000xi32, #tpu.memory_space<hbm>>
        tpu.wait_dma2 semaphore(%run_scoped3A : memref<!tpu.dma_semaphore, #tpu.memory_space<semaphore_mem>>) src(%dma_wait3A_53 : memref<2000xi32, #tpu.memory_space<hbm>>) dst(%arg7 : memref<2000xi32, #tpu.memory_space<vmem>>)
        tpu.yield
      }) : () -> ()
      %scan3A_44 = arith.constant 0 : i32
      %scan3A_45 = arith.constant 0 : i32
      %scan3A_46 = arith.constant 25 : i32
      %scan3A_47 = arith.addi %scan3A_45, %scan3A_46 : i32
      %scan3A_48 = arith.constant 1 : i32
      %scan3A_49 = scf.for %scan3A_52 = %scan3A_45 to %scan3A_47 step %scan3A_48 iter_args(%scan3A_53 = %scan3A_44) -> (i32)  : i32 {
        %mul3A_54 = arith.constant 80 : i32
        %mul3A_55 = arith.muli %scan3A_52, %mul3A_54 : i32
        %add3A_56 = arith.constant 0 : i32
        %add3A_57 = arith.addi %mul3A_55, %add3A_56 : i32
        %get3A = arith.index_cast %add3A_57 : i32 to index
        %get3A_58 = tpu.vector_load %arg6[%get3A] {strides = array<i32>} : memref<2000xi32, #tpu.memory_space<vmem>>, vector<16xi32>,
        %get3A_59 = vector.shape_cast %get3A_58 : vector<16xi32> to vector<16xi32>
        %swap3A = arith.constant 0 : index
        %swap3A_60 = tpu.vector_load %arg8[%swap3A] {strides = array<i32>} : memref<80xi32, #tpu.memory_space<vmem>>, vector<16xi32>,
        %swap3A_61 = vector.shape_cast %swap3A_60 : vector<16xi32> to vector<16xi32>
        %swap3A_62 = vector.shape_cast %get3A_59 : vector<16xi32> to vector<16xi32>
        tpu.vector_store %arg8[%swap3A], %swap3A_62 {strides = array<i32>} : memref<80xi32, #tpu.memory_space<vmem>>, vector<16xi32>,
        %mul3A_63 = arith.constant 80 : i32
        %mul3A_64 = arith.muli %scan3A_52, %mul3A_63 : i32
        %add3A_65 = arith.constant 0 : i32
        %add3A_66 = arith.addi %mul3A_64, %add3A_65 : i32
        %get3A_67 = arith.index_cast %add3A_66 : i32 to index
        %get3A_68 = tpu.vector_load %arg7[%get3A_67] {strides = array<i32>} : memref<2000xi32, #tpu.memory_space<vmem>>, vector<16xi32>,
        %get3A_69 = vector.shape_cast %get3A_68 : vector<16xi32> to vector<16xi32>
        %swap3A_70 = arith.constant 0 : index
        %swap3A_71 = tpu.vector_load %arg9[%swap3A_70] {strides = array<i32>} : memref<80xi32, #tpu.memory_space<vmem>>, vector<16xi32>,
        %swap3A_72 = vector.shape_cast %swap3A_71 : vector<16xi32> to vector<16xi32>
        %swap3A_73 = vector.shape_cast %get3A_69 : vector<16xi32> to vector<16xi32>
        tpu.vector_store %arg9[%swap3A_70], %swap3A_73 {strides = array<i32>} : memref<80xi32, #tpu.memory_space<vmem>>, vector<16xi32>,
        %mul3A_74 = arith.constant 80 : i32
        %mul3A_75 = arith.muli %scan3A_52, %mul3A_74 : i32
        %add3A_76 = arith.constant 16 : i32
        %add3A_77 = arith.addi %mul3A_75, %add3A_76 : i32
        %get3A_78 = arith.index_cast %add3A_77 : i32 to index
        %get3A_79 = tpu.vector_load %arg6[%get3A_78] {strides = array<i32>} : memref<2000xi32, #tpu.memory_space<vmem>>, vector<16xi32>,
        %get3A_80 = vector.shape_cast %get3A_79 : vector<16xi32> to vector<16xi32>
        %swap3A_81 = arith.constant 16 : index
        %swap3A_82 = tpu.vector_load %arg8[%swap3A_81] {strides = array<i32>} : memref<80xi32, #tpu.memory_space<vmem>>, vector<16xi32>,
        %swap3A_83 = vector.shape_cast %swap3A_82 : vector<16xi32> to vector<16xi32>
        %swap3A_84 = vector.shape_cast %get3A_80 : vector<16xi32> to vector<16xi32>
        tpu.vector_store %arg8[%swap3A_81], %swap3A_84 {strides = array<i32>} : memref<80xi32, #tpu.memory_space<vmem>>, vector<16xi32>,
        %mul3A_85 = arith.constant 80 : i32
        %mul3A_86 = arith.muli %scan3A_52, %mul3A_85 : i32
        %add3A_87 = arith.constant 16 : i32
        %add3A_88 = arith.addi %mul3A_86, %add3A_87 : i32
        %get3A_89 = arith.index_cast %add3A_88 : i32 to index
        %get3A_90 = tpu.vector_load %arg7[%get3A_89] {strides = array<i32>} : memref<2000xi32, #tpu.memory_space<vmem>>, vector<16xi32>,
        %get3A_91 = vector.shape_cast %get3A_90 : vector<16xi32> to vector<16xi32>
        %swap3A_92 = arith.constant 16 : index
        %swap3A_93 = tpu.vector_load %arg9[%swap3A_92] {strides = array<i32>} : memref<80xi32, #tpu.memory_space<vmem>>, vector<16xi32>,
        %swap3A_94 = vector.shape_cast %swap3A_93 : vector<16xi32> to vector<16xi32>
        %swap3A_95 = vector.shape_cast %get3A_91 : vector<16xi32> to vector<16xi32>
        tpu.vector_store %arg9[%swap3A_92], %swap3A_95 {strides = array<i32>} : memref<80xi32, #tpu.memory_space<vmem>>, vector<16xi32>,
        %mul3A_96 = arith.constant 80 : i32
        %mul3A_97 = arith.muli %scan3A_52, %mul3A_96 : i32
        %add3A_98 = arith.constant 32 : i32
        %add3A_99 = arith.addi %mul3A_97, %add3A_98 : i32
        %get3A_100 = arith.index_cast %add3A_99 : i32 to index
        %get3A_101 = tpu.vector_load %arg6[%get3A_100] {strides = array<i32>} : memref<2000xi32, #tpu.memory_space<vmem>>, vector<16xi32>,
        %get3A_102 = vector.shape_cast %get3A_101 : vector<16xi32> to vector<16xi32>
        %swap3A_103 = arith.constant 32 : index
        %swap3A_104 = tpu.vector_load %arg8[%swap3A_103] {strides = array<i32>} : memref<80xi32, #tpu.memory_space<vmem>>, vector<16xi32>,
        %swap3A_105 = vector.shape_cast %swap3A_104 : vector<16xi32> to vector<16xi32>
        %swap3A_106 = vector.shape_cast %get3A_102 : vector<16xi32> to vector<16xi32>
        tpu.vector_store %arg8[%swap3A_103], %swap3A_106 {strides = array<i32>} : memref<80xi32, #tpu.memory_space<vmem>>, vector<16xi32>,
        %mul3A_107 = arith.constant 80 : i32
        %mul3A_108 = arith.muli %scan3A_52, %mul3A_107 : i32
        %add3A_109 = arith.constant 32 : i32
        %add3A_110 = arith.addi %mul3A_108, %add3A_109 : i32
        %get3A_111 = arith.index_cast %add3A_110 : i32 to index
        %get3A_112 = tpu.vector_load %arg7[%get3A_111] {strides = array<i32>} : memref<2000xi32, #tpu.memory_space<vmem>>, vector<16xi32>,
        %get3A_113 = vector.shape_cast %get3A_112 : vector<16xi32> to vector<16xi32>
        %swap3A_114 = arith.constant 32 : index
        %swap3A_115 = tpu.vector_load %arg9[%swap3A_114] {strides = array<i32>} : memref<80xi32, #tpu.memory_space<vmem>>, vector<16xi32>,
        %swap3A_116 = vector.shape_cast %swap3A_115 : vector<16xi32> to vector<16xi32>
        %swap3A_117 = vector.shape_cast %get3A_113 : vector<16xi32> to vector<16xi32>
        tpu.vector_store %arg9[%swap3A_114], %swap3A_117 {strides = array<i32>} : memref<80xi32, #tpu.memory_space<vmem>>, vector<16xi32>,
        %mul3A_118 = arith.constant 80 : i32
        %mul3A_119 = arith.muli %scan3A_52, %mul3A_118 : i32
        %add3A_120 = arith.constant 48 : i32
        %add3A_121 = arith.addi %mul3A_119, %add3A_120 : i32
        %get3A_122 = arith.index_cast %add3A_121 : i32 to index
        %get3A_123 = tpu.vector_load %arg6[%get3A_122] {strides = array<i32>} : memref<2000xi32, #tpu.memory_space<vmem>>, vector<16xi32>,
        %get3A_124 = vector.shape_cast %get3A_123 : vector<16xi32> to vector<16xi32>
        %swap3A_125 = arith.constant 48 : index
        %swap3A_126 = tpu.vector_load %arg8[%swap3A_125] {strides = array<i32>} : memref<80xi32, #tpu.memory_space<vmem>>, vector<16xi32>,
        %swap3A_127 = vector.shape_cast %swap3A_126 : vector<16xi32> to vector<16xi32>
        %swap3A_128 = vector.shape_cast %get3A_124 : vector<16xi32> to vector<16xi32>
        tpu.vector_store %arg8[%swap3A_125], %swap3A_128 {strides = array<i32>} : memref<80xi32, #tpu.memory_space<vmem>>, vector<16xi32>,
        %mul3A_129 = arith.constant 80 : i32
        %mul3A_130 = arith.muli %scan3A_52, %mul3A_129 : i32
        %add3A_131 = arith.constant 48 : i32
        %add3A_132 = arith.addi %mul3A_130, %add3A_131 : i32
        %get3A_133 = arith.index_cast %add3A_132 : i32 to index
        %get3A_134 = tpu.vector_load %arg7[%get3A_133] {strides = array<i32>} : memref<2000xi32, #tpu.memory_space<vmem>>, vector<16xi32>,
        %get3A_135 = vector.shape_cast %get3A_134 : vector<16xi32> to vector<16xi32>
        %swap3A_136 = arith.constant 48 : index
        %swap3A_137 = tpu.vector_load %arg9[%swap3A_136] {strides = array<i32>} : memref<80xi32, #tpu.memory_space<vmem>>, vector<16xi32>,
        %swap3A_138 = vector.shape_cast %swap3A_137 : vector<16xi32> to vector<16xi32>
        %swap3A_139 = vector.shape_cast %get3A_135 : vector<16xi32> to vector<16xi32>
        tpu.vector_store %arg9[%swap3A_136], %swap3A_139 {strides = array<i32>} : memref<80xi32, #tpu.memory_space<vmem>>, vector<16xi32>,
        %mul3A_140 = arith.constant 80 : i32
        %mul3A_141 = arith.muli %scan3A_52, %mul3A_140 : i32
        %add3A_142 = arith.constant 64 : i32
        %add3A_143 = arith.addi %mul3A_141, %add3A_142 : i32
        %get3A_144 = arith.index_cast %add3A_143 : i32 to index
        %get3A_145 = tpu.vector_load %arg6[%get3A_144] {strides = array<i32>} : memref<2000xi32, #tpu.memory_space<vmem>>, vector<16xi32>,
        %get3A_146 = vector.shape_cast %get3A_145 : vector<16xi32> to vector<16xi32>
        %swap3A_147 = arith.constant 64 : index
        %swap3A_148 = tpu.vector_load %arg8[%swap3A_147] {strides = array<i32>} : memref<80xi32, #tpu.memory_space<vmem>>, vector<16xi32>,
        %swap3A_149 = vector.shape_cast %swap3A_148 : vector<16xi32> to vector<16xi32>
        %swap3A_150 = vector.shape_cast %get3A_146 : vector<16xi32> to vector<16xi32>
        tpu.vector_store %arg8[%swap3A_147], %swap3A_150 {strides = array<i32>} : memref<80xi32, #tpu.memory_space<vmem>>, vector<16xi32>,
        %mul3A_151 = arith.constant 80 : i32
        %mul3A_152 = arith.muli %scan3A_52, %mul3A_151 : i32
        %add3A_153 = arith.constant 64 : i32
        %add3A_154 = arith.addi %mul3A_152, %add3A_153 : i32
        %get3A_155 = arith.index_cast %add3A_154 : i32 to index
        %get3A_156 = tpu.vector_load %arg7[%get3A_155] {strides = array<i32>} : memref<2000xi32, #tpu.memory_space<vmem>>, vector<16xi32>,
        %get3A_157 = vector.shape_cast %get3A_156 : vector<16xi32> to vector<16xi32>
        %swap3A_158 = arith.constant 64 : index
        %swap3A_159 = tpu.vector_load %arg9[%swap3A_158] {strides = array<i32>} : memref<80xi32, #tpu.memory_space<vmem>>, vector<16xi32>,
        %swap3A_160 = vector.shape_cast %swap3A_159 : vector<16xi32> to vector<16xi32>
        %swap3A_161 = vector.shape_cast %get3A_157 : vector<16xi32> to vector<16xi32>
        tpu.vector_store %arg9[%swap3A_158], %swap3A_161 {strides = array<i32>} : memref<80xi32, #tpu.memory_space<vmem>>, vector<16xi32>,
        %dma_start3A = arith.constant 0 : i32
        %dma_start3A_162 = arith.constant 0 : i32
        %dma_start3A_163 = tpu.memref_slice %arg2[%dma_start3A, %dma_start3A_162] : memref<10000x128xf32, #tpu.memory_space<hbm>> -> memref<10000x128xf32, #tpu.memory_space<hbm>>
        tpu.enqueue_indirect_dma source(%dma_start3A_163 : memref<10000x128xf32, #tpu.memory_space<hbm>>) target(%arg10 : memref<80x128xf32, #tpu.memory_space<vmem>>) offsets(%arg8 : memref<80xi32, #tpu.memory_space<vmem>>) semaphore(%arg13 : memref<!tpu.dma_semaphore, #tpu.memory_space<semaphore_mem>>)
        %dma_wait3A = arith.constant 0 : i32
        %dma_wait3A_164 = arith.constant 0 : i32
        %dma_wait3A_165 = tpu.memref_slice %arg2[%dma_wait3A, %dma_wait3A_164] : memref<10000x128xf32, #tpu.memory_space<hbm>> -> memref<10000x128xf32, #tpu.memory_space<hbm>>
        tpu.wait_indirect_dma semaphore(%arg13 : memref<!tpu.dma_semaphore, #tpu.memory_space<semaphore_mem>>) src(%dma_wait3A_165 : memref<10000x128xf32, #tpu.memory_space<hbm>>) dst(%arg10 : memref<80x128xf32, #tpu.memory_space<vmem>>)
        "tpu.region"() ({
          %run_scoped3A = tpu.sem_alloc : memref<!tpu.dma_semaphore, #tpu.memory_space<semaphore_mem>>
          %dma_start3A_167 = arith.constant 0 : i32
          %dma_start3A_168 = arith.constant 0 : i32
          %dma_start3A_169 = tpu.memref_slice %arg12[%dma_start3A_167, %dma_start3A_168] : memref<10000x128xf32, #tpu.memory_space<vmem_shared>> -> memref<10000x128xf32, #tpu.memory_space<vmem_shared>>
          tpu.enqueue_indirect_dma source(%arg10 : memref<80x128xf32, #tpu.memory_space<vmem>>) target(%dma_start3A_169 : memref<10000x128xf32, #tpu.memory_space<vmem_shared>>) offsets(%arg9 : memref<80xi32, #tpu.memory_space<vmem>>) semaphore(%run_scoped3A : memref<!tpu.dma_semaphore, #tpu.memory_space<semaphore_mem>>) {add = true}
          %dma_wait3A_170 = arith.constant 0 : i32
          %dma_wait3A_171 = arith.constant 0 : i32
          %dma_wait3A_172 = tpu.memref_slice %arg12[%dma_wait3A_170, %dma_wait3A_171] : memref<10000x128xf32, #tpu.memory_space<vmem_shared>> -> memref<10000x128xf32, #tpu.memory_space<vmem_shared>>
          tpu.wait_indirect_dma semaphore(%run_scoped3A : memref<!tpu.dma_semaphore, #tpu.memory_space<semaphore_mem>>) src(%arg10 : memref<80x128xf32, #tpu.memory_space<vmem>>) dst(%dma_wait3A_172 : memref<10000x128xf32, #tpu.memory_space<vmem_shared>>)
          tpu.yield
        }) : () -> ()
        %scan3A_166 = arith.constant 0 : i32
        scf.yield %scan3A_166 : i32
      }
      %scan3A_50 = arith.constant 25 : i32
      %scan3A_51 = arith.constant 0 : i32
      scf.yield %scan3A_51 : i32
    }
    %scan3A_19 = arith.constant 5 : i32
    "tpu.region"() ({
      %run_scoped3A = tpu.sem_alloc : memref<!tpu.dma_semaphore, #tpu.memory_space<semaphore_mem>>
      %dma_start3A = arith.constant 0 : i32
      %dma_start3A_35 = arith.constant 0 : i32
      %dma_start3A_36 = tpu.memref_slice %arg12[%dma_start3A, %dma_start3A_35] : memref<10000x128xf32, #tpu.memory_space<vmem_shared>> -> memref<10000x128xf32, #tpu.memory_space<vmem_shared>>
      tpu.enqueue_indirect_dma source(%dma_start3A_36 : memref<10000x128xf32, #tpu.memory_space<vmem_shared>>) target(%arg10 : memref<80x128xf32, #tpu.memory_space<vmem>>) offsets(%arg9 : memref<80xi32, #tpu.memory_space<vmem>>) semaphore(%run_scoped3A : memref<!tpu.dma_semaphore, #tpu.memory_space<semaphore_mem>>)
      %dma_wait3A = arith.constant 0 : i32
      %dma_wait3A_37 = arith.constant 0 : i32
      %dma_wait3A_38 = tpu.memref_slice %arg12[%dma_wait3A, %dma_wait3A_37] : memref<10000x128xf32, #tpu.memory_space<vmem_shared>> -> memref<10000x128xf32, #tpu.memory_space<vmem_shared>>
      tpu.wait_indirect_dma semaphore(%run_scoped3A : memref<!tpu.dma_semaphore, #tpu.memory_space<semaphore_mem>>) src(%dma_wait3A_38 : memref<10000x128xf32, #tpu.memory_space<vmem_shared>>) dst(%arg10 : memref<80x128xf32, #tpu.memory_space<vmem>>)
      tpu.yield
    }) : () -> ()
    %barrier3A_20 = arith.constant 0 : index
    tpu.barrier barrier_id(%barrier3A_20)
    %lt3A_21 = arith.constant 15 : i32
    %lt3A_22 = arith.cmpi slt, %arg1, %lt3A_21 : i32
    %jit3A = arith.constant 8 : i32
    %jit3A_23 = arith.constant 5 : i32
    %select_n3A = arith.select %lt3A_22, %jit3A, %jit3A_23 : i32
    %while3A = arith.constant 0 : i32
    %while3A_24 = arith.constant 0 : i32
    %while3A_25 = arith.subi %select_n3A, %while3A : i32
    %while3A_26 = arith.addi %while3A, %while3A_25 : i32
    %while3A_27 = arith.constant 1 : i32
    %while3A_28 = arith.divsi %while3A_25, %while3A_27 : i32
    %while3A_29 = arith.muli %while3A_28, %while3A_27 : i32
    %while3A_30 = arith.addi %while3A, %while3A_29 : i32
    %while3A_31 = arith.constant 1 : i32
    %while3A_32 = scf.for %while3A_35 = %while3A to %while3A_30 step %while3A_31 iter_args(%while3A_36 = %while3A_24) -> (i32)  : i32 {
      %mul3A_37 = arith.constant 640 : i32
      %mul3A_38 = arith.muli %arg1, %mul3A_37 : i32
      %mul3A_39 = arith.constant 80 : i32
      %mul3A_40 = arith.muli %while3A_35, %mul3A_39 : i32
      %add3A_41 = arith.addi %mul3A_38, %mul3A_40 : i32
      %iota3A = tpu.iota {dimensions = array<i32: 0>} : vector<16xi32>
      %add3A_42 = vector.broadcast %add3A_41 : i32 to vector<16xi32>
      %add3A_43 = arith.addi %iota3A, %add3A_42 : vector<16xi32>
      %add3A_44 = arith.constant 0 : i32
      %add3A_45 = vector.broadcast %add3A_44 : i32 to vector<16xi32>
      %add3A_46 = arith.addi %add3A_43, %add3A_45 : vector<16xi32>
      %swap3A = arith.constant 0 : index
      %swap3A_47 = tpu.vector_load %arg9[%swap3A] {strides = array<i32>} : memref<80xi32, #tpu.memory_space<vmem>>, vector<16xi32>,
      %swap3A_48 = vector.shape_cast %swap3A_47 : vector<16xi32> to vector<16xi32>
      %swap3A_49 = vector.shape_cast %add3A_46 : vector<16xi32> to vector<16xi32>
      tpu.vector_store %arg9[%swap3A], %swap3A_49 {strides = array<i32>} : memref<80xi32, #tpu.memory_space<vmem>>, vector<16xi32>,
      %iota3A_50 = tpu.iota {dimensions = array<i32: 0>} : vector<16xi32>
      %add3A_51 = vector.broadcast %add3A_41 : i32 to vector<16xi32>
      %add3A_52 = arith.addi %iota3A_50, %add3A_51 : vector<16xi32>
      %add3A_53 = arith.constant 16 : i32
      %add3A_54 = vector.broadcast %add3A_53 : i32 to vector<16xi32>
      %add3A_55 = arith.addi %add3A_52, %add3A_54 : vector<16xi32>
      %swap3A_56 = arith.constant 16 : index
      %swap3A_57 = tpu.vector_load %arg9[%swap3A_56] {strides = array<i32>} : memref<80xi32, #tpu.memory_space<vmem>>, vector<16xi32>,
      %swap3A_58 = vector.shape_cast %swap3A_57 : vector<16xi32> to vector<16xi32>
      %swap3A_59 = vector.shape_cast %add3A_55 : vector<16xi32> to vector<16xi32>
      tpu.vector_store %arg9[%swap3A_56], %swap3A_59 {strides = array<i32>} : memref<80xi32, #tpu.memory_space<vmem>>, vector<16xi32>,
      %iota3A_60 = tpu.iota {dimensions = array<i32: 0>} : vector<16xi32>
      %add3A_61 = vector.broadcast %add3A_41 : i32 to vector<16xi32>
      %add3A_62 = arith.addi %iota3A_60, %add3A_61 : vector<16xi32>
      %add3A_63 = arith.constant 32 : i32
      %add3A_64 = vector.broadcast %add3A_63 : i32 to vector<16xi32>
      %add3A_65 = arith.addi %add3A_62, %add3A_64 : vector<16xi32>
      %swap3A_66 = arith.constant 32 : index
      %swap3A_67 = tpu.vector_load %arg9[%swap3A_66] {strides = array<i32>} : memref<80xi32, #tpu.memory_space<vmem>>, vector<16xi32>,
      %swap3A_68 = vector.shape_cast %swap3A_67 : vector<16xi32> to vector<16xi32>
      %swap3A_69 = vector.shape_cast %add3A_65 : vector<16xi32> to vector<16xi32>
      tpu.vector_store %arg9[%swap3A_66], %swap3A_69 {strides = array<i32>} : memref<80xi32, #tpu.memory_space<vmem>>, vector<16xi32>,
      %iota3A_70 = tpu.iota {dimensions = array<i32: 0>} : vector<16xi32>
      %add3A_71 = vector.broadcast %add3A_41 : i32 to vector<16xi32>
      %add3A_72 = arith.addi %iota3A_70, %add3A_71 : vector<16xi32>
      %add3A_73 = arith.constant 48 : i32
      %add3A_74 = vector.broadcast %add3A_73 : i32 to vector<16xi32>
      %add3A_75 = arith.addi %add3A_72, %add3A_74 : vector<16xi32>
      %swap3A_76 = arith.constant 48 : index
      %swap3A_77 = tpu.vector_load %arg9[%swap3A_76] {strides = array<i32>} : memref<80xi32, #tpu.memory_space<vmem>>, vector<16xi32>,
      %swap3A_78 = vector.shape_cast %swap3A_77 : vector<16xi32> to vector<16xi32>
      %swap3A_79 = vector.shape_cast %add3A_75 : vector<16xi32> to vector<16xi32>
      tpu.vector_store %arg9[%swap3A_76], %swap3A_79 {strides = array<i32>} : memref<80xi32, #tpu.memory_space<vmem>>, vector<16xi32>,
      %iota3A_80 = tpu.iota {dimensions = array<i32: 0>} : vector<16xi32>
      %add3A_81 = vector.broadcast %add3A_41 : i32 to vector<16xi32>
      %add3A_82 = arith.addi %iota3A_80, %add3A_81 : vector<16xi32>
      %add3A_83 = arith.constant 64 : i32
      %add3A_84 = vector.broadcast %add3A_83 : i32 to vector<16xi32>
      %add3A_85 = arith.addi %add3A_82, %add3A_84 : vector<16xi32>
      %swap3A_86 = arith.constant 64 : index
      %swap3A_87 = tpu.vector_load %arg9[%swap3A_86] {strides = array<i32>} : memref<80xi32, #tpu.memory_space<vmem>>, vector<16xi32>,
      %swap3A_88 = vector.shape_cast %swap3A_87 : vector<16xi32> to vector<16xi32>
      %swap3A_89 = vector.shape_cast %add3A_85 : vector<16xi32> to vector<16xi32>
      tpu.vector_store %arg9[%swap3A_86], %swap3A_89 {strides = array<i32>} : memref<80xi32, #tpu.memory_space<vmem>>, vector<16xi32>,
      "tpu.region"() ({
        %run_scoped3A = tpu.sem_alloc : memref<!tpu.dma_semaphore, #tpu.memory_space<semaphore_mem>>
        %dma_start3A = arith.constant 0 : i32
        %dma_start3A_94 = arith.constant 0 : i32
        %dma_start3A_95 = tpu.memref_slice %arg12[%dma_start3A, %dma_start3A_94] : memref<10000x128xf32, #tpu.memory_space<vmem_shared>> -> memref<10000x128xf32, #tpu.memory_space<vmem_shared>>
        tpu.enqueue_indirect_dma source(%dma_start3A_95 : memref<10000x128xf32, #tpu.memory_space<vmem_shared>>) target(%arg11 : memref<80x128xf32, #tpu.memory_space<vmem>>) offsets(%arg9 : memref<80xi32, #tpu.memory_space<vmem>>) semaphore(%run_scoped3A : memref<!tpu.dma_semaphore, #tpu.memory_space<semaphore_mem>>)
        %dma_wait3A = arith.constant 0 : i32
        %dma_wait3A_96 = arith.constant 0 : i32
        %dma_wait3A_97 = tpu.memref_slice %arg12[%dma_wait3A, %dma_wait3A_96] : memref<10000x128xf32, #tpu.memory_space<vmem_shared>> -> memref<10000x128xf32, #tpu.memory_space<vmem_shared>>
        tpu.wait_indirect_dma semaphore(%run_scoped3A : memref<!tpu.dma_semaphore, #tpu.memory_space<semaphore_mem>>) src(%dma_wait3A_97 : memref<10000x128xf32, #tpu.memory_space<vmem_shared>>) dst(%arg11 : memref<80x128xf32, #tpu.memory_space<vmem>>)
        tpu.yield
      }) : () -> ()
      %mul3A_90 = arith.constant 10000 : i32
      %mul3A_91 = arith.muli %arg0, %mul3A_90 : i32
      %add3A_92 = arith.addi %mul3A_91, %add3A_41 : i32
      "tpu.region"() ({
        %run_scoped3A = tpu.sem_alloc : memref<!tpu.dma_semaphore, #tpu.memory_space<semaphore_mem>>
        %dma_start3A = arith.constant 0 : i32
        %dma_start3A_94 = tpu.memref_slice %arg5[%add3A_92, %dma_start3A] : memref<20000x128xf32, #tpu.memory_space<hbm>> -> memref<80x128xf32, #tpu.memory_space<hbm>>
        %dma_start3A_95 = arith.constant 0 : i32
        %dma_start3A_96 = tpu.memref_slice %arg5[%add3A_92, %dma_start3A_95] : memref<20000x128xf32, #tpu.memory_space<hbm>> -> memref<80x128xf32, #tpu.memory_space<hbm>>
        tpu.enqueue_dma source(%arg11 : memref<80x128xf32, #tpu.memory_space<vmem>>) target(%dma_start3A_96 : memref<80x128xf32, #tpu.memory_space<hbm>>) target_semaphore(%run_scoped3A : memref<!tpu.dma_semaphore, #tpu.memory_space<semaphore_mem>>)
        %dma_wait3A = arith.constant 0 : i32
        %dma_wait3A_97 = tpu.memref_slice %arg5[%add3A_92, %dma_wait3A] : memref<20000x128xf32, #tpu.memory_space<hbm>> -> memref<80x128xf32, #tpu.memory_space<hbm>>
        %dma_wait3A_98 = arith.constant 0 : i32
        %dma_wait3A_99 = tpu.memref_slice %arg5[%add3A_92, %dma_wait3A_98] : memref<20000x128xf32, #tpu.memory_space<hbm>> -> memref<80x128xf32, #tpu.memory_space<hbm>>
        tpu.wait_dma2 semaphore(%run_scoped3A : memref<!tpu.dma_semaphore, #tpu.memory_space<semaphore_mem>>) src(%arg11 : memref<80x128xf32, #tpu.memory_space<vmem>>) dst(%dma_wait3A_99 : memref<80x128xf32, #tpu.memory_space<hbm>>)
        tpu.yield
      }) : () -> ()
      %while3A_93 = arith.constant 0 : i32
      scf.yield %while3A_93 : i32
    }
    %while3A_33 = arith.constant 1 : i32
    %while3A_34 = scf.for %while3A_35 = %while3A_30 to %while3A_26 step %while3A_33 iter_args(%while3A_36 = %while3A_32) -> (i32)  : i32 {
      %mul3A_37 = arith.constant 640 : i32
      %mul3A_38 = arith.muli %arg1, %mul3A_37 : i32
      %mul3A_39 = arith.constant 80 : i32
      %mul3A_40 = arith.muli %while3A_35, %mul3A_39 : i32
      %add3A_41 = arith.addi %mul3A_38, %mul3A_40 : i32
      %iota3A = tpu.iota {dimensions = array<i32: 0>} : vector<16xi32>
      %add3A_42 = vector.broadcast %add3A_41 : i32 to vector<16xi32>
      %add3A_43 = arith.addi %iota3A, %add3A_42 : vector<16xi32>
      %add3A_44 = arith.constant 0 : i32
      %add3A_45 = vector.broadcast %add3A_44 : i32 to vector<16xi32>
      %add3A_46 = arith.addi %add3A_43, %add3A_45 : vector<16xi32>
      %swap3A = arith.constant 0 : index
      %swap3A_47 = tpu.vector_load %arg9[%swap3A] {strides = array<i32>} : memref<80xi32, #tpu.memory_space<vmem>>, vector<16xi32>,
      %swap3A_48 = vector.shape_cast %swap3A_47 : vector<16xi32> to vector<16xi32>
      %swap3A_49 = vector.shape_cast %add3A_46 : vector<16xi32> to vector<16xi32>
      tpu.vector_store %arg9[%swap3A], %swap3A_49 {strides = array<i32>} : memref<80xi32, #tpu.memory_space<vmem>>, vector<16xi32>,
      %iota3A_50 = tpu.iota {dimensions = array<i32: 0>} : vector<16xi32>
      %add3A_51 = vector.broadcast %add3A_41 : i32 to vector<16xi32>
      %add3A_52 = arith.addi %iota3A_50, %add3A_51 : vector<16xi32>
      %add3A_53 = arith.constant 16 : i32
      %add3A_54 = vector.broadcast %add3A_53 : i32 to vector<16xi32>
      %add3A_55 = arith.addi %add3A_52, %add3A_54 : vector<16xi32>
      %swap3A_56 = arith.constant 16 : index
      %swap3A_57 = tpu.vector_load %arg9[%swap3A_56] {strides = array<i32>} : memref<80xi32, #tpu.memory_space<vmem>>, vector<16xi32>,
      %swap3A_58 = vector.shape_cast %swap3A_57 : vector<16xi32> to vector<16xi32>
      %swap3A_59 = vector.shape_cast %add3A_55 : vector<16xi32> to vector<16xi32>
      tpu.vector_store %arg9[%swap3A_56], %swap3A_59 {strides = array<i32>} : memref<80xi32, #tpu.memory_space<vmem>>, vector<16xi32>,
      %iota3A_60 = tpu.iota {dimensions = array<i32: 0>} : vector<16xi32>
      %add3A_61 = vector.broadcast %add3A_41 : i32 to vector<16xi32>
      %add3A_62 = arith.addi %iota3A_60, %add3A_61 : vector<16xi32>
      %add3A_63 = arith.constant 32 : i32
      %add3A_64 = vector.broadcast %add3A_63 : i32 to vector<16xi32>
      %add3A_65 = arith.addi %add3A_62, %add3A_64 : vector<16xi32>
      %swap3A_66 = arith.constant 32 : index
      %swap3A_67 = tpu.vector_load %arg9[%swap3A_66] {strides = array<i32>} : memref<80xi32, #tpu.memory_space<vmem>>, vector<16xi32>,
      %swap3A_68 = vector.shape_cast %swap3A_67 : vector<16xi32> to vector<16xi32>
      %swap3A_69 = vector.shape_cast %add3A_65 : vector<16xi32> to vector<16xi32>
      tpu.vector_store %arg9[%swap3A_66], %swap3A_69 {strides = array<i32>} : memref<80xi32, #tpu.memory_space<vmem>>, vector<16xi32>,
      %iota3A_70 = tpu.iota {dimensions = array<i32: 0>} : vector<16xi32>
      %add3A_71 = vector.broadcast %add3A_41 : i32 to vector<16xi32>
      %add3A_72 = arith.addi %iota3A_70, %add3A_71 : vector<16xi32>
      %add3A_73 = arith.constant 48 : i32
      %add3A_74 = vector.broadcast %add3A_73 : i32 to vector<16xi32>
      %add3A_75 = arith.addi %add3A_72, %add3A_74 : vector<16xi32>
      %swap3A_76 = arith.constant 48 : index
      %swap3A_77 = tpu.vector_load %arg9[%swap3A_76] {strides = array<i32>} : memref<80xi32, #tpu.memory_space<vmem>>, vector<16xi32>,
      %swap3A_78 = vector.shape_cast %swap3A_77 : vector<16xi32> to vector<16xi32>
      %swap3A_79 = vector.shape_cast %add3A_75 : vector<16xi32> to vector<16xi32>
      tpu.vector_store %arg9[%swap3A_76], %swap3A_79 {strides = array<i32>} : memref<80xi32, #tpu.memory_space<vmem>>, vector<16xi32>,
      %iota3A_80 = tpu.iota {dimensions = array<i32: 0>} : vector<16xi32>
      %add3A_81 = vector.broadcast %add3A_41 : i32 to vector<16xi32>
      %add3A_82 = arith.addi %iota3A_80, %add3A_81 : vector<16xi32>
      %add3A_83 = arith.constant 64 : i32
      %add3A_84 = vector.broadcast %add3A_83 : i32 to vector<16xi32>
      %add3A_85 = arith.addi %add3A_82, %add3A_84 : vector<16xi32>
      %swap3A_86 = arith.constant 64 : index
      %swap3A_87 = tpu.vector_load %arg9[%swap3A_86] {strides = array<i32>} : memref<80xi32, #tpu.memory_space<vmem>>, vector<16xi32>,
      %swap3A_88 = vector.shape_cast %swap3A_87 : vector<16xi32> to vector<16xi32>
      %swap3A_89 = vector.shape_cast %add3A_85 : vector<16xi32> to vector<16xi32>
      tpu.vector_store %arg9[%swap3A_86], %swap3A_89 {strides = array<i32>} : memref<80xi32, #tpu.memory_space<vmem>>, vector<16xi32>,
      "tpu.region"() ({
        %run_scoped3A = tpu.sem_alloc : memref<!tpu.dma_semaphore, #tpu.memory_space<semaphore_mem>>
        %dma_start3A = arith.constant 0 : i32
        %dma_start3A_94 = arith.constant 0 : i32
        %dma_start3A_95 = tpu.memref_slice %arg12[%dma_start3A, %dma_start3A_94] : memref<10000x128xf32, #tpu.memory_space<vmem_shared>> -> memref<10000x128xf32, #tpu.memory_space<vmem_shared>>
        tpu.enqueue_indirect_dma source(%dma_start3A_95 : memref<10000x128xf32, #tpu.memory_space<vmem_shared>>) target(%arg11 : memref<80x128xf32, #tpu.memory_space<vmem>>) offsets(%arg9 : memref<80xi32, #tpu.memory_space<vmem>>) semaphore(%run_scoped3A : memref<!tpu.dma_semaphore, #tpu.memory_space<semaphore_mem>>)
        %dma_wait3A = arith.constant 0 : i32
        %dma_wait3A_96 = arith.constant 0 : i32
        %dma_wait3A_97 = tpu.memref_slice %arg12[%dma_wait3A, %dma_wait3A_96] : memref<10000x128xf32, #tpu.memory_space<vmem_shared>> -> memref<10000x128xf32, #tpu.memory_space<vmem_shared>>
        tpu.wait_indirect_dma semaphore(%run_scoped3A : memref<!tpu.dma_semaphore, #tpu.memory_space<semaphore_mem>>) src(%dma_wait3A_97 : memref<10000x128xf32, #tpu.memory_space<vmem_shared>>) dst(%arg11 : memref<80x128xf32, #tpu.memory_space<vmem>>)
        tpu.yield
      }) : () -> ()
      %mul3A_90 = arith.constant 10000 : i32
      %mul3A_91 = arith.muli %arg0, %mul3A_90 : i32
      %add3A_92 = arith.addi %mul3A_91, %add3A_41 : i32
      "tpu.region"() ({
        %run_scoped3A = tpu.sem_alloc : memref<!tpu.dma_semaphore, #tpu.memory_space<semaphore_mem>>
        %dma_start3A = arith.constant 0 : i32
        %dma_start3A_94 = tpu.memref_slice %arg5[%add3A_92, %dma_start3A] : memref<20000x128xf32, #tpu.memory_space<hbm>> -> memref<80x128xf32, #tpu.memory_space<hbm>>
        %dma_start3A_95 = arith.constant 0 : i32
        %dma_start3A_96 = tpu.memref_slice %arg5[%add3A_92, %dma_start3A_95] : memref<20000x128xf32, #tpu.memory_space<hbm>> -> memref<80x128xf32, #tpu.memory_space<hbm>>
        tpu.enqueue_dma source(%arg11 : memref<80x128xf32, #tpu.memory_space<vmem>>) target(%dma_start3A_96 : memref<80x128xf32, #tpu.memory_space<hbm>>) target_semaphore(%run_scoped3A : memref<!tpu.dma_semaphore, #tpu.memory_space<semaphore_mem>>)
        %dma_wait3A = arith.constant 0 : i32
        %dma_wait3A_97 = tpu.memref_slice %arg5[%add3A_92, %dma_wait3A] : memref<20000x128xf32, #tpu.memory_space<hbm>> -> memref<80x128xf32, #tpu.memory_space<hbm>>
        %dma_wait3A_98 = arith.constant 0 : i32
        %dma_wait3A_99 = tpu.memref_slice %arg5[%add3A_92, %dma_wait3A_98] : memref<20000x128xf32, #tpu.memory_space<hbm>> -> memref<80x128xf32, #tpu.memory_space<hbm>>
        tpu.wait_dma2 semaphore(%run_scoped3A : memref<!tpu.dma_semaphore, #tpu.memory_space<semaphore_mem>>) src(%arg11 : memref<80x128xf32, #tpu.memory_space<vmem>>) dst(%dma_wait3A_99 : memref<80x128xf32, #tpu.memory_space<hbm>>)
        tpu.yield
      }) : () -> ()
      %while3A_93 = arith.constant 0 : i32
      scf.yield %while3A_93 : i32
    }
    return
  }
}

#map = affine_map<(d0, d1) -> (0)>
#map1 = affine_map<(d0, d1) -> (0, 0)>
module attributes {stable_mosaic.version = 14 : i64} {
  func.func @k(%arg0: i32, %arg1: i32, %arg2: memref<320000xi32, #tpu.memory_space<hbm>>, %arg3: memref<20000x16xf32, #tpu.memory_space<hbm>>, %arg4: memref<2000xi32, #tpu.memory_space<vmem>>, %arg5: memref<80xi32, #tpu.memory_space<vmem>>, %arg6: memref<80x16xf32, #tpu.memory_space<vmem>>, %arg7: memref<80x16xf32, #tpu.memory_space<vmem>>, %arg8: memref<10000x16xf32, #tpu.memory_space<vmem_shared>>) attributes {dimension_semantics = [#tpu.dimension_semantics<core_parallel>, #tpu.dimension_semantics<subcore_parallel>], iteration_bounds = array<i64: 2, 16>, scalar_prefetch = 0 : i64, scratch_operands = 5 : i64, tpu.core_type = #tpu.core_type<sc_vector_subcore>, window_params = [{transform_indices = #map}, {transform_indices = #map1}]} {
    %mul3A = arith.constant 16 : i32
    %mul3A_0 = arith.muli %arg0, %mul3A : i32
    %add3A = arith.addi %mul3A_0, %arg1 : i32
    %scan3A = arith.constant 0 : i32
    %scan3A_1 = arith.constant 0 : i32
    %scan3A_2 = arith.constant 80 : i32
    %scan3A_3 = arith.addi %scan3A_1, %scan3A_2 : i32
    %scan3A_4 = arith.constant 1 : i32
    %scan3A_5 = scf.for %scan3A_40 = %scan3A_1 to %scan3A_3 step %scan3A_4 iter_args(%scan3A_41 = %scan3A) -> (i32)  : i32 {
      %broadcast_in_dim3A = arith.constant 1.000000e+00 : f32
      %broadcast_in_dim3A_42 = vector.broadcast %broadcast_in_dim3A : f32 to vector<16xf32>
      %swap3A = arith.index_cast %scan3A_40 : i32 to index
      %swap3A_43 = arith.constant 0 : index
      %swap3A_44 = tpu.vector_load %arg6[%swap3A, %swap3A_43] {strides = array<i32>} : memref<80x16xf32, #tpu.memory_space<vmem>>, vector<1x16xf32>,
      %swap3A_45 = vector.shape_cast %swap3A_44 : vector<1x16xf32> to vector<16xf32>
      %swap3A_46 = vector.shape_cast %broadcast_in_dim3A_42 : vector<16xf32> to vector<1x16xf32>
      tpu.vector_store %arg6[%swap3A, %swap3A_43], %swap3A_46 {strides = array<i32>} : memref<80x16xf32, #tpu.memory_space<vmem>>, vector<1x16xf32>,
      %broadcast_in_dim3A_47 = arith.constant 0.000000e+00 : f32
      %broadcast_in_dim3A_48 = vector.broadcast %broadcast_in_dim3A_47 : f32 to vector<16xf32>
      %swap3A_49 = arith.index_cast %scan3A_40 : i32 to index
      %swap3A_50 = arith.constant 0 : index
      %swap3A_51 = tpu.vector_load %arg7[%swap3A_49, %swap3A_50] {strides = array<i32>} : memref<80x16xf32, #tpu.memory_space<vmem>>, vector<1x16xf32>,
      %swap3A_52 = vector.shape_cast %swap3A_51 : vector<1x16xf32> to vector<16xf32>
      %swap3A_53 = vector.shape_cast %broadcast_in_dim3A_48 : vector<16xf32> to vector<1x16xf32>
      tpu.vector_store %arg7[%swap3A_49, %swap3A_50], %swap3A_53 {strides = array<i32>} : memref<80x16xf32, #tpu.memory_space<vmem>>, vector<1x16xf32>,
      %scan3A_54 = arith.constant 0 : i32
      scf.yield %scan3A_54 : i32
    }
    %scan3A_6 = arith.constant 80 : i32
    %lt3A = arith.constant 15 : i32
    %lt3A_7 = arith.cmpi slt, %arg1, %lt3A : i32
    %jit3A = arith.constant 8 : i32
    %jit3A_8 = arith.constant 5 : i32
    %select_n3A = arith.select %lt3A_7, %jit3A, %jit3A_8 : i32
    %while3A = arith.constant 0 : i32
    %while3A_9 = arith.constant 0 : i32
    %while3A_10 = arith.subi %select_n3A, %while3A : i32
    %while3A_11 = arith.addi %while3A, %while3A_10 : i32
    %while3A_12 = arith.constant 1 : i32
    %while3A_13 = arith.divsi %while3A_10, %while3A_12 : i32
    %while3A_14 = arith.muli %while3A_13, %while3A_12 : i32
    %while3A_15 = arith.addi %while3A, %while3A_14 : i32
    %while3A_16 = arith.constant 1 : i32
    %while3A_17 = scf.for %while3A_40 = %while3A to %while3A_15 step %while3A_16 iter_args(%while3A_41 = %while3A_9) -> (i32)  : i32 {
      %mul3A_42 = arith.constant 640 : i32
      %mul3A_43 = arith.muli %arg1, %mul3A_42 : i32
      %mul3A_44 = arith.constant 80 : i32
      %mul3A_45 = arith.muli %while3A_40, %mul3A_44 : i32
      %add3A_46 = arith.addi %mul3A_43, %mul3A_45 : i32
      %iota3A = tpu.iota {dimensions = array<i32: 0>} : vector<16xi32>
      %add3A_47 = vector.broadcast %add3A_46 : i32 to vector<16xi32>
      %add3A_48 = arith.addi %iota3A, %add3A_47 : vector<16xi32>
      %add3A_49 = arith.constant 0 : i32
      %add3A_50 = vector.broadcast %add3A_49 : i32 to vector<16xi32>
      %add3A_51 = arith.addi %add3A_48, %add3A_50 : vector<16xi32>
      %swap3A = arith.constant 0 : index
      %swap3A_52 = tpu.vector_load %arg5[%swap3A] {strides = array<i32>} : memref<80xi32, #tpu.memory_space<vmem>>, vector<16xi32>,
      %swap3A_53 = vector.shape_cast %swap3A_52 : vector<16xi32> to vector<16xi32>
      %swap3A_54 = vector.shape_cast %add3A_51 : vector<16xi32> to vector<16xi32>
      tpu.vector_store %arg5[%swap3A], %swap3A_54 {strides = array<i32>} : memref<80xi32, #tpu.memory_space<vmem>>, vector<16xi32>,
      %iota3A_55 = tpu.iota {dimensions = array<i32: 0>} : vector<16xi32>
      %add3A_56 = vector.broadcast %add3A_46 : i32 to vector<16xi32>
      %add3A_57 = arith.addi %iota3A_55, %add3A_56 : vector<16xi32>
      %add3A_58 = arith.constant 16 : i32
      %add3A_59 = vector.broadcast %add3A_58 : i32 to vector<16xi32>
      %add3A_60 = arith.addi %add3A_57, %add3A_59 : vector<16xi32>
      %swap3A_61 = arith.constant 16 : index
      %swap3A_62 = tpu.vector_load %arg5[%swap3A_61] {strides = array<i32>} : memref<80xi32, #tpu.memory_space<vmem>>, vector<16xi32>,
      %swap3A_63 = vector.shape_cast %swap3A_62 : vector<16xi32> to vector<16xi32>
      %swap3A_64 = vector.shape_cast %add3A_60 : vector<16xi32> to vector<16xi32>
      tpu.vector_store %arg5[%swap3A_61], %swap3A_64 {strides = array<i32>} : memref<80xi32, #tpu.memory_space<vmem>>, vector<16xi32>,
      %iota3A_65 = tpu.iota {dimensions = array<i32: 0>} : vector<16xi32>
      %add3A_66 = vector.broadcast %add3A_46 : i32 to vector<16xi32>
      %add3A_67 = arith.addi %iota3A_65, %add3A_66 : vector<16xi32>
      %add3A_68 = arith.constant 32 : i32
      %add3A_69 = vector.broadcast %add3A_68 : i32 to vector<16xi32>
      %add3A_70 = arith.addi %add3A_67, %add3A_69 : vector<16xi32>
      %swap3A_71 = arith.constant 32 : index
      %swap3A_72 = tpu.vector_load %arg5[%swap3A_71] {strides = array<i32>} : memref<80xi32, #tpu.memory_space<vmem>>, vector<16xi32>,
      %swap3A_73 = vector.shape_cast %swap3A_72 : vector<16xi32> to vector<16xi32>
      %swap3A_74 = vector.shape_cast %add3A_70 : vector<16xi32> to vector<16xi32>
      tpu.vector_store %arg5[%swap3A_71], %swap3A_74 {strides = array<i32>} : memref<80xi32, #tpu.memory_space<vmem>>, vector<16xi32>,
      %iota3A_75 = tpu.iota {dimensions = array<i32: 0>} : vector<16xi32>
      %add3A_76 = vector.broadcast %add3A_46 : i32 to vector<16xi32>
      %add3A_77 = arith.addi %iota3A_75, %add3A_76 : vector<16xi32>
      %add3A_78 = arith.constant 48 : i32
      %add3A_79 = vector.broadcast %add3A_78 : i32 to vector<16xi32>
      %add3A_80 = arith.addi %add3A_77, %add3A_79 : vector<16xi32>
      %swap3A_81 = arith.constant 48 : index
      %swap3A_82 = tpu.vector_load %arg5[%swap3A_81] {strides = array<i32>} : memref<80xi32, #tpu.memory_space<vmem>>, vector<16xi32>,
      %swap3A_83 = vector.shape_cast %swap3A_82 : vector<16xi32> to vector<16xi32>
      %swap3A_84 = vector.shape_cast %add3A_80 : vector<16xi32> to vector<16xi32>
      tpu.vector_store %arg5[%swap3A_81], %swap3A_84 {strides = array<i32>} : memref<80xi32, #tpu.memory_space<vmem>>, vector<16xi32>,
      %iota3A_85 = tpu.iota {dimensions = array<i32: 0>} : vector<16xi32>
      %add3A_86 = vector.broadcast %add3A_46 : i32 to vector<16xi32>
      %add3A_87 = arith.addi %iota3A_85, %add3A_86 : vector<16xi32>
      %add3A_88 = arith.constant 64 : i32
      %add3A_89 = vector.broadcast %add3A_88 : i32 to vector<16xi32>
      %add3A_90 = arith.addi %add3A_87, %add3A_89 : vector<16xi32>
      %swap3A_91 = arith.constant 64 : index
      %swap3A_92 = tpu.vector_load %arg5[%swap3A_91] {strides = array<i32>} : memref<80xi32, #tpu.memory_space<vmem>>, vector<16xi32>,
      %swap3A_93 = vector.shape_cast %swap3A_92 : vector<16xi32> to vector<16xi32>
      %swap3A_94 = vector.shape_cast %add3A_90 : vector<16xi32> to vector<16xi32>
      tpu.vector_store %arg5[%swap3A_91], %swap3A_94 {strides = array<i32>} : memref<80xi32, #tpu.memory_space<vmem>>, vector<16xi32>,
      "tpu.region"() ({
        %run_scoped3A = tpu.sem_alloc : memref<!tpu.dma_semaphore, #tpu.memory_space<semaphore_mem>>
        %dma_start3A = arith.constant 0 : i32
        %dma_start3A_96 = arith.constant 0 : i32
        %dma_start3A_97 = tpu.memref_slice %arg8[%dma_start3A, %dma_start3A_96] : memref<10000x16xf32, #tpu.memory_space<vmem_shared>> -> memref<10000x16xf32, #tpu.memory_space<vmem_shared>>
        tpu.enqueue_indirect_dma source(%arg7 : memref<80x16xf32, #tpu.memory_space<vmem>>) target(%dma_start3A_97 : memref<10000x16xf32, #tpu.memory_space<vmem_shared>>) offsets(%arg5 : memref<80xi32, #tpu.memory_space<vmem>>) semaphore(%run_scoped3A : memref<!tpu.dma_semaphore, #tpu.memory_space<semaphore_mem>>)
        %dma_wait3A = arith.constant 0 : i32
        %dma_wait3A_98 = arith.constant 0 : i32
        %dma_wait3A_99 = tpu.memref_slice %arg8[%dma_wait3A, %dma_wait3A_98] : memref<10000x16xf32, #tpu.memory_space<vmem_shared>> -> memref<10000x16xf32, #tpu.memory_space<vmem_shared>>
        tpu.wait_indirect_dma semaphore(%run_scoped3A : memref<!tpu.dma_semaphore, #tpu.memory_space<semaphore_mem>>) src(%arg7 : memref<80x16xf32, #tpu.memory_space<vmem>>) dst(%dma_wait3A_99 : memref<10000x16xf32, #tpu.memory_space<vmem_shared>>)
        tpu.yield
      }) : () -> ()
      %while3A_95 = arith.constant 0 : i32
      scf.yield %while3A_95 : i32
    }
    %while3A_18 = arith.constant 1 : i32
    %while3A_19 = scf.for %while3A_40 = %while3A_15 to %while3A_11 step %while3A_18 iter_args(%while3A_41 = %while3A_17) -> (i32)  : i32 {
      %mul3A_42 = arith.constant 640 : i32
      %mul3A_43 = arith.muli %arg1, %mul3A_42 : i32
      %mul3A_44 = arith.constant 80 : i32
      %mul3A_45 = arith.muli %while3A_40, %mul3A_44 : i32
      %add3A_46 = arith.addi %mul3A_43, %mul3A_45 : i32
      %iota3A = tpu.iota {dimensions = array<i32: 0>} : vector<16xi32>
      %add3A_47 = vector.broadcast %add3A_46 : i32 to vector<16xi32>
      %add3A_48 = arith.addi %iota3A, %add3A_47 : vector<16xi32>
      %add3A_49 = arith.constant 0 : i32
      %add3A_50 = vector.broadcast %add3A_49 : i32 to vector<16xi32>
      %add3A_51 = arith.addi %add3A_48, %add3A_50 : vector<16xi32>
      %swap3A = arith.constant 0 : index
      %swap3A_52 = tpu.vector_load %arg5[%swap3A] {strides = array<i32>} : memref<80xi32, #tpu.memory_space<vmem>>, vector<16xi32>,
      %swap3A_53 = vector.shape_cast %swap3A_52 : vector<16xi32> to vector<16xi32>
      %swap3A_54 = vector.shape_cast %add3A_51 : vector<16xi32> to vector<16xi32>
      tpu.vector_store %arg5[%swap3A], %swap3A_54 {strides = array<i32>} : memref<80xi32, #tpu.memory_space<vmem>>, vector<16xi32>,
      %iota3A_55 = tpu.iota {dimensions = array<i32: 0>} : vector<16xi32>
      %add3A_56 = vector.broadcast %add3A_46 : i32 to vector<16xi32>
      %add3A_57 = arith.addi %iota3A_55, %add3A_56 : vector<16xi32>
      %add3A_58 = arith.constant 16 : i32
      %add3A_59 = vector.broadcast %add3A_58 : i32 to vector<16xi32>
      %add3A_60 = arith.addi %add3A_57, %add3A_59 : vector<16xi32>
      %swap3A_61 = arith.constant 16 : index
      %swap3A_62 = tpu.vector_load %arg5[%swap3A_61] {strides = array<i32>} : memref<80xi32, #tpu.memory_space<vmem>>, vector<16xi32>,
      %swap3A_63 = vector.shape_cast %swap3A_62 : vector<16xi32> to vector<16xi32>
      %swap3A_64 = vector.shape_cast %add3A_60 : vector<16xi32> to vector<16xi32>
      tpu.vector_store %arg5[%swap3A_61], %swap3A_64 {strides = array<i32>} : memref<80xi32, #tpu.memory_space<vmem>>, vector<16xi32>,
      %iota3A_65 = tpu.iota {dimensions = array<i32: 0>} : vector<16xi32>
      %add3A_66 = vector.broadcast %add3A_46 : i32 to vector<16xi32>
      %add3A_67 = arith.addi %iota3A_65, %add3A_66 : vector<16xi32>
      %add3A_68 = arith.constant 32 : i32
      %add3A_69 = vector.broadcast %add3A_68 : i32 to vector<16xi32>
      %add3A_70 = arith.addi %add3A_67, %add3A_69 : vector<16xi32>
      %swap3A_71 = arith.constant 32 : index
      %swap3A_72 = tpu.vector_load %arg5[%swap3A_71] {strides = array<i32>} : memref<80xi32, #tpu.memory_space<vmem>>, vector<16xi32>,
      %swap3A_73 = vector.shape_cast %swap3A_72 : vector<16xi32> to vector<16xi32>
      %swap3A_74 = vector.shape_cast %add3A_70 : vector<16xi32> to vector<16xi32>
      tpu.vector_store %arg5[%swap3A_71], %swap3A_74 {strides = array<i32>} : memref<80xi32, #tpu.memory_space<vmem>>, vector<16xi32>,
      %iota3A_75 = tpu.iota {dimensions = array<i32: 0>} : vector<16xi32>
      %add3A_76 = vector.broadcast %add3A_46 : i32 to vector<16xi32>
      %add3A_77 = arith.addi %iota3A_75, %add3A_76 : vector<16xi32>
      %add3A_78 = arith.constant 48 : i32
      %add3A_79 = vector.broadcast %add3A_78 : i32 to vector<16xi32>
      %add3A_80 = arith.addi %add3A_77, %add3A_79 : vector<16xi32>
      %swap3A_81 = arith.constant 48 : index
      %swap3A_82 = tpu.vector_load %arg5[%swap3A_81] {strides = array<i32>} : memref<80xi32, #tpu.memory_space<vmem>>, vector<16xi32>,
      %swap3A_83 = vector.shape_cast %swap3A_82 : vector<16xi32> to vector<16xi32>
      %swap3A_84 = vector.shape_cast %add3A_80 : vector<16xi32> to vector<16xi32>
      tpu.vector_store %arg5[%swap3A_81], %swap3A_84 {strides = array<i32>} : memref<80xi32, #tpu.memory_space<vmem>>, vector<16xi32>,
      %iota3A_85 = tpu.iota {dimensions = array<i32: 0>} : vector<16xi32>
      %add3A_86 = vector.broadcast %add3A_46 : i32 to vector<16xi32>
      %add3A_87 = arith.addi %iota3A_85, %add3A_86 : vector<16xi32>
      %add3A_88 = arith.constant 64 : i32
      %add3A_89 = vector.broadcast %add3A_88 : i32 to vector<16xi32>
      %add3A_90 = arith.addi %add3A_87, %add3A_89 : vector<16xi32>
      %swap3A_91 = arith.constant 64 : index
      %swap3A_92 = tpu.vector_load %arg5[%swap3A_91] {strides = array<i32>} : memref<80xi32, #tpu.memory_space<vmem>>, vector<16xi32>,
      %swap3A_93 = vector.shape_cast %swap3A_92 : vector<16xi32> to vector<16xi32>
      %swap3A_94 = vector.shape_cast %add3A_90 : vector<16xi32> to vector<16xi32>
      tpu.vector_store %arg5[%swap3A_91], %swap3A_94 {strides = array<i32>} : memref<80xi32, #tpu.memory_space<vmem>>, vector<16xi32>,
      "tpu.region"() ({
        %run_scoped3A = tpu.sem_alloc : memref<!tpu.dma_semaphore, #tpu.memory_space<semaphore_mem>>
        %dma_start3A = arith.constant 0 : i32
        %dma_start3A_96 = arith.constant 0 : i32
        %dma_start3A_97 = tpu.memref_slice %arg8[%dma_start3A, %dma_start3A_96] : memref<10000x16xf32, #tpu.memory_space<vmem_shared>> -> memref<10000x16xf32, #tpu.memory_space<vmem_shared>>
        tpu.enqueue_indirect_dma source(%arg7 : memref<80x16xf32, #tpu.memory_space<vmem>>) target(%dma_start3A_97 : memref<10000x16xf32, #tpu.memory_space<vmem_shared>>) offsets(%arg5 : memref<80xi32, #tpu.memory_space<vmem>>) semaphore(%run_scoped3A : memref<!tpu.dma_semaphore, #tpu.memory_space<semaphore_mem>>)
        %dma_wait3A = arith.constant 0 : i32
        %dma_wait3A_98 = arith.constant 0 : i32
        %dma_wait3A_99 = tpu.memref_slice %arg8[%dma_wait3A, %dma_wait3A_98] : memref<10000x16xf32, #tpu.memory_space<vmem_shared>> -> memref<10000x16xf32, #tpu.memory_space<vmem_shared>>
        tpu.wait_indirect_dma semaphore(%run_scoped3A : memref<!tpu.dma_semaphore, #tpu.memory_space<semaphore_mem>>) src(%arg7 : memref<80x16xf32, #tpu.memory_space<vmem>>) dst(%dma_wait3A_99 : memref<10000x16xf32, #tpu.memory_space<vmem_shared>>)
        tpu.yield
      }) : () -> ()
      %while3A_95 = arith.constant 0 : i32
      scf.yield %while3A_95 : i32
    }
    "tpu.region"() ({
      %run_scoped3A = tpu.sem_alloc : memref<!tpu.dma_semaphore, #tpu.memory_space<semaphore_mem>>
      %dma_start3A = arith.constant 0 : i32
      %dma_start3A_40 = arith.constant 0 : i32
      %dma_start3A_41 = tpu.memref_slice %arg8[%dma_start3A, %dma_start3A_40] : memref<10000x16xf32, #tpu.memory_space<vmem_shared>> -> memref<10000x16xf32, #tpu.memory_space<vmem_shared>>
      tpu.enqueue_indirect_dma source(%dma_start3A_41 : memref<10000x16xf32, #tpu.memory_space<vmem_shared>>) target(%arg7 : memref<80x16xf32, #tpu.memory_space<vmem>>) offsets(%arg5 : memref<80xi32, #tpu.memory_space<vmem>>) semaphore(%run_scoped3A : memref<!tpu.dma_semaphore, #tpu.memory_space<semaphore_mem>>)
      %dma_wait3A = arith.constant 0 : i32
      %dma_wait3A_42 = arith.constant 0 : i32
      %dma_wait3A_43 = tpu.memref_slice %arg8[%dma_wait3A, %dma_wait3A_42] : memref<10000x16xf32, #tpu.memory_space<vmem_shared>> -> memref<10000x16xf32, #tpu.memory_space<vmem_shared>>
      tpu.wait_indirect_dma semaphore(%run_scoped3A : memref<!tpu.dma_semaphore, #tpu.memory_space<semaphore_mem>>) src(%dma_wait3A_43 : memref<10000x16xf32, #tpu.memory_space<vmem_shared>>) dst(%arg7 : memref<80x16xf32, #tpu.memory_space<vmem>>)
      tpu.yield
    }) : () -> ()
    %barrier3A = arith.constant 0 : index
    tpu.barrier barrier_id(%barrier3A)
    %scan3A_20 = arith.constant 0 : i32
    %scan3A_21 = arith.constant 0 : i32
    %scan3A_22 = arith.constant 5 : i32
    %scan3A_23 = arith.addi %scan3A_21, %scan3A_22 : i32
    %scan3A_24 = arith.constant 1 : i32
    %scan3A_25 = scf.for %scan3A_40 = %scan3A_21 to %scan3A_23 step %scan3A_24 iter_args(%scan3A_41 = %scan3A_20) -> (i32)  : i32 {
      %mul3A_42 = arith.constant 5 : i32
      %mul3A_43 = arith.muli %add3A, %mul3A_42 : i32
      %add3A_44 = arith.addi %mul3A_43, %scan3A_40 : i32
      %mul3A_45 = arith.constant 25 : i32
      %mul3A_46 = arith.muli %add3A_44, %mul3A_45 : i32
      %mul3A_47 = arith.constant 80 : i32
      %mul3A_48 = arith.muli %mul3A_46, %mul3A_47 : i32
      "tpu.region"() ({
        %run_scoped3A = tpu.sem_alloc : memref<!tpu.dma_semaphore, #tpu.memory_space<semaphore_mem>>
        %dma_start3A = tpu.memref_slice %arg2[%mul3A_48] : memref<320000xi32, #tpu.memory_space<hbm>> -> memref<2000xi32, #tpu.memory_space<hbm>>
        %dma_start3A_57 = tpu.memref_slice %arg2[%mul3A_48] : memref<320000xi32, #tpu.memory_space<hbm>> -> memref<2000xi32, #tpu.memory_space<hbm>>
        tpu.enqueue_dma source(%dma_start3A_57 : memref<2000xi32, #tpu.memory_space<hbm>>) target(%arg4 : memref<2000xi32, #tpu.memory_space<vmem>>) target_semaphore(%run_scoped3A : memref<!tpu.dma_semaphore, #tpu.memory_space<semaphore_mem>>)
        %dma_wait3A = tpu.memref_slice %arg2[%mul3A_48] : memref<320000xi32, #tpu.memory_space<hbm>> -> memref<2000xi32, #tpu.memory_space<hbm>>
        %dma_wait3A_58 = tpu.memref_slice %arg2[%mul3A_48] : memref<320000xi32, #tpu.memory_space<hbm>> -> memref<2000xi32, #tpu.memory_space<hbm>>
        tpu.wait_dma2 semaphore(%run_scoped3A : memref<!tpu.dma_semaphore, #tpu.memory_space<semaphore_mem>>) src(%dma_wait3A_58 : memref<2000xi32, #tpu.memory_space<hbm>>) dst(%arg4 : memref<2000xi32, #tpu.memory_space<vmem>>)
        tpu.yield
      }) : () -> ()
      %scan3A_49 = arith.constant 0 : i32
      %scan3A_50 = arith.constant 0 : i32
      %scan3A_51 = arith.constant 25 : i32
      %scan3A_52 = arith.addi %scan3A_50, %scan3A_51 : i32
      %scan3A_53 = arith.constant 1 : i32
      %scan3A_54 = scf.for %scan3A_57 = %scan3A_50 to %scan3A_52 step %scan3A_53 iter_args(%scan3A_58 = %scan3A_49) -> (i32)  : i32 {
        %mul3A_59 = arith.constant 80 : i32
        %mul3A_60 = arith.muli %scan3A_57, %mul3A_59 : i32
        %add3A_61 = arith.constant 0 : i32
        %add3A_62 = arith.addi %mul3A_60, %add3A_61 : i32
        %get3A = arith.index_cast %add3A_62 : i32 to index
        %get3A_63 = tpu.vector_load %arg4[%get3A] {strides = array<i32>} : memref<2000xi32, #tpu.memory_space<vmem>>, vector<16xi32>,
        %get3A_64 = vector.shape_cast %get3A_63 : vector<16xi32> to vector<16xi32>
        %swap3A = arith.constant 0 : index
        %swap3A_65 = tpu.vector_load %arg5[%swap3A] {strides = array<i32>} : memref<80xi32, #tpu.memory_space<vmem>>, vector<16xi32>,
        %swap3A_66 = vector.shape_cast %swap3A_65 : vector<16xi32> to vector<16xi32>
        %swap3A_67 = vector.shape_cast %get3A_64 : vector<16xi32> to vector<16xi32>
        tpu.vector_store %arg5[%swap3A], %swap3A_67 {strides = array<i32>} : memref<80xi32, #tpu.memory_space<vmem>>, vector<16xi32>,
        %mul3A_68 = arith.constant 80 : i32
        %mul3A_69 = arith.muli %scan3A_57, %mul3A_68 : i32
        %add3A_70 = arith.constant 16 : i32
        %add3A_71 = arith.addi %mul3A_69, %add3A_70 : i32
        %get3A_72 = arith.index_cast %add3A_71 : i32 to index
        %get3A_73 = tpu.vector_load %arg4[%get3A_72] {strides = array<i32>} : memref<2000xi32, #tpu.memory_space<vmem>>, vector<16xi32>,
        %get3A_74 = vector.shape_cast %get3A_73 : vector<16xi32> to vector<16xi32>
        %swap3A_75 = arith.constant 16 : index
        %swap3A_76 = tpu.vector_load %arg5[%swap3A_75] {strides = array<i32>} : memref<80xi32, #tpu.memory_space<vmem>>, vector<16xi32>,
        %swap3A_77 = vector.shape_cast %swap3A_76 : vector<16xi32> to vector<16xi32>
        %swap3A_78 = vector.shape_cast %get3A_74 : vector<16xi32> to vector<16xi32>
        tpu.vector_store %arg5[%swap3A_75], %swap3A_78 {strides = array<i32>} : memref<80xi32, #tpu.memory_space<vmem>>, vector<16xi32>,
        %mul3A_79 = arith.constant 80 : i32
        %mul3A_80 = arith.muli %scan3A_57, %mul3A_79 : i32
        %add3A_81 = arith.constant 32 : i32
        %add3A_82 = arith.addi %mul3A_80, %add3A_81 : i32
        %get3A_83 = arith.index_cast %add3A_82 : i32 to index
        %get3A_84 = tpu.vector_load %arg4[%get3A_83] {strides = array<i32>} : memref<2000xi32, #tpu.memory_space<vmem>>, vector<16xi32>,
        %get3A_85 = vector.shape_cast %get3A_84 : vector<16xi32> to vector<16xi32>
        %swap3A_86 = arith.constant 32 : index
        %swap3A_87 = tpu.vector_load %arg5[%swap3A_86] {strides = array<i32>} : memref<80xi32, #tpu.memory_space<vmem>>, vector<16xi32>,
        %swap3A_88 = vector.shape_cast %swap3A_87 : vector<16xi32> to vector<16xi32>
        %swap3A_89 = vector.shape_cast %get3A_85 : vector<16xi32> to vector<16xi32>
        tpu.vector_store %arg5[%swap3A_86], %swap3A_89 {strides = array<i32>} : memref<80xi32, #tpu.memory_space<vmem>>, vector<16xi32>,
        %mul3A_90 = arith.constant 80 : i32
        %mul3A_91 = arith.muli %scan3A_57, %mul3A_90 : i32
        %add3A_92 = arith.constant 48 : i32
        %add3A_93 = arith.addi %mul3A_91, %add3A_92 : i32
        %get3A_94 = arith.index_cast %add3A_93 : i32 to index
        %get3A_95 = tpu.vector_load %arg4[%get3A_94] {strides = array<i32>} : memref<2000xi32, #tpu.memory_space<vmem>>, vector<16xi32>,
        %get3A_96 = vector.shape_cast %get3A_95 : vector<16xi32> to vector<16xi32>
        %swap3A_97 = arith.constant 48 : index
        %swap3A_98 = tpu.vector_load %arg5[%swap3A_97] {strides = array<i32>} : memref<80xi32, #tpu.memory_space<vmem>>, vector<16xi32>,
        %swap3A_99 = vector.shape_cast %swap3A_98 : vector<16xi32> to vector<16xi32>
        %swap3A_100 = vector.shape_cast %get3A_96 : vector<16xi32> to vector<16xi32>
        tpu.vector_store %arg5[%swap3A_97], %swap3A_100 {strides = array<i32>} : memref<80xi32, #tpu.memory_space<vmem>>, vector<16xi32>,
        %mul3A_101 = arith.constant 80 : i32
        %mul3A_102 = arith.muli %scan3A_57, %mul3A_101 : i32
        %add3A_103 = arith.constant 64 : i32
        %add3A_104 = arith.addi %mul3A_102, %add3A_103 : i32
        %get3A_105 = arith.index_cast %add3A_104 : i32 to index
        %get3A_106 = tpu.vector_load %arg4[%get3A_105] {strides = array<i32>} : memref<2000xi32, #tpu.memory_space<vmem>>, vector<16xi32>,
        %get3A_107 = vector.shape_cast %get3A_106 : vector<16xi32> to vector<16xi32>
        %swap3A_108 = arith.constant 64 : index
        %swap3A_109 = tpu.vector_load %arg5[%swap3A_108] {strides = array<i32>} : memref<80xi32, #tpu.memory_space<vmem>>, vector<16xi32>,
        %swap3A_110 = vector.shape_cast %swap3A_109 : vector<16xi32> to vector<16xi32>
        %swap3A_111 = vector.shape_cast %get3A_107 : vector<16xi32> to vector<16xi32>
        tpu.vector_store %arg5[%swap3A_108], %swap3A_111 {strides = array<i32>} : memref<80xi32, #tpu.memory_space<vmem>>, vector<16xi32>,
        "tpu.region"() ({
          %run_scoped3A = tpu.sem_alloc : memref<!tpu.dma_semaphore, #tpu.memory_space<semaphore_mem>>
          %dma_start3A = arith.constant 0 : i32
          %dma_start3A_113 = arith.constant 0 : i32
          %dma_start3A_114 = tpu.memref_slice %arg8[%dma_start3A, %dma_start3A_113] : memref<10000x16xf32, #tpu.memory_space<vmem_shared>> -> memref<10000x16xf32, #tpu.memory_space<vmem_shared>>
          tpu.enqueue_indirect_dma source(%arg6 : memref<80x16xf32, #tpu.memory_space<vmem>>) target(%dma_start3A_114 : memref<10000x16xf32, #tpu.memory_space<vmem_shared>>) offsets(%arg5 : memref<80xi32, #tpu.memory_space<vmem>>) semaphore(%run_scoped3A : memref<!tpu.dma_semaphore, #tpu.memory_space<semaphore_mem>>) {add = true}
          %dma_wait3A = arith.constant 0 : i32
          %dma_wait3A_115 = arith.constant 0 : i32
          %dma_wait3A_116 = tpu.memref_slice %arg8[%dma_wait3A, %dma_wait3A_115] : memref<10000x16xf32, #tpu.memory_space<vmem_shared>> -> memref<10000x16xf32, #tpu.memory_space<vmem_shared>>
          tpu.wait_indirect_dma semaphore(%run_scoped3A : memref<!tpu.dma_semaphore, #tpu.memory_space<semaphore_mem>>) src(%arg6 : memref<80x16xf32, #tpu.memory_space<vmem>>) dst(%dma_wait3A_116 : memref<10000x16xf32, #tpu.memory_space<vmem_shared>>)
          tpu.yield
        }) : () -> ()
        %scan3A_112 = arith.constant 0 : i32
        scf.yield %scan3A_112 : i32
      }
      %scan3A_55 = arith.constant 25 : i32
      %scan3A_56 = arith.constant 0 : i32
      scf.yield %scan3A_56 : i32
    }
    %scan3A_26 = arith.constant 5 : i32
    "tpu.region"() ({
      %run_scoped3A = tpu.sem_alloc : memref<!tpu.dma_semaphore, #tpu.memory_space<semaphore_mem>>
      %dma_start3A = arith.constant 0 : i32
      %dma_start3A_40 = arith.constant 0 : i32
      %dma_start3A_41 = tpu.memref_slice %arg8[%dma_start3A, %dma_start3A_40] : memref<10000x16xf32, #tpu.memory_space<vmem_shared>> -> memref<10000x16xf32, #tpu.memory_space<vmem_shared>>
      tpu.enqueue_indirect_dma source(%dma_start3A_41 : memref<10000x16xf32, #tpu.memory_space<vmem_shared>>) target(%arg6 : memref<80x16xf32, #tpu.memory_space<vmem>>) offsets(%arg5 : memref<80xi32, #tpu.memory_space<vmem>>) semaphore(%run_scoped3A : memref<!tpu.dma_semaphore, #tpu.memory_space<semaphore_mem>>)
      %dma_wait3A = arith.constant 0 : i32
      %dma_wait3A_42 = arith.constant 0 : i32
      %dma_wait3A_43 = tpu.memref_slice %arg8[%dma_wait3A, %dma_wait3A_42] : memref<10000x16xf32, #tpu.memory_space<vmem_shared>> -> memref<10000x16xf32, #tpu.memory_space<vmem_shared>>
      tpu.wait_indirect_dma semaphore(%run_scoped3A : memref<!tpu.dma_semaphore, #tpu.memory_space<semaphore_mem>>) src(%dma_wait3A_43 : memref<10000x16xf32, #tpu.memory_space<vmem_shared>>) dst(%arg6 : memref<80x16xf32, #tpu.memory_space<vmem>>)
      tpu.yield
    }) : () -> ()
    %barrier3A_27 = arith.constant 0 : index
    tpu.barrier barrier_id(%barrier3A_27)
    %while3A_28 = arith.constant 0 : i32
    %while3A_29 = arith.constant 0 : i32
    %while3A_30 = arith.subi %select_n3A, %while3A_28 : i32
    %while3A_31 = arith.addi %while3A_28, %while3A_30 : i32
    %while3A_32 = arith.constant 1 : i32
    %while3A_33 = arith.divsi %while3A_30, %while3A_32 : i32
    %while3A_34 = arith.muli %while3A_33, %while3A_32 : i32
    %while3A_35 = arith.addi %while3A_28, %while3A_34 : i32
    %while3A_36 = arith.constant 1 : i32
    %while3A_37 = scf.for %while3A_40 = %while3A_28 to %while3A_35 step %while3A_36 iter_args(%while3A_41 = %while3A_29) -> (i32)  : i32 {
      %mul3A_42 = arith.constant 640 : i32
      %mul3A_43 = arith.muli %arg1, %mul3A_42 : i32
      %mul3A_44 = arith.constant 80 : i32
      %mul3A_45 = arith.muli %while3A_40, %mul3A_44 : i32
      %add3A_46 = arith.addi %mul3A_43, %mul3A_45 : i32
      %iota3A = tpu.iota {dimensions = array<i32: 0>} : vector<16xi32>
      %add3A_47 = vector.broadcast %add3A_46 : i32 to vector<16xi32>
      %add3A_48 = arith.addi %iota3A, %add3A_47 : vector<16xi32>
      %add3A_49 = arith.constant 0 : i32
      %add3A_50 = vector.broadcast %add3A_49 : i32 to vector<16xi32>
      %add3A_51 = arith.addi %add3A_48, %add3A_50 : vector<16xi32>
      %swap3A = arith.constant 0 : index
      %swap3A_52 = tpu.vector_load %arg5[%swap3A] {strides = array<i32>} : memref<80xi32, #tpu.memory_space<vmem>>, vector<16xi32>,
      %swap3A_53 = vector.shape_cast %swap3A_52 : vector<16xi32> to vector<16xi32>
      %swap3A_54 = vector.shape_cast %add3A_51 : vector<16xi32> to vector<16xi32>
      tpu.vector_store %arg5[%swap3A], %swap3A_54 {strides = array<i32>} : memref<80xi32, #tpu.memory_space<vmem>>, vector<16xi32>,
      %iota3A_55 = tpu.iota {dimensions = array<i32: 0>} : vector<16xi32>
      %add3A_56 = vector.broadcast %add3A_46 : i32 to vector<16xi32>
      %add3A_57 = arith.addi %iota3A_55, %add3A_56 : vector<16xi32>
      %add3A_58 = arith.constant 16 : i32
      %add3A_59 = vector.broadcast %add3A_58 : i32 to vector<16xi32>
      %add3A_60 = arith.addi %add3A_57, %add3A_59 : vector<16xi32>
      %swap3A_61 = arith.constant 16 : index
      %swap3A_62 = tpu.vector_load %arg5[%swap3A_61] {strides = array<i32>} : memref<80xi32, #tpu.memory_space<vmem>>, vector<16xi32>,
      %swap3A_63 = vector.shape_cast %swap3A_62 : vector<16xi32> to vector<16xi32>
      %swap3A_64 = vector.shape_cast %add3A_60 : vector<16xi32> to vector<16xi32>
      tpu.vector_store %arg5[%swap3A_61], %swap3A_64 {strides = array<i32>} : memref<80xi32, #tpu.memory_space<vmem>>, vector<16xi32>,
      %iota3A_65 = tpu.iota {dimensions = array<i32: 0>} : vector<16xi32>
      %add3A_66 = vector.broadcast %add3A_46 : i32 to vector<16xi32>
      %add3A_67 = arith.addi %iota3A_65, %add3A_66 : vector<16xi32>
      %add3A_68 = arith.constant 32 : i32
      %add3A_69 = vector.broadcast %add3A_68 : i32 to vector<16xi32>
      %add3A_70 = arith.addi %add3A_67, %add3A_69 : vector<16xi32>
      %swap3A_71 = arith.constant 32 : index
      %swap3A_72 = tpu.vector_load %arg5[%swap3A_71] {strides = array<i32>} : memref<80xi32, #tpu.memory_space<vmem>>, vector<16xi32>,
      %swap3A_73 = vector.shape_cast %swap3A_72 : vector<16xi32> to vector<16xi32>
      %swap3A_74 = vector.shape_cast %add3A_70 : vector<16xi32> to vector<16xi32>
      tpu.vector_store %arg5[%swap3A_71], %swap3A_74 {strides = array<i32>} : memref<80xi32, #tpu.memory_space<vmem>>, vector<16xi32>,
      %iota3A_75 = tpu.iota {dimensions = array<i32: 0>} : vector<16xi32>
      %add3A_76 = vector.broadcast %add3A_46 : i32 to vector<16xi32>
      %add3A_77 = arith.addi %iota3A_75, %add3A_76 : vector<16xi32>
      %add3A_78 = arith.constant 48 : i32
      %add3A_79 = vector.broadcast %add3A_78 : i32 to vector<16xi32>
      %add3A_80 = arith.addi %add3A_77, %add3A_79 : vector<16xi32>
      %swap3A_81 = arith.constant 48 : index
      %swap3A_82 = tpu.vector_load %arg5[%swap3A_81] {strides = array<i32>} : memref<80xi32, #tpu.memory_space<vmem>>, vector<16xi32>,
      %swap3A_83 = vector.shape_cast %swap3A_82 : vector<16xi32> to vector<16xi32>
      %swap3A_84 = vector.shape_cast %add3A_80 : vector<16xi32> to vector<16xi32>
      tpu.vector_store %arg5[%swap3A_81], %swap3A_84 {strides = array<i32>} : memref<80xi32, #tpu.memory_space<vmem>>, vector<16xi32>,
      %iota3A_85 = tpu.iota {dimensions = array<i32: 0>} : vector<16xi32>
      %add3A_86 = vector.broadcast %add3A_46 : i32 to vector<16xi32>
      %add3A_87 = arith.addi %iota3A_85, %add3A_86 : vector<16xi32>
      %add3A_88 = arith.constant 64 : i32
      %add3A_89 = vector.broadcast %add3A_88 : i32 to vector<16xi32>
      %add3A_90 = arith.addi %add3A_87, %add3A_89 : vector<16xi32>
      %swap3A_91 = arith.constant 64 : index
      %swap3A_92 = tpu.vector_load %arg5[%swap3A_91] {strides = array<i32>} : memref<80xi32, #tpu.memory_space<vmem>>, vector<16xi32>,
      %swap3A_93 = vector.shape_cast %swap3A_92 : vector<16xi32> to vector<16xi32>
      %swap3A_94 = vector.shape_cast %add3A_90 : vector<16xi32> to vector<16xi32>
      tpu.vector_store %arg5[%swap3A_91], %swap3A_94 {strides = array<i32>} : memref<80xi32, #tpu.memory_space<vmem>>, vector<16xi32>,
      "tpu.region"() ({
        %run_scoped3A = tpu.sem_alloc : memref<!tpu.dma_semaphore, #tpu.memory_space<semaphore_mem>>
        %dma_start3A = arith.constant 0 : i32
        %dma_start3A_99 = arith.constant 0 : i32
        %dma_start3A_100 = tpu.memref_slice %arg8[%dma_start3A, %dma_start3A_99] : memref<10000x16xf32, #tpu.memory_space<vmem_shared>> -> memref<10000x16xf32, #tpu.memory_space<vmem_shared>>
        tpu.enqueue_indirect_dma source(%dma_start3A_100 : memref<10000x16xf32, #tpu.memory_space<vmem_shared>>) target(%arg7 : memref<80x16xf32, #tpu.memory_space<vmem>>) offsets(%arg5 : memref<80xi32, #tpu.memory_space<vmem>>) semaphore(%run_scoped3A : memref<!tpu.dma_semaphore, #tpu.memory_space<semaphore_mem>>)
        %dma_wait3A = arith.constant 0 : i32
        %dma_wait3A_101 = arith.constant 0 : i32
        %dma_wait3A_102 = tpu.memref_slice %arg8[%dma_wait3A, %dma_wait3A_101] : memref<10000x16xf32, #tpu.memory_space<vmem_shared>> -> memref<10000x16xf32, #tpu.memory_space<vmem_shared>>
        tpu.wait_indirect_dma semaphore(%run_scoped3A : memref<!tpu.dma_semaphore, #tpu.memory_space<semaphore_mem>>) src(%dma_wait3A_102 : memref<10000x16xf32, #tpu.memory_space<vmem_shared>>) dst(%arg7 : memref<80x16xf32, #tpu.memory_space<vmem>>)
        tpu.yield
      }) : () -> ()
      %mul3A_95 = arith.constant 10000 : i32
      %mul3A_96 = arith.muli %arg0, %mul3A_95 : i32
      %add3A_97 = arith.addi %mul3A_96, %add3A_46 : i32
      "tpu.region"() ({
        %run_scoped3A = tpu.sem_alloc : memref<!tpu.dma_semaphore, #tpu.memory_space<semaphore_mem>>
        %dma_start3A = arith.constant 0 : i32
        %dma_start3A_99 = tpu.memref_slice %arg3[%add3A_97, %dma_start3A] : memref<20000x16xf32, #tpu.memory_space<hbm>> -> memref<80x16xf32, #tpu.memory_space<hbm>>
        %dma_start3A_100 = arith.constant 0 : i32
        %dma_start3A_101 = tpu.memref_slice %arg3[%add3A_97, %dma_start3A_100] : memref<20000x16xf32, #tpu.memory_space<hbm>> -> memref<80x16xf32, #tpu.memory_space<hbm>>
        tpu.enqueue_dma source(%arg7 : memref<80x16xf32, #tpu.memory_space<vmem>>) target(%dma_start3A_101 : memref<80x16xf32, #tpu.memory_space<hbm>>) target_semaphore(%run_scoped3A : memref<!tpu.dma_semaphore, #tpu.memory_space<semaphore_mem>>)
        %dma_wait3A = arith.constant 0 : i32
        %dma_wait3A_102 = tpu.memref_slice %arg3[%add3A_97, %dma_wait3A] : memref<20000x16xf32, #tpu.memory_space<hbm>> -> memref<80x16xf32, #tpu.memory_space<hbm>>
        %dma_wait3A_103 = arith.constant 0 : i32
        %dma_wait3A_104 = tpu.memref_slice %arg3[%add3A_97, %dma_wait3A_103] : memref<20000x16xf32, #tpu.memory_space<hbm>> -> memref<80x16xf32, #tpu.memory_space<hbm>>
        tpu.wait_dma2 semaphore(%run_scoped3A : memref<!tpu.dma_semaphore, #tpu.memory_space<semaphore_mem>>) src(%arg7 : memref<80x16xf32, #tpu.memory_space<vmem>>) dst(%dma_wait3A_104 : memref<80x16xf32, #tpu.memory_space<hbm>>)
        tpu.yield
      }) : () -> ()
      %while3A_98 = arith.constant 0 : i32
      scf.yield %while3A_98 : i32
    }
    %while3A_38 = arith.constant 1 : i32
    %while3A_39 = scf.for %while3A_40 = %while3A_35 to %while3A_31 step %while3A_38 iter_args(%while3A_41 = %while3A_37) -> (i32)  : i32 {
      %mul3A_42 = arith.constant 640 : i32
      %mul3A_43 = arith.muli %arg1, %mul3A_42 : i32
      %mul3A_44 = arith.constant 80 : i32
      %mul3A_45 = arith.muli %while3A_40, %mul3A_44 : i32
      %add3A_46 = arith.addi %mul3A_43, %mul3A_45 : i32
      %iota3A = tpu.iota {dimensions = array<i32: 0>} : vector<16xi32>
      %add3A_47 = vector.broadcast %add3A_46 : i32 to vector<16xi32>
      %add3A_48 = arith.addi %iota3A, %add3A_47 : vector<16xi32>
      %add3A_49 = arith.constant 0 : i32
      %add3A_50 = vector.broadcast %add3A_49 : i32 to vector<16xi32>
      %add3A_51 = arith.addi %add3A_48, %add3A_50 : vector<16xi32>
      %swap3A = arith.constant 0 : index
      %swap3A_52 = tpu.vector_load %arg5[%swap3A] {strides = array<i32>} : memref<80xi32, #tpu.memory_space<vmem>>, vector<16xi32>,
      %swap3A_53 = vector.shape_cast %swap3A_52 : vector<16xi32> to vector<16xi32>
      %swap3A_54 = vector.shape_cast %add3A_51 : vector<16xi32> to vector<16xi32>
      tpu.vector_store %arg5[%swap3A], %swap3A_54 {strides = array<i32>} : memref<80xi32, #tpu.memory_space<vmem>>, vector<16xi32>,
      %iota3A_55 = tpu.iota {dimensions = array<i32: 0>} : vector<16xi32>
      %add3A_56 = vector.broadcast %add3A_46 : i32 to vector<16xi32>
      %add3A_57 = arith.addi %iota3A_55, %add3A_56 : vector<16xi32>
      %add3A_58 = arith.constant 16 : i32
      %add3A_59 = vector.broadcast %add3A_58 : i32 to vector<16xi32>
      %add3A_60 = arith.addi %add3A_57, %add3A_59 : vector<16xi32>
      %swap3A_61 = arith.constant 16 : index
      %swap3A_62 = tpu.vector_load %arg5[%swap3A_61] {strides = array<i32>} : memref<80xi32, #tpu.memory_space<vmem>>, vector<16xi32>,
      %swap3A_63 = vector.shape_cast %swap3A_62 : vector<16xi32> to vector<16xi32>
      %swap3A_64 = vector.shape_cast %add3A_60 : vector<16xi32> to vector<16xi32>
      tpu.vector_store %arg5[%swap3A_61], %swap3A_64 {strides = array<i32>} : memref<80xi32, #tpu.memory_space<vmem>>, vector<16xi32>,
      %iota3A_65 = tpu.iota {dimensions = array<i32: 0>} : vector<16xi32>
      %add3A_66 = vector.broadcast %add3A_46 : i32 to vector<16xi32>
      %add3A_67 = arith.addi %iota3A_65, %add3A_66 : vector<16xi32>
      %add3A_68 = arith.constant 32 : i32
      %add3A_69 = vector.broadcast %add3A_68 : i32 to vector<16xi32>
      %add3A_70 = arith.addi %add3A_67, %add3A_69 : vector<16xi32>
      %swap3A_71 = arith.constant 32 : index
      %swap3A_72 = tpu.vector_load %arg5[%swap3A_71] {strides = array<i32>} : memref<80xi32, #tpu.memory_space<vmem>>, vector<16xi32>,
      %swap3A_73 = vector.shape_cast %swap3A_72 : vector<16xi32> to vector<16xi32>
      %swap3A_74 = vector.shape_cast %add3A_70 : vector<16xi32> to vector<16xi32>
      tpu.vector_store %arg5[%swap3A_71], %swap3A_74 {strides = array<i32>} : memref<80xi32, #tpu.memory_space<vmem>>, vector<16xi32>,
      %iota3A_75 = tpu.iota {dimensions = array<i32: 0>} : vector<16xi32>
      %add3A_76 = vector.broadcast %add3A_46 : i32 to vector<16xi32>
      %add3A_77 = arith.addi %iota3A_75, %add3A_76 : vector<16xi32>
      %add3A_78 = arith.constant 48 : i32
      %add3A_79 = vector.broadcast %add3A_78 : i32 to vector<16xi32>
      %add3A_80 = arith.addi %add3A_77, %add3A_79 : vector<16xi32>
      %swap3A_81 = arith.constant 48 : index
      %swap3A_82 = tpu.vector_load %arg5[%swap3A_81] {strides = array<i32>} : memref<80xi32, #tpu.memory_space<vmem>>, vector<16xi32>,
      %swap3A_83 = vector.shape_cast %swap3A_82 : vector<16xi32> to vector<16xi32>
      %swap3A_84 = vector.shape_cast %add3A_80 : vector<16xi32> to vector<16xi32>
      tpu.vector_store %arg5[%swap3A_81], %swap3A_84 {strides = array<i32>} : memref<80xi32, #tpu.memory_space<vmem>>, vector<16xi32>,
      %iota3A_85 = tpu.iota {dimensions = array<i32: 0>} : vector<16xi32>
      %add3A_86 = vector.broadcast %add3A_46 : i32 to vector<16xi32>
      %add3A_87 = arith.addi %iota3A_85, %add3A_86 : vector<16xi32>
      %add3A_88 = arith.constant 64 : i32
      %add3A_89 = vector.broadcast %add3A_88 : i32 to vector<16xi32>
      %add3A_90 = arith.addi %add3A_87, %add3A_89 : vector<16xi32>
      %swap3A_91 = arith.constant 64 : index
      %swap3A_92 = tpu.vector_load %arg5[%swap3A_91] {strides = array<i32>} : memref<80xi32, #tpu.memory_space<vmem>>, vector<16xi32>,
      %swap3A_93 = vector.shape_cast %swap3A_92 : vector<16xi32> to vector<16xi32>
      %swap3A_94 = vector.shape_cast %add3A_90 : vector<16xi32> to vector<16xi32>
      tpu.vector_store %arg5[%swap3A_91], %swap3A_94 {strides = array<i32>} : memref<80xi32, #tpu.memory_space<vmem>>, vector<16xi32>,
      "tpu.region"() ({
        %run_scoped3A = tpu.sem_alloc : memref<!tpu.dma_semaphore, #tpu.memory_space<semaphore_mem>>
        %dma_start3A = arith.constant 0 : i32
        %dma_start3A_99 = arith.constant 0 : i32
        %dma_start3A_100 = tpu.memref_slice %arg8[%dma_start3A, %dma_start3A_99] : memref<10000x16xf32, #tpu.memory_space<vmem_shared>> -> memref<10000x16xf32, #tpu.memory_space<vmem_shared>>
        tpu.enqueue_indirect_dma source(%dma_start3A_100 : memref<10000x16xf32, #tpu.memory_space<vmem_shared>>) target(%arg7 : memref<80x16xf32, #tpu.memory_space<vmem>>) offsets(%arg5 : memref<80xi32, #tpu.memory_space<vmem>>) semaphore(%run_scoped3A : memref<!tpu.dma_semaphore, #tpu.memory_space<semaphore_mem>>)
        %dma_wait3A = arith.constant 0 : i32
        %dma_wait3A_101 = arith.constant 0 : i32
        %dma_wait3A_102 = tpu.memref_slice %arg8[%dma_wait3A, %dma_wait3A_101] : memref<10000x16xf32, #tpu.memory_space<vmem_shared>> -> memref<10000x16xf32, #tpu.memory_space<vmem_shared>>
        tpu.wait_indirect_dma semaphore(%run_scoped3A : memref<!tpu.dma_semaphore, #tpu.memory_space<semaphore_mem>>) src(%dma_wait3A_102 : memref<10000x16xf32, #tpu.memory_space<vmem_shared>>) dst(%arg7 : memref<80x16xf32, #tpu.memory_space<vmem>>)
        tpu.yield
      }) : () -> ()
      %mul3A_95 = arith.constant 10000 : i32
      %mul3A_96 = arith.muli %arg0, %mul3A_95 : i32
      %add3A_97 = arith.addi %mul3A_96, %add3A_46 : i32
      "tpu.region"() ({
        %run_scoped3A = tpu.sem_alloc : memref<!tpu.dma_semaphore, #tpu.memory_space<semaphore_mem>>
        %dma_start3A = arith.constant 0 : i32
        %dma_start3A_99 = tpu.memref_slice %arg3[%add3A_97, %dma_start3A] : memref<20000x16xf32, #tpu.memory_space<hbm>> -> memref<80x16xf32, #tpu.memory_space<hbm>>
        %dma_start3A_100 = arith.constant 0 : i32
        %dma_start3A_101 = tpu.memref_slice %arg3[%add3A_97, %dma_start3A_100] : memref<20000x16xf32, #tpu.memory_space<hbm>> -> memref<80x16xf32, #tpu.memory_space<hbm>>
        tpu.enqueue_dma source(%arg7 : memref<80x16xf32, #tpu.memory_space<vmem>>) target(%dma_start3A_101 : memref<80x16xf32, #tpu.memory_space<hbm>>) target_semaphore(%run_scoped3A : memref<!tpu.dma_semaphore, #tpu.memory_space<semaphore_mem>>)
        %dma_wait3A = arith.constant 0 : i32
        %dma_wait3A_102 = tpu.memref_slice %arg3[%add3A_97, %dma_wait3A] : memref<20000x16xf32, #tpu.memory_space<hbm>> -> memref<80x16xf32, #tpu.memory_space<hbm>>
        %dma_wait3A_103 = arith.constant 0 : i32
        %dma_wait3A_104 = tpu.memref_slice %arg3[%add3A_97, %dma_wait3A_103] : memref<20000x16xf32, #tpu.memory_space<hbm>> -> memref<80x16xf32, #tpu.memory_space<hbm>>
        tpu.wait_dma2 semaphore(%run_scoped3A : memref<!tpu.dma_semaphore, #tpu.memory_space<semaphore_mem>>) src(%arg7 : memref<80x16xf32, #tpu.memory_space<vmem>>) dst(%dma_wait3A_104 : memref<80x16xf32, #tpu.memory_space<hbm>>)
        tpu.yield
      }) : () -> ()
      %while3A_98 = arith.constant 0 : i32
      scf.yield %while3A_98 : i32
    }
    return
  }
}

module attributes {stable_mosaic.version = 14 : i64} {
  func.func @_tc1_body(%arg0: i32, %arg1: memref<2000x128xf32, #tpu.memory_space<vmem>>, %arg2: memref<128x128xf32, #tpu.memory_space<vmem>>, %arg3: memref<2000x16xf32, #tpu.memory_space<vmem>>, %arg4: memref<2000x16xf32, #tpu.memory_space<vmem>>, %arg5: memref<2000x128xf32, #tpu.memory_space<vmem>>, %arg6: memref<2000x1xf32, #tpu.memory_space<vmem>>) attributes {dimension_semantics = [#tpu.dimension_semantics<arbitrary>], iteration_bounds = array<i64: 5>, scalar_prefetch = 0 : i64, scratch_operands = 0 : i64, tpu.core_type = #tpu.core_type<tc>, window_params = [{transform_indices = @transform_0, window_bounds = array<i64: 2000, 128>}, {pipeline_mode = #tpu.pipeline_mode<synchronous>, transform_indices = @transform_1, window_bounds = array<i64: 128, 128>}, {transform_indices = @transform_2, window_bounds = array<i64: 2000, 16>}, {transform_indices = @transform_3, window_bounds = array<i64: 2000, 16>}, {transform_indices = @transform_4, window_bounds = array<i64: 2000, 128>}, {transform_indices = @transform_5, window_bounds = array<i64: 2000, 1>}]} {
    %get3A = arith.constant 0 : index
    %get3A_0 = arith.constant 0 : index
    %get3A_1 = vector.load %arg3[%get3A, %get3A_0] : memref<2000x16xf32, #tpu.memory_space<vmem>>, vector<2000x1xf32>
    %get3A_2 = arith.constant 0 : index
    %get3A_3 = arith.constant 0 : index
    %get3A_4 = vector.load %arg4[%get3A_2, %get3A_3] : memref<2000x16xf32, #tpu.memory_space<vmem>>, vector<2000x1xf32>
    %add3A = arith.addf %get3A_1, %get3A_4 : vector<2000x1xf32>
    %add3A_5 = arith.constant 1.000000e+00 : f32
    %add3A_6 = vector.broadcast %add3A_5 : f32 to vector<2000x1xf32>
    %add3A_7 = arith.addf %add3A, %add3A_6 : vector<2000x1xf32>
    %rsqrt3A = math.rsqrt %add3A_7 : vector<2000x1xf32>
    %swap3A = arith.constant 0 : index
    %swap3A_8 = arith.constant 0 : index
    %swap3A_9 = vector.load %arg6[%swap3A, %swap3A_8] : memref<2000x1xf32, #tpu.memory_space<vmem>>, vector<2000x1xf32>
    tpu.vector_store %arg6[%swap3A, %swap3A_8], %rsqrt3A {strides = array<i32>} : memref<2000x1xf32, #tpu.memory_space<vmem>>, vector<2000x1xf32>,
    %get3A_10 = arith.constant 0 : index
    %get3A_11 = arith.constant 0 : index
    %get3A_12 = vector.load %arg1[%get3A_10, %get3A_11] : memref<2000x128xf32, #tpu.memory_space<vmem>>, vector<2000x128xf32>
    %get3A_13 = arith.constant 0 : index
    %get3A_14 = arith.constant 0 : index
    %get3A_15 = vector.load %arg2[%get3A_13, %get3A_14] : memref<128x128xf32, #tpu.memory_space<vmem>>, vector<128x128xf32>
    %dot_general3A = arith.constant dense<0.000000e+00> : vector<2000x128xf32>
    %dot_general3A_16 = tpu.matmul %get3A_12, %get3A_15, %dot_general3A {dimension_numbers = #tpu.dot_dimension_numbers<[1], [0], [0], [1], [0, 0, 1, 1], [], []>, transpose_lhs_hint = false} : vector<2000x128xf32>, vector<128x128xf32>, vector<2000x128xf32> -> vector<2000x128xf32>
    %mul3A = vector.broadcast %rsqrt3A : vector<2000x1xf32> to vector<2000x128xf32>
    %mul3A_17 = arith.mulf %dot_general3A_16, %mul3A : vector<2000x128xf32>
    %swap3A_18 = arith.constant 0 : index
    %swap3A_19 = arith.constant 0 : index
    %swap3A_20 = vector.load %arg5[%swap3A_18, %swap3A_19] : memref<2000x128xf32, #tpu.memory_space<vmem>>, vector<2000x128xf32>
    tpu.vector_store %arg5[%swap3A_18, %swap3A_19], %mul3A_17 {strides = array<i32>} : memref<2000x128xf32, #tpu.memory_space<vmem>>, vector<2000x128xf32>,
    return
  }
  func.func @transform_0(%arg0: i32) -> (i32, i32) {
    %c0_i32 = arith.constant 0 : i32
    %c0_i32_0 = arith.constant 0 : i32
    return %arg0, %c0_i32 : i32, i32
  }
  func.func @transform_1(%arg0: i32) -> (i32, i32) {
    %c0_i32 = arith.constant 0 : i32
    %c0_i32_0 = arith.constant 0 : i32
    %c0_i32_1 = arith.constant 0 : i32
    return %c0_i32, %c0_i32_0 : i32, i32
  }
  func.func @transform_2(%arg0: i32) -> (i32, i32) {
    %c0_i32 = arith.constant 0 : i32
    %c0_i32_0 = arith.constant 0 : i32
    return %arg0, %c0_i32 : i32, i32
  }
  func.func @transform_3(%arg0: i32) -> (i32, i32) {
    %c0_i32 = arith.constant 0 : i32
    %c0_i32_0 = arith.constant 0 : i32
    return %arg0, %c0_i32 : i32, i32
  }
  func.func @transform_4(%arg0: i32) -> (i32, i32) {
    %c0_i32 = arith.constant 0 : i32
    %c0_i32_0 = arith.constant 0 : i32
    return %arg0, %c0_i32 : i32, i32
  }
  func.func @transform_5(%arg0: i32) -> (i32, i32) {
    %c0_i32 = arith.constant 0 : i32
    %c0_i32_0 = arith.constant 0 : i32
    return %arg0, %c0_i32 : i32, i32
  }
}

module attributes {stable_mosaic.version = 14 : i64} {
  func.func @_tc2_body(%arg0: i32, %arg1: memref<2000x128xf32, #tpu.memory_space<vmem>>, %arg2: memref<2000x128xf32, #tpu.memory_space<vmem>>, %arg3: memref<2000x128xf32, #tpu.memory_space<vmem>>, %arg4: memref<2000x1xf32, #tpu.memory_space<vmem>>, %arg5: memref<1x128xf32, #tpu.memory_space<vmem>>, %arg6: memref<128x128xf32, #tpu.memory_space<vmem>>, %arg7: memref<2000x128xf32, #tpu.memory_space<vmem>>) attributes {dimension_semantics = [#tpu.dimension_semantics<arbitrary>], iteration_bounds = array<i64: 5>, scalar_prefetch = 0 : i64, scratch_operands = 0 : i64, tpu.core_type = #tpu.core_type<tc>, window_params = [{transform_indices = @transform_0, window_bounds = array<i64: 2000, 128>}, {transform_indices = @transform_1, window_bounds = array<i64: 2000, 128>}, {transform_indices = @transform_2, window_bounds = array<i64: 2000, 128>}, {transform_indices = @transform_3, window_bounds = array<i64: 2000, 1>}, {pipeline_mode = #tpu.pipeline_mode<synchronous>, transform_indices = @transform_4, window_bounds = array<i64: 1, 128>}, {pipeline_mode = #tpu.pipeline_mode<synchronous>, transform_indices = @transform_5, window_bounds = array<i64: 128, 128>}, {transform_indices = @transform_6, window_bounds = array<i64: 2000, 128>}]} {
    %get3A = arith.constant 0 : index
    %get3A_0 = arith.constant 0 : index
    %get3A_1 = vector.load %arg4[%get3A, %get3A_0] : memref<2000x1xf32, #tpu.memory_space<vmem>>, vector<2000x1xf32>
    %get3A_2 = arith.constant 0 : index
    %get3A_3 = arith.constant 0 : index
    %get3A_4 = vector.load %arg1[%get3A_2, %get3A_3] : memref<2000x128xf32, #tpu.memory_space<vmem>>, vector<2000x128xf32>
    %get3A_5 = arith.constant 0 : index
    %get3A_6 = arith.constant 0 : index
    %get3A_7 = vector.load %arg2[%get3A_5, %get3A_6] : memref<2000x128xf32, #tpu.memory_space<vmem>>, vector<2000x128xf32>
    %add3A = arith.addf %get3A_4, %get3A_7 : vector<2000x128xf32>
    %get3A_8 = arith.constant 0 : index
    %get3A_9 = arith.constant 0 : index
    %get3A_10 = vector.load %arg3[%get3A_8, %get3A_9] : memref<2000x128xf32, #tpu.memory_space<vmem>>, vector<2000x128xf32>
    %add3A_11 = arith.addf %add3A, %get3A_10 : vector<2000x128xf32>
    %mul3A = vector.broadcast %get3A_1 : vector<2000x1xf32> to vector<2000x128xf32>
    %mul3A_12 = arith.mulf %add3A_11, %mul3A : vector<2000x128xf32>
    %get3A_13 = arith.constant 0 : index
    %get3A_14 = arith.constant 0 : index
    %get3A_15 = vector.load %arg5[%get3A_13, %get3A_14] : memref<1x128xf32, #tpu.memory_space<vmem>>, vector<1x128xf32>
    %add3A_16 = vector.broadcast %get3A_15 : vector<1x128xf32> to vector<2000x128xf32>
    %add3A_17 = arith.addf %mul3A_12, %add3A_16 : vector<2000x128xf32>
    %max3A = arith.constant 0.000000e+00 : f32
    %max3A_18 = vector.broadcast %max3A : f32 to vector<2000x128xf32>
    %max3A_19 = arith.maximumf %add3A_17, %max3A_18 : vector<2000x128xf32>
    %get3A_20 = arith.constant 0 : index
    %get3A_21 = arith.constant 0 : index
    %get3A_22 = vector.load %arg6[%get3A_20, %get3A_21] : memref<128x128xf32, #tpu.memory_space<vmem>>, vector<128x128xf32>
    %dot_general3A = arith.constant dense<0.000000e+00> : vector<2000x128xf32>
    %dot_general3A_23 = tpu.matmul %max3A_19, %get3A_22, %dot_general3A {dimension_numbers = #tpu.dot_dimension_numbers<[1], [0], [0], [1], [0, 0, 1, 1], [], []>, transpose_lhs_hint = false} : vector<2000x128xf32>, vector<128x128xf32>, vector<2000x128xf32> -> vector<2000x128xf32>
    %mul3A_24 = vector.broadcast %get3A_1 : vector<2000x1xf32> to vector<2000x128xf32>
    %mul3A_25 = arith.mulf %dot_general3A_23, %mul3A_24 : vector<2000x128xf32>
    %swap3A = arith.constant 0 : index
    %swap3A_26 = arith.constant 0 : index
    %swap3A_27 = vector.load %arg7[%swap3A, %swap3A_26] : memref<2000x128xf32, #tpu.memory_space<vmem>>, vector<2000x128xf32>
    tpu.vector_store %arg7[%swap3A, %swap3A_26], %mul3A_25 {strides = array<i32>} : memref<2000x128xf32, #tpu.memory_space<vmem>>, vector<2000x128xf32>,
    return
  }
  func.func @transform_0(%arg0: i32) -> (i32, i32) {
    %c0_i32 = arith.constant 0 : i32
    %c0_i32_0 = arith.constant 0 : i32
    return %arg0, %c0_i32 : i32, i32
  }
  func.func @transform_1(%arg0: i32) -> (i32, i32) {
    %c0_i32 = arith.constant 0 : i32
    %c0_i32_0 = arith.constant 0 : i32
    return %arg0, %c0_i32 : i32, i32
  }
  func.func @transform_2(%arg0: i32) -> (i32, i32) {
    %c0_i32 = arith.constant 0 : i32
    %c0_i32_0 = arith.constant 0 : i32
    return %arg0, %c0_i32 : i32, i32
  }
  func.func @transform_3(%arg0: i32) -> (i32, i32) {
    %c0_i32 = arith.constant 0 : i32
    %c0_i32_0 = arith.constant 0 : i32
    return %arg0, %c0_i32 : i32, i32
  }
  func.func @transform_4(%arg0: i32) -> (i32, i32) {
    %c0_i32 = arith.constant 0 : i32
    %c0_i32_0 = arith.constant 0 : i32
    %c0_i32_1 = arith.constant 0 : i32
    return %c0_i32, %c0_i32_0 : i32, i32
  }
  func.func @transform_5(%arg0: i32) -> (i32, i32) {
    %c0_i32 = arith.constant 0 : i32
    %c0_i32_0 = arith.constant 0 : i32
    %c0_i32_1 = arith.constant 0 : i32
    return %c0_i32, %c0_i32_0 : i32, i32
  }
  func.func @transform_6(%arg0: i32) -> (i32, i32) {
    %c0_i32 = arith.constant 0 : i32
    %c0_i32_0 = arith.constant 0 : i32
    return %arg0, %c0_i32 : i32, i32
  }
}

module attributes {stable_mosaic.version = 14 : i64} {
  func.func @_tc3_body(%arg0: i32, %arg1: memref<2000x128xf32, #tpu.memory_space<vmem>>, %arg2: memref<2000x128xf32, #tpu.memory_space<vmem>>, %arg3: memref<2000x128xf32, #tpu.memory_space<vmem>>, %arg4: memref<2000x1xf32, #tpu.memory_space<vmem>>, %arg5: memref<1x128xf32, #tpu.memory_space<vmem>>, %arg6: memref<2000x1xi32, #tpu.memory_space<vmem>>, %arg7: memref<128x1xf32, #tpu.memory_space<vmem>>, %arg8: memref<1x1xf32, #tpu.memory_space<vmem>>, %arg9: memref<128x1xf32, #tpu.memory_space<vmem>>, %arg10: memref<1x1xf32, #tpu.memory_space<vmem>>, %arg11: memref<64x1xf32, #tpu.memory_space<vmem>>, %arg12: memref<64x1xf32, #tpu.memory_space<vmem>>, %arg13: memref<64x128xf32, #tpu.memory_space<vmem>>, %arg14: memref<64x1xf32, #tpu.memory_space<vmem>>) attributes {dimension_semantics = [#tpu.dimension_semantics<arbitrary>], iteration_bounds = array<i64: 5>, scalar_prefetch = 0 : i64, scratch_operands = 2 : i64, tpu.core_type = #tpu.core_type<tc>, window_params = [{transform_indices = @transform_0, window_bounds = array<i64: 2000, 128>}, {transform_indices = @transform_1, window_bounds = array<i64: 2000, 128>}, {transform_indices = @transform_2, window_bounds = array<i64: 2000, 128>}, {transform_indices = @transform_3, window_bounds = array<i64: 2000, 1>}, {pipeline_mode = #tpu.pipeline_mode<synchronous>, transform_indices = @transform_4, window_bounds = array<i64: 1, 128>}, {transform_indices = @transform_5, window_bounds = array<i64: 2000, 1>}, {pipeline_mode = #tpu.pipeline_mode<synchronous>, transform_indices = @transform_6, window_bounds = array<i64: 128, 1>}, {pipeline_mode = #tpu.pipeline_mode<synchronous>, transform_indices = @transform_7, window_bounds = array<i64: 1, 1>}, {pipeline_mode = #tpu.pipeline_mode<synchronous>, transform_indices = @transform_8, window_bounds = array<i64: 128, 1>}, {pipeline_mode = #tpu.pipeline_mode<synchronous>, transform_indices = @transform_9, window_bounds = array<i64: 1, 1>}, {pipeline_mode = #tpu.pipeline_mode<synchronous>, transform_indices = @transform_10, window_bounds = array<i64: 64, 1>}, {pipeline_mode = #tpu.pipeline_mode<synchronous>, transform_indices = @transform_11, window_bounds = array<i64: 64, 1>}]} {
    %get3A = arith.constant 0 : index
    %get3A_0 = arith.constant 0 : index
    %get3A_1 = vector.load %arg1[%get3A, %get3A_0] : memref<2000x128xf32, #tpu.memory_space<vmem>>, vector<2000x128xf32>
    %get3A_2 = arith.constant 0 : index
    %get3A_3 = arith.constant 0 : index
    %get3A_4 = vector.load %arg2[%get3A_2, %get3A_3] : memref<2000x128xf32, #tpu.memory_space<vmem>>, vector<2000x128xf32>
    %add3A = arith.addf %get3A_1, %get3A_4 : vector<2000x128xf32>
    %get3A_5 = arith.constant 0 : index
    %get3A_6 = arith.constant 0 : index
    %get3A_7 = vector.load %arg3[%get3A_5, %get3A_6] : memref<2000x128xf32, #tpu.memory_space<vmem>>, vector<2000x128xf32>
    %add3A_8 = arith.addf %add3A, %get3A_7 : vector<2000x128xf32>
    %get3A_9 = arith.constant 0 : index
    %get3A_10 = arith.constant 0 : index
    %get3A_11 = vector.load %arg4[%get3A_9, %get3A_10] : memref<2000x1xf32, #tpu.memory_space<vmem>>, vector<2000x1xf32>
    %mul3A = vector.broadcast %get3A_11 : vector<2000x1xf32> to vector<2000x128xf32>
    %mul3A_12 = arith.mulf %add3A_8, %mul3A : vector<2000x128xf32>
    %get3A_13 = arith.constant 0 : index
    %get3A_14 = arith.constant 0 : index
    %get3A_15 = vector.load %arg5[%get3A_13, %get3A_14] : memref<1x128xf32, #tpu.memory_space<vmem>>, vector<1x128xf32>
    %add3A_16 = vector.broadcast %get3A_15 : vector<1x128xf32> to vector<2000x128xf32>
    %add3A_17 = arith.addf %mul3A_12, %add3A_16 : vector<2000x128xf32>
    %max3A = arith.constant 0.000000e+00 : f32
    %max3A_18 = vector.broadcast %max3A : f32 to vector<2000x128xf32>
    %max3A_19 = arith.maximumf %add3A_17, %max3A_18 : vector<2000x128xf32>
    %iota3A = tpu.iota {dimensions = array<i32: 1>} : vector<1x64xi32>
    %get3A_20 = arith.constant 0 : index
    %get3A_21 = arith.constant 0 : index
    %get3A_22 = vector.load %arg6[%get3A_20, %get3A_21] : memref<2000x1xi32, #tpu.memory_space<vmem>>, vector<2000x1xi32>
    %eq3A = vector.broadcast %get3A_22 : vector<2000x1xi32> to vector<2000x64xi32>
    %eq3A_23 = vector.broadcast %iota3A : vector<1x64xi32> to vector<2000x64xi32>
    %eq3A_24 = arith.cmpi eq, %eq3A, %eq3A_23 : vector<2000x64xi32>
    %convert_element_type3A = arith.extui %eq3A_24 : vector<2000x64xi1> to vector<2000x64xi32>
    %convert_element_type3A_25 = arith.sitofp %convert_element_type3A : vector<2000x64xi32> to vector<2000x64xf32>
    %dot_general3A = arith.constant dense<0.000000e+00> : vector<64x128xf32>
    %dot_general3A_26 = tpu.matmul %convert_element_type3A_25, %max3A_19, %dot_general3A {dimension_numbers = #tpu.dot_dimension_numbers<[0], [0], [1], [1], [0, 1, 1, 1], [], []>, transpose_lhs_hint = false} : vector<2000x64xf32>, vector<2000x128xf32>, vector<64x128xf32> -> vector<64x128xf32>
    %broadcast_in_dim3A = arith.constant 1.000000e+00 : f32
    %broadcast_in_dim3A_27 = vector.broadcast %broadcast_in_dim3A : f32 to vector<2000x1xf32>
    %dot_general3A_28 = arith.constant dense<0.000000e+00> : vector<64x1xf32>
    %dot_general3A_29 = tpu.matmul %convert_element_type3A_25, %broadcast_in_dim3A_27, %dot_general3A_28 {dimension_numbers = #tpu.dot_dimension_numbers<[0], [0], [1], [1], [0, 1, 1, 1], [], []>, transpose_lhs_hint = false} : vector<2000x64xf32>, vector<2000x1xf32>, vector<64x1xf32> -> vector<64x1xf32>
    %eq3A_30 = arith.constant 0 : i32
    %eq3A_31 = arith.cmpi eq, %arg0, %eq3A_30 : i32
    %convert_element_type3A_32 = arith.extui %eq3A_31 : i1 to i32
    %cond3A = arith.constant 0 : i32
    %cond3A_33 = arith.cmpi ne, %convert_element_type3A_32, %cond3A : i32
    scf.if %cond3A_33 {
      %swap3A = arith.constant 0 : index
      %swap3A_43 = arith.constant 0 : index
      %swap3A_44 = vector.load %arg13[%swap3A, %swap3A_43] : memref<64x128xf32, #tpu.memory_space<vmem>>, vector<64x128xf32>
      tpu.vector_store %arg13[%swap3A, %swap3A_43], %dot_general3A_26 {strides = array<i32>} : memref<64x128xf32, #tpu.memory_space<vmem>>, vector<64x128xf32>,
      %swap3A_45 = arith.constant 0 : index
      %swap3A_46 = arith.constant 0 : index
      %swap3A_47 = vector.load %arg14[%swap3A_45, %swap3A_46] : memref<64x1xf32, #tpu.memory_space<vmem>>, vector<64x1xf32>
      tpu.vector_store %arg14[%swap3A_45, %swap3A_46], %dot_general3A_29 {strides = array<i32>} : memref<64x1xf32, #tpu.memory_space<vmem>>, vector<64x1xf32>,
    } else {
    }
    %gt3A = arith.constant 0 : i32
    %gt3A_34 = arith.cmpi sgt, %arg0, %gt3A : i32
    %convert_element_type3A_35 = arith.extui %gt3A_34 : i1 to i32
    %cond3A_36 = arith.constant 0 : i32
    %cond3A_37 = arith.cmpi ne, %convert_element_type3A_35, %cond3A_36 : i32
    scf.if %cond3A_37 {
      %get3A_43 = arith.constant 0 : index
      %get3A_44 = arith.constant 0 : index
      %get3A_45 = vector.load %arg13[%get3A_43, %get3A_44] : memref<64x128xf32, #tpu.memory_space<vmem>>, vector<64x128xf32>
      %add3A_46 = arith.addf %get3A_45, %dot_general3A_26 : vector<64x128xf32>
      %swap3A = arith.constant 0 : index
      %swap3A_47 = arith.constant 0 : index
      %swap3A_48 = vector.load %arg13[%swap3A, %swap3A_47] : memref<64x128xf32, #tpu.memory_space<vmem>>, vector<64x128xf32>
      tpu.vector_store %arg13[%swap3A, %swap3A_47], %add3A_46 {strides = array<i32>} : memref<64x128xf32, #tpu.memory_space<vmem>>, vector<64x128xf32>,
      %get3A_49 = arith.constant 0 : index
      %get3A_50 = arith.constant 0 : index
      %get3A_51 = vector.load %arg14[%get3A_49, %get3A_50] : memref<64x1xf32, #tpu.memory_space<vmem>>, vector<64x1xf32>
      %add3A_52 = arith.addf %get3A_51, %dot_general3A_29 : vector<64x1xf32>
      %swap3A_53 = arith.constant 0 : index
      %swap3A_54 = arith.constant 0 : index
      %swap3A_55 = vector.load %arg14[%swap3A_53, %swap3A_54] : memref<64x1xf32, #tpu.memory_space<vmem>>, vector<64x1xf32>
      tpu.vector_store %arg14[%swap3A_53, %swap3A_54], %add3A_52 {strides = array<i32>} : memref<64x1xf32, #tpu.memory_space<vmem>>, vector<64x1xf32>,
    } else {
    }
    %eq3A_38 = arith.constant 4 : i32
    %eq3A_39 = arith.cmpi eq, %arg0, %eq3A_38 : i32
    %convert_element_type3A_40 = arith.extui %eq3A_39 : i1 to i32
    %cond3A_41 = arith.constant 0 : i32
    %cond3A_42 = arith.cmpi ne, %convert_element_type3A_40, %cond3A_41 : i32
    scf.if %cond3A_42 {
      %get3A_43 = arith.constant 0 : index
      %get3A_44 = arith.constant 0 : index
      %get3A_45 = vector.load %arg13[%get3A_43, %get3A_44] : memref<64x128xf32, #tpu.memory_space<vmem>>, vector<64x128xf32>
      %get3A_46 = arith.constant 0 : index
      %get3A_47 = arith.constant 0 : index
      %get3A_48 = vector.load %arg14[%get3A_46, %get3A_47] : memref<64x1xf32, #tpu.memory_space<vmem>>, vector<64x1xf32>
      %max3A_49 = arith.constant 1.000000e+00 : f32
      %max3A_50 = vector.broadcast %max3A_49 : f32 to vector<64x1xf32>
      %max3A_51 = arith.maximumf %get3A_48, %max3A_50 : vector<64x1xf32>
      %div3A = vector.broadcast %max3A_51 : vector<64x1xf32> to vector<64x128xf32>
      %div3A_52 = arith.divf %get3A_45, %div3A : vector<64x128xf32>
      %get3A_53 = arith.constant 0 : index
      %get3A_54 = arith.constant 0 : index
      %get3A_55 = vector.load %arg7[%get3A_53, %get3A_54] : memref<128x1xf32, #tpu.memory_space<vmem>>, vector<128x1xf32>
      %dot_general3A_56 = arith.constant dense<0.000000e+00> : vector<64x1xf32>
      %dot_general3A_57 = tpu.matmul %div3A_52, %get3A_55, %dot_general3A_56 {dimension_numbers = #tpu.dot_dimension_numbers<[1], [0], [0], [1], [0, 0, 1, 1], [], []>, transpose_lhs_hint = false} : vector<64x128xf32>, vector<128x1xf32>, vector<64x1xf32> -> vector<64x1xf32>
      %get3A_58 = arith.constant 0 : index
      %get3A_59 = arith.constant 0 : index
      %get3A_60 = vector.load %arg8[%get3A_58, %get3A_59] : memref<1x1xf32, #tpu.memory_space<vmem>>, vector<1x1xf32>
      %add3A_61 = vector.broadcast %get3A_60 : vector<1x1xf32> to vector<64x1xf32>
      %add3A_62 = arith.addf %dot_general3A_57, %add3A_61 : vector<64x1xf32>
      %swap3A = arith.constant 0 : index
      %swap3A_63 = arith.constant 0 : index
      %swap3A_64 = vector.load %arg11[%swap3A, %swap3A_63] : memref<64x1xf32, #tpu.memory_space<vmem>>, vector<64x1xf32>
      tpu.vector_store %arg11[%swap3A, %swap3A_63], %add3A_62 {strides = array<i32>} : memref<64x1xf32, #tpu.memory_space<vmem>>, vector<64x1xf32>,
      %get3A_65 = arith.constant 0 : index
      %get3A_66 = arith.constant 0 : index
      %get3A_67 = vector.load %arg9[%get3A_65, %get3A_66] : memref<128x1xf32, #tpu.memory_space<vmem>>, vector<128x1xf32>
      %dot_general3A_68 = arith.constant dense<0.000000e+00> : vector<64x1xf32>
      %dot_general3A_69 = tpu.matmul %div3A_52, %get3A_67, %dot_general3A_68 {dimension_numbers = #tpu.dot_dimension_numbers<[1], [0], [0], [1], [0, 0, 1, 1], [], []>, transpose_lhs_hint = false} : vector<64x128xf32>, vector<128x1xf32>, vector<64x1xf32> -> vector<64x1xf32>
      %get3A_70 = arith.constant 0 : index
      %get3A_71 = arith.constant 0 : index
      %get3A_72 = vector.load %arg10[%get3A_70, %get3A_71] : memref<1x1xf32, #tpu.memory_space<vmem>>, vector<1x1xf32>
      %add3A_73 = vector.broadcast %get3A_72 : vector<1x1xf32> to vector<64x1xf32>
      %add3A_74 = arith.addf %dot_general3A_69, %add3A_73 : vector<64x1xf32>
      %swap3A_75 = arith.constant 0 : index
      %swap3A_76 = arith.constant 0 : index
      %swap3A_77 = vector.load %arg12[%swap3A_75, %swap3A_76] : memref<64x1xf32, #tpu.memory_space<vmem>>, vector<64x1xf32>
      tpu.vector_store %arg12[%swap3A_75, %swap3A_76], %add3A_74 {strides = array<i32>} : memref<64x1xf32, #tpu.memory_space<vmem>>, vector<64x1xf32>,
    } else {
    }
    return
  }
  func.func @transform_0(%arg0: i32) -> (i32, i32) {
    %c0_i32 = arith.constant 0 : i32
    %c0_i32_0 = arith.constant 0 : i32
    return %arg0, %c0_i32 : i32, i32
  }
  func.func @transform_1(%arg0: i32) -> (i32, i32) {
    %c0_i32 = arith.constant 0 : i32
    %c0_i32_0 = arith.constant 0 : i32
    return %arg0, %c0_i32 : i32, i32
  }
  func.func @transform_2(%arg0: i32) -> (i32, i32) {
    %c0_i32 = arith.constant 0 : i32
    %c0_i32_0 = arith.constant 0 : i32
    return %arg0, %c0_i32 : i32, i32
  }
  func.func @transform_3(%arg0: i32) -> (i32, i32) {
    %c0_i32 = arith.constant 0 : i32
    %c0_i32_0 = arith.constant 0 : i32
    return %arg0, %c0_i32 : i32, i32
  }
  func.func @transform_4(%arg0: i32) -> (i32, i32) {
    %c0_i32 = arith.constant 0 : i32
    %c0_i32_0 = arith.constant 0 : i32
    %c0_i32_1 = arith.constant 0 : i32
    return %c0_i32, %c0_i32_0 : i32, i32
  }
  func.func @transform_5(%arg0: i32) -> (i32, i32) {
    %c0_i32 = arith.constant 0 : i32
    %c0_i32_0 = arith.constant 0 : i32
    return %arg0, %c0_i32 : i32, i32
  }
  func.func @transform_6(%arg0: i32) -> (i32, i32) {
    %c0_i32 = arith.constant 0 : i32
    %c0_i32_0 = arith.constant 0 : i32
    %c0_i32_1 = arith.constant 0 : i32
    return %c0_i32, %c0_i32_0 : i32, i32
  }
  func.func @transform_7(%arg0: i32) -> (i32, i32) {
    %c0_i32 = arith.constant 0 : i32
    %c0_i32_0 = arith.constant 0 : i32
    %c0_i32_1 = arith.constant 0 : i32
    return %c0_i32, %c0_i32_0 : i32, i32
  }
  func.func @transform_8(%arg0: i32) -> (i32, i32) {
    %c0_i32 = arith.constant 0 : i32
    %c0_i32_0 = arith.constant 0 : i32
    %c0_i32_1 = arith.constant 0 : i32
    return %c0_i32, %c0_i32_0 : i32, i32
  }
  func.func @transform_9(%arg0: i32) -> (i32, i32) {
    %c0_i32 = arith.constant 0 : i32
    %c0_i32_0 = arith.constant 0 : i32
    %c0_i32_1 = arith.constant 0 : i32
    return %c0_i32, %c0_i32_0 : i32, i32
  }
  func.func @transform_10(%arg0: i32) -> (i32, i32) {
    %c0_i32 = arith.constant 0 : i32
    %c0_i32_0 = arith.constant 0 : i32
    %c0_i32_1 = arith.constant 0 : i32
    return %c0_i32, %c0_i32_0 : i32, i32
  }
  func.func @transform_11(%arg0: i32) -> (i32, i32) {
    %c0_i32 = arith.constant 0 : i32
    %c0_i32_0 = arith.constant 0 : i32
    %c0_i32_1 = arith.constant 0 : i32
    return %c0_i32, %c0_i32_0 : i32, i32
  }
}

</mosaic_0001>

<sc_bundles>
// kernel: kernel.11.cloned.1.call-start
scs
__scs_entry_jumppad:
0x0: {  	(pc) =	sbr.rel $0x88, $3  }
0x1: {  	(tag) =	ssettag $0x0;
	lr =	simm.s32 $0x1  }
0x2: {  	[smem:$0x3F96] =	sst lr;
	_ =	strace $0xD0000000  }
0x3: {  	_ = 	snop  }
0x4: {  	_ = 	snop  }
0x5: {  	_ = 	snop  }
0x6: {  	_ = 	snop  }
0x7: {  	_ = 	snop  }
__scs_overlays_trampoline_lowered:
0x8: {  	[smem:$0x3FA5] =	sst s0  }
0x9: {  	[smem:$0x3FA6] =	sst s1  }
0xa: {  	[smem:$0x3FA7] =	sst s2  }
0xb: {  	[smem:$0x3FA8] =	sst s3  }
0xc: {  	[smem:$0x3FA9] =	sst s4  }
0xd: {  	[smem:$0x3FAA] =	sst s5  }
0xe: {  	[smem:$0x3FAB] =	sst s6  }
0xf: {  	[smem:$0x3FAC] =	sst s7  }
0x10: {  	[smem:$0x3FAD] =	sst s8  }
0x11: {  	[smem:$0x3FAE] =	sst s9;
	s0 =	simm.s32 @!p0 $0x0  }
0x12: {  	s1 =	sld [smem:$0x3F94];
	s0 =	simm.s32 @p0 $0x1  }
0x13: {  	[smem:$0x3FAF] =	sst s0;
	s0 =	simm.s32 @!p1 $0x0  }
0x14: {  	s2 =	sld [smem:$0x3F93];
	s0 =	simm.s32 @p1 $0x1  }
0x15: {  	[smem:$0x3FB0] =	sst s0;
	s0 =	simm.s32 @!p2 $0x0  }
0x16: {  	s3 =	sld [smem:$0x3FDB];
	s0 =	simm.s32 @p2 $0x1  }
0x17: {  	s4 =	simm.s32 $0x1BF5;
	[smem:$0x3FB2] =	sst s0  }
0x18: {  	s0 =	sld [smem:$0x3F95];
	_ =	swait.ge [sflag:s4], $0x0  }
0x19: {  	s7 =	sld [smem:$0x3F96]  }
0x1a: {  	s8 =	sadd.s32 $0xFFFFE003, lr  }
0x1b: {  	s9 =	sadd.s32 $0xFFFFFEF7, lr;
	s5 =	simm.s32 $0xFFFFFFFF;
	p2 =	slt.u32 s8, $0xFFFFF086  }
0x1c: {  	p1 =	slt.u32 s9, $0xF7A;
	s5 =	simm.s32 @!p2 $0x0  }
0x1d: {  	s5 =	simm.s32 @p1 $0x1;
	p0 =	seq.s32 s7, s2  }
0x1e: {  	s7 =	smul.u32 @!p0 $0xF7A, s2;
	p2 =	seq.s32 @!p0 s5, $0x0  }
0x1f: {  	s9 =	smul.u32 $0xF7A, s1;
	s8 =	simm.s32 @!p0 $0x1BF5;
	p2 =	por !p2, p0  }
0x20: {  	[sflag:s8] =	ssyncset.s32 @!p0 $0xFFFFF086;
	s6 =	sadd.s32 @!p0 s3, s7;
	s7 =	simm.s32 @!p0 $0x108  }
0x21: {  	s3 =	sadd.s32 s3, s9;
	s6 =	sadd.s32 @!p0 $0x88, s6;
	s7 =	simm.s32 @p2 $0x1082  }
0x22: {  	[simem:s7], [sflag:s8] =	dma.local @!p0 [hbm:s6], $0xF7A  }
0x23: {  	s9 =	sor.u32 $0xD0000000, s2;
	s6 =	simm.s32 $0x108;
	_ =	swait.ge @!p0 [sflag:s8], $0x0  }
0x24: {  	s3 =	sadd.s32 $0x88, s3;
	s6 =	simm.s32 @!p1 $0x1082;
	[sflag:s4] =	ssyncset.s32 $0xFFFFF086  }
0x25: {  	[simem:s6], [sflag:s4] =	dma.local [hbm:s3], $0xF7A  }
0x26: {  	[smem:$0x3F96] =	sst s1;
	(tag) =	ssettag s2;
	_ =	strace s9  }
0x27: {  	s1 =	sld [smem:$0x3FA6]  }
0x28: {  	s2 =	sld [smem:$0x3FA7]  }
0x29: {  	s4 =	sld [smem:$0x3FA9]  }
0x2a: {  	p0 =	seq.s32 s5, $0x0;
	s5 =	sld [smem:$0x3FAA]  }
0x2b: {  	s6 =	sld [smem:$0x3FAB]  }
0x2c: {  	s7 =	sld [smem:$0x3FAC]  }
0x2d: {  	s3 =	simm.s32 $0x108;
	s8 =	sld [smem:$0x3FAD]  }
0x2e: {  	s3 =	simm.s32 @!p0 $0x1082;
	s9 =	sld [smem:$0x3FAE]  }
0x2f: {  	lr =	sadd.s32 s0, s3;
	s0 =	sld [smem:$0x3FA5]  }
0x30: {  	s3 =	sld [smem:$0x3FA8]  }
0x31: {  	[smem:$0x3FB1] =	sst s10  }
0x32: {  	s10 =	sld [smem:$0x3FAF];
	_ =	sdelay $0x3  }
0x33: {  	p0 =	seq.s32 s10, $0x1;
	s10 =	sld [smem:$0x3FB1];
	_ =	sdelay $0x3  }
0x34: {  	[smem:$0x3FB1] =	sst s10  }
0x35: {  	s10 =	sld [smem:$0x3FB0];
	_ =	sdelay $0x3  }
0x36: {  	p1 =	seq.s32 s10, $0x1;
	s10 =	sld [smem:$0x3FB1];
	_ =	sdelay $0x3  }
0x37: {  	[smem:$0x3FB1] =	sst s10  }
0x38: {  	s10 =	sld [smem:$0x3FB2]  }
0x39: {  	_ = 	snop;
	(pc) =	sbr.ind lr, $3  }
0x3a: {  	_ = 	snop  }
0x3b: {  	_ = 	snop  }
0x3c: {  	p2 =	seq.s32 s10, $0x1;
	s10 =	sld [smem:$0x3FB1]  }
0x3d: {  	_ =	shalt  }
0x3e: {  	_ =	shalt  }
0x3f: {  	_ =	shalt  }
0x40: {  	_ =	shalt  }
0x41: {  	_ =	shalt  }
0x42: {  	_ =	shalt  }
0x43: {  	_ =	shalt  }
0x44: {  	_ =	shalt  }
0x45: {  	_ =	shalt  }
0x46: {  	_ =	shalt  }
0x47: {  	_ =	shalt  }
0x48: {  	_ =	shalt  }
0x49: {  	_ =	shalt  }
0x4a: {  	_ =	shalt  }
0x4b: {  	_ =	shalt  }
0x4c: {  	_ =	shalt  }
0x4d: {  	_ =	shalt  }
0x4e: {  	_ =	shalt  }
0x4f: {  	_ =	shalt  }
0x50: {  	_ =	shalt  }
0x51: {  	_ =	shalt  }
0x52: {  	_ =	shalt  }
0x53: {  	_ =	shalt  }
0x54: {  	_ =	shalt  }
0x55: {  	_ =	shalt  }
0x56: {  	_ =	shalt  }
0x57: {  	_ =	shalt  }
0x58: {  	_ =	shalt  }
0x59: {  	_ =	shalt  }
0x5a: {  	_ =	shalt  }
0x5b: {  	_ =	shalt  }
0x5c: {  	_ =	shalt  }
0x5d: {  	_ =	shalt  }
0x5e: {  	_ =	shalt  }
0x5f: {  	_ =	shalt  }
0x60: {  	_ =	shalt  }
0x61: {  	_ =	shalt  }
0x62: {  	_ =	shalt  }
0x63: {  	_ =	shalt  }
0x64: {  	_ =	shalt  }
0x65: {  	_ =	shalt  }
0x66: {  	_ =	shalt  }
0x67: {  	_ =	shalt  }
0x68: {  	_ =	shalt  }
0x69: {  	_ =	shalt  }
0x6a: {  	_ =	shalt  }
0x6b: {  	_ =	shalt  }
0x6c: {  	_ =	shalt  }
0x6d: {  	_ =	shalt  }
0x6e: {  	_ =	shalt  }
0x6f: {  	_ =	shalt  }
0x70: {  	_ =	shalt  }
0x71: {  	_ =	shalt  }
0x72: {  	_ =	shalt  }
0x73: {  	_ =	shalt  }
0x74: {  	_ =	shalt  }
0x75: {  	_ =	shalt  }
0x76: {  	_ =	shalt  }
0x77: {  	_ =	shalt  }
0x78: {  	_ =	shalt  }
0x79: {  	_ =	shalt  }
0x7a: {  	_ =	shalt  }
0x7b: {  	_ =	shalt  }
0x7c: {  	_ =	shalt  }
0x7d: {  	_ =	shalt  }
0x7e: {  	_ =	shalt  }
0x7f: {  	_ =	shalt  }
0x80: {  	_ =	shalt  }
0x81: {  	_ =	shalt  }
0x82: {  	_ =	shalt  }
0x83: {  	_ =	shalt  }
0x84: {  	_ =	shalt  }
0x85: {  	_ =	shalt  }
0x86: {  	_ =	shalt  }
0x87: {  	_ =	shalt  }
.Lfunc_end0:
.L_simem_size_0:
called_computation.1_lowered:
.L_overlay_start_0:
0x88: {  	s2 =	sld [smem:$0x3FD9]  }
0x89: {  	s3 =	sld [smem:$0x3FFE];
	_ =	sdelay $0x1  }
0x8a: {  	s1 =	srdreg.scid  }
0x8b: {  	s0 =	sand.u32 $0x1, s1  }
0x8c: {  	s16 =	sshll.u32 s0, $0xA;
	s2 =	sadd.s32 s3, s2  }
0x8d: {  	s2 =	sadd.s32 s2, s16  }
0x8e: {  	[smem:$0x3FBD] =	sst s2  }
0x8f: {  	_ = 	snop  }
0x90: {  	(tm) =	ssettm $0x1  }
0x91: {  	s17 =	sld [smem:$0x3FFB];
	_ =	sdelay $0x3  }
0x92: {  	_ =	strace s17  }
0x93: {  	s2 =	sld [smem:$0x3FFC];
	_ =	sdelay $0x3  }
0x94: {  	_ =	strace s2  }
0x95: {  	s2 =	sld [smem:$0x3FFD];
	_ =	sdelay $0x3  }
0x96: {  	_ =	strace s2  }
0x97: {  	_ =	strace $0x8FFFFFFF  }
0x98: {  	s18 =	sld [smem:$0x3FDB];
	_ =	sdelay $0x1  }
0x99: {  	s19 =	simm.s32 $_scs_section_size  }
0x9a: {  	s4 =	simm.s32 $_size__tile_overlayer_lowered;
	s5 =	simm.s32 $_tile_overlayer_lowered  }
0x9b: {  	s22 =	simm.s32 $0x1BFF;
	s21 =	sshll.u32 s5, $0x1;
	s2 =	sadd.s32 s19, s18  }
0x9c: {  	s6 =	simm.s32 $0x0;
	s20 =	sshll.u32 s4, $0x1;
	s4 =	sadd.s32 s21, s2  }
0x9d: {  	[timem:s6], [sflag:s22] =	dma.local [hbm:s4], s20  }
0x9e: {  	_ =	swait.ge [sflag:s22], s20  }
0x9f: {  	s3 =	ssub.s32 $0x0, s20;
	[sflag:s22] =	ssyncset.done $0x0  }
0xa0: {  	[sflag:s22] =	ssyncadd.s32 s3;
	_ =	sdelay $0x1  }
0xa1: {  	s23 =	simm.s32 $0x1B8B  }
0xa2: {  	_ =	swait.ge [sflag:s23], $0x1  }
0xa3: {  	[sflag:s23] =	ssyncset.done $0x0  }
0xa4: {  	s25 =	simm.s32 $0x1B8E;
	s24 =	sld [smem:$0x3FFE];
	[sflag:s23] =	ssyncadd.s32 $0xFFFFFFFF  }
0xa5: {  	s26 =	simm.s32 $execute0_lowered;
	[smem:$0x3FD2] =	sst s25  }
0xa6: {  	s4 =	sshll.u32 s26, $0x1;
	_ =	strace $0x80000049;
	[dreg:$0x1] =	wrdreg $0xFFFFFFFF  }
0xa7: {  	s28 =	simm.s32 $_size_execute0_lowered;
	s2 =	sadd.s32 s2, s4;
	[dreg:$0x0] =	wrdreg $0x0  }
0xa8: {  	s4 =	sshll.u32 s28, $0x1;
	[dreg:$0x2] =	wrdreg s2  }
0xa9: {  	[dreg:$0x3] =	wrdreg s4  }
0xaa: {  	[dreg:$0x4] =	wrdreg $0xC0  }
0xab: {  	_ =	task [dreg:s6], $0x5FFFF  }
0xac: {  	[dreg:$0x1] =	wrdreg $0xFFFFFFFF  }
0xad: {  	[dreg:$0x0] =	wrdreg $0x60  }
0xae: {  	[dreg:$0x2] =	wrdreg s24  }
0xaf: {  	[dreg:$0x3] =	wrdreg $0x61000  }
0xb0: {  	[dreg:$0x4] =	wrdreg $0x9  }
0xb1: {  	_ =	task.clear_ibuf [dreg:s6], $0x5FFFF;
	_ =	strace $0x90000049  }
0xb2: {  	s29 =	simm.s32 $0x9;
	_ =	strace $0x8000004B  }
0xb3: {  	_ =	swait.ge [sflag:s29], $0x1  }
0xb4: {  	[sflag:s29] =	ssyncadd.s32 $0xFFFFFFFF  }
0xb5: {  	_ =	strace $0x9000004B  }
0xb6: {  	_ =	sfence  }
0xb7: {  	s30 =	sld [smem:$0x0];
	_ =	sdelay $0x2  }
0xb8: {  	s31 =	sshll.u32 s1, $0xD;
	s1 =	sshrl.u32 s1, $0x2  }
0xb9: {  	s3 =	sand.u32 $0x4000, s31;
	s1 =	sadd.s32 s1, s30  }
0xba: {  	s0 =	sor.u32 s3, s0;
	s1 =	sshll.u32 s1, $0x11  }
0xbb: {  	s0 =	sor.u32 s1, s0  }
0xbc: {  	s0 =	sadd.s32 $0x8F2B, s0  }
0xbd: {  	[sflag:s0] =	ssyncadd.remote.s32 $0x1  }
0xbe: {  	_ =	sfence.sel $0xFFFF  }
0xbf: {  	[dreg:$0x0] =	wrdreg $0xFFFFFFFF;
	(pc) =	sbr.abs _section_cstart, $3  }
0xc0: {  	[dreg:$0x1] =	wrdreg $0xFFFFFFFF  }
0xc1: {  	_ =	task.clear_ibuf [dreg:s6], $0x2FFFF;
	_ =	strace $0x9FFFFFFF  }
0xc2: {  	(tm) =	ssettm $0x7FFFFFFF  }
0xc3: {  	_ =	shalt  }
tec
execute0_lowered:
.L_overlay_start_1:
0x0: {  	(tag) =	ssettag $0x1  }
0x1: {  	s6 =	rddreg [dreg:$0x0]  }
0x2: {  	s1 =	rddreg [dreg:$0x1]  }
0x3: {  	s3 =	srdreg.scid;
	s0 =	rddreg [dreg:$0x2];
	s2 =	simm.s32 $0x0  }
0x4: {  	v0 =	vlaneseq.u32;
	s13 =	simm.s32 $0x1080;
	s14 =	simm.s32 $0x3900;
	s15 =	simm.s32 $0x2  }
0x5: {  	v1 =	vimm.f32 $0.0e+00;
	s16 =	simm.s32 $0x800;
	s17 =	simm.s32 $0x1000;
	s18 =	simm.s32 $0x1100;
	v2 =	vor.u32 $0x2580, v0;
	v3 =	vor.u32 $0x2590, v0  }
0x6: {  	s19 =	simm.s32 $0x1;
	s7 =	sand.u32 $0x1, s3;
	[smem:$0x7FF] =	sst s2;
	v4 =	vor.u32 $0x25A0, v0;
	v5 =	vor.u32 $0x25B0, v0;
	v6 =	vor.u32 $0x25C0, v0  }
0x7: {  	s3 =	sadd.s32 $0x17200, s6;
	s4 =	sadd.s32 $0x3600, s6;
	v7 =	vor.u32 $0x25D0, v0;
	v8 =	vor.u32 $0x25E0, v0;
	v9 =	vor.u32 $0x25F0, v0;
	s8 =	smul.u32 $0x27100, s7  }
0x8: {  	s20 =	simm.s32 $0x0;
	s5 =	sadd.s32 $0xD400, s6;
	v10 =	vor.u32 $0x2600, v0;
	v11 =	vor.u32 $0x2610, v0;
	v12 =	vor.u32 $0x2620, v0;
	_ =	strace $0x8000004A  }
0x9: {  	v13 =	vor.u32 $0x2630, v0;
	v14 =	vor.u32 $0x2640, v0;
	v15 =	vor.u32 $0x2650, v0;
	s30 =	ssub.s32 $0x2, s7;
	s10 =	sadd.s32 s8, s6;
	s6 =	stileid.u32  }
0xa: {  	v16 =	vor.u32 $0x2660, v0;
	v17 =	vor.u32 $0x2670, v0;
	v18 =	vor.u32 $0x2680, v0;
	s7 =	sshll.u32 s7, $0x4;
	s9 =	sshrl.u32 s30, $0x1;
	s12 =	smul.u32 $0x2800, s6  }
0xb: {  	v19 =	vor.u32 $0x2690, v0;
	v20 =	vor.u32 $0x26A0, v0;
	v21 =	vor.u32 $0x26B0, v0;
	s11 =	ssub.s32 s30, s9;
	s31 =	sor.u32 s6, s7;
	s7 =	smul.u32 $0x280, s6  }
0xc: {  	v22 =	vor.u32 $0x26C0, v0;
	v23 =	vor.u32 $0x26D0, v0;
	v24 =	vor.u32 $0x26E0, v0;
	s8 =	simm.s32 $0x5;
	p0 =	seq.s32 s6, $0xF;
	s9 =	smul.u32 $0x5, s31  }
0xd: {  	v25 =	vor.u32 $0x26F0, v0;
	v26 =	vor.u32 $0x2700, v0;
	v27 =	vor.u32 $0x10, v0;
	s8 =	simm.s32 @!p0 $0x8;
	p0 =	sne.s32 s6, $0xF;
	s12 =	sadd.s32 s12, s10  }
0xe: {  	v28 =	vor.u32 $0x20, v0;
	v29 =	vor.u32 $0x30, v0;
	v30 =	vor.u32 $0x40, v0;
	s10 =	smax.u32 s11, $0x1;
	s11 =	sadd.s32 $0x65600, s12;
	s12 =	simm.s32 $0x50  }
.LBB2_1:
0xf: {  	s21 =	simm.s32 $0x0;
	s22 =	simm.s32 $0x200  }
.LBB2_2:
0x10: {  	p1 =	sne.s32 s22, $0x9E00;
	[tilespmem:s21+$0x3970] =	vst v1  }
0x11: {  	[tilespmem:s21+$0x3900] =	vst v1  }
0x12: {  	[tilespmem:s21+$0x3910] =	vst v1  }
.Ltmp0:
0x13: {  	[tilespmem:s21+$0x3920] =	vst v1;
	(pc) =	sbr.rel @p1 .LBB2_2-.Ltmp0, $4  }
0x14: {  	[tilespmem:s21+$0x3930] =	vst v1  }
0x15: {  	[tilespmem:s21+$0x3940] =	vst v1  }
0x16: {  	[tilespmem:s21+$0x3950] =	vst v1  }
0x17: {  	[tilespmem:s21+$0x3960] =	vst v1;
	s21 =	sshra.s32 s22, $0x2;
	s22 =	sadd.s32 $0x200, s22  }
0x18: {  	[tilespmem:s21+$0x3970] =	vst v1  }
0x19: {  	[tilespmem:s21+$0x3900] =	vst v1  }
0x1a: {  	[tilespmem:s21+$0x3910] =	vst v1  }
.Ltmp1:
0x1b: {  	[tilespmem:s21+$0x3920] =	vst v1;
	(pc) =	sbr.rel @p0 .LBB2_5-.Ltmp1, $4  }
0x1c: {  	[tilespmem:s21+$0x3930] =	vst v1  }
0x1d: {  	[tilespmem:s21+$0x3940] =	vst v1  }
0x1e: {  	[tilespmem:s21+$0x3950] =	vst v1  }
0x1f: {  	[tilespmem:s21+$0x3960] =	vst v1  }
0x20: {  	[tilespmem:$0x1080] =	vst v2  }
0x21: {  	[tilespmem:$0x1090] =	vst v3  }
0x22: {  	[tilespmem:$0x10A0] =	vst v4  }
0x23: {  	[tilespmem:$0x10B0] =	vst v5  }
0x24: {  	[tilespmem:$0x10C0] =	vst v6  }
0x25: {  	[spmem:s1] =	stream.indirect.scatter [tilespmem:s14], [sflag:$0x2], $0x80, s13, s12, $0xb8;
	[tilespmem:$0x19980] =	vst v63  }
0x26: {  	_ =	swait.ge [sflag:s15], $0x2800  }
0x27: {  	[sflag:s15] =	ssyncset.done $0x0  }
0x28: {  	[sflag:s15] =	ssyncadd.s32 $0xFFFFD800  }
0x29: {  	[tilespmem:$0x1080] =	vst v7  }
0x2a: {  	[tilespmem:$0x1090] =	vst v8  }
0x2b: {  	[tilespmem:$0x10A0] =	vst v9  }
0x2c: {  	[tilespmem:$0x10B0] =	vst v10  }
0x2d: {  	[tilespmem:$0x10C0] =	vst v11  }
0x2e: {  	[spmem:s1] =	stream.indirect.scatter [tilespmem:s14], [sflag:$0x2], $0x80, s13, s12, $0xb8;
	[tilespmem:$0x19980] =	vst v63  }
0x2f: {  	_ =	swait.ge [sflag:s15], $0x2800  }
0x30: {  	[sflag:s15] =	ssyncset.done $0x0  }
0x31: {  	[sflag:s15] =	ssyncadd.s32 $0xFFFFD800  }
0x32: {  	[tilespmem:$0x1080] =	vst v12  }
0x33: {  	[tilespmem:$0x1090] =	vst v13  }
0x34: {  	[tilespmem:$0x10A0] =	vst v14  }
0x35: {  	[tilespmem:$0x10B0] =	vst v15  }
0x36: {  	[tilespmem:$0x10C0] =	vst v16  }
0x37: {  	[spmem:s1] =	stream.indirect.scatter [tilespmem:s14], [sflag:$0x2], $0x80, s13, s12, $0xb8;
	[tilespmem:$0x19980] =	vst v63  }
0x38: {  	_ =	swait.ge [sflag:s15], $0x2800  }
0x39: {  	[sflag:s15] =	ssyncset.done $0x0  }
0x3a: {  	[sflag:s15] =	ssyncadd.s32 $0xFFFFD800  }
0x3b: {  	[tilespmem:$0x1080] =	vst v17  }
0x3c: {  	[tilespmem:$0x1090] =	vst v18  }
0x3d: {  	[tilespmem:$0x10A0] =	vst v19  }
0x3e: {  	[tilespmem:$0x10B0] =	vst v20  }
0x3f: {  	[tilespmem:$0x10C0] =	vst v21  }
0x40: {  	[spmem:s1] =	stream.indirect.scatter [tilespmem:s14], [sflag:$0x2], $0x80, s13, s12, $0xb8;
	[tilespmem:$0x19980] =	vst v63  }
0x41: {  	_ =	swait.ge [sflag:s15], $0x2800  }
0x42: {  	[sflag:s15] =	ssyncset.done $0x0  }
0x43: {  	[sflag:s15] =	ssyncadd.s32 $0xFFFFD800  }
0x44: {  	[tilespmem:$0x1080] =	vst v22  }
0x45: {  	[tilespmem:$0x1090] =	vst v23  }
0x46: {  	[tilespmem:$0x10A0] =	vst v24  }
0x47: {  	[tilespmem:$0x10B0] =	vst v25  }
.Ltmp2:
0x48: {  	[tilespmem:$0x10C0] =	vst v26;
	(pc) =	sbr.rel .LBB2_8-.Ltmp2, $4  }
0x49: {  	[spmem:s1] =	stream.indirect.scatter [tilespmem:s14], [sflag:$0x2], $0x80, s13, s12, $0xb8;
	[tilespmem:$0x19980] =	vst v63  }
0x4a: {  	_ =	swait.ge [sflag:s15], $0x2800  }
0x4b: {  	[sflag:s15] =	ssyncset.done $0x0  }
0x4c: {  	[sflag:s15] =	ssyncadd.s32 $0xFFFFD800  }
.LBB2_5:
0x4d: {  	s22 =	sadd.s32 $0x0, s7  }
0x4e: {  	v31 =	vadd.s32 s22, v30  }
0x4f: {  	v32 =	vor.u32 s22, v0;
	[tilespmem:$0x10C0] =	vst v31  }
0x50: {  	v63 =	vadd.s32 s22, v28;
	[tilespmem:$0x1080] =	vst v32  }
0x51: {  	v31 =	vadd.s32 s22, v27;
	[tilespmem:$0x10A0] =	vst v63  }
0x52: {  	s21 =	simm.s32 $0x50;
	[tilespmem:$0x1090] =	vst v31;
	v31 =	vadd.s32 s22, v29  }
.LBB2_6:
0x53: {  	p1 =	sne.s32 s21, $0x230;
	[tilespmem:$0x10B0] =	vst v31;
	s22 =	smov.u32 s21;
	s21 =	sadd.s32 $0x50, s21  }
0x54: {  	[spmem:s1] =	stream.indirect.scatter [tilespmem:s14], [sflag:$0x2], $0x80, s13, s12, $0xb8;
	[tilespmem:$0x19980] =	vst v63  }
0x55: {  	_ =	swait.ge [sflag:s15], $0x2800  }
0x56: {  	s22 =	sadd.s32 s22, s7;
	[sflag:s15] =	ssyncset.done $0x0  }
.Ltmp3:
0x57: {  	v32 =	vor.u32 s22, v0;
	v33 =	vadd.s32 s22, v27;
	v34 =	vadd.s32 s22, v30;
	[sflag:s15] =	ssyncadd.s32 $0xFFFFD800;
	(pc) =	sbr.rel @p1 .LBB2_6-.Ltmp3, $4  }
0x58: {  	v35 =	vadd.s32 s22, v28;
	v31 =	vadd.s32 s22, v29;
	[tilespmem:$0x10C0] =	vst v34  }
0x59: {  	[tilespmem:$0x1080] =	vst v32  }
0x5a: {  	[tilespmem:$0x1090] =	vst v33  }
0x5b: {  	[tilespmem:$0x10A0] =	vst v35  }
0x5c: {  	[tilespmem:$0x10B0] =	vst v31  }
0x5d: {  	[spmem:s1] =	stream.indirect.scatter [tilespmem:s14], [sflag:$0x2], $0x80, s13, s12, $0xb8;
	[tilespmem:$0x19980] =	vst v63  }
0x5e: {  	_ =	swait.ge [sflag:s15], $0x2800  }
0x5f: {  	[sflag:s15] =	ssyncset.done $0x0  }
0x60: {  	[sflag:s15] =	ssyncadd.s32 $0xFFFFD800  }
.LBB2_8:
0x61: {  	[tilespmem:s14], [sflag:$0x2] =	stream.indirect.gather [spmem:s1], $0x80, s13, s12, $0xb8;
	[tilespmem:$0x19980] =	vst v63  }
0x62: {  	_ =	swait.ge [sflag:s15], $0x2800  }
0x63: {  	[sflag:s15] =	ssyncset.done $0x0  }
0x64: {  	[sflag:s15] =	ssyncadd.s32 $0xFFFFD800  }
0x65: {  	s21 =	simm.s32 $0x0;
	s22 =	simm.s32 $0x0;
	[bflag:$0x0] =	sbarrier.arrive $0xFFFF  }
.LBB2_9:
0x66: {  	s23 =	sadd.s32 s9, s22  }
0x67: {  	s23 =	smul.u32 $0xFA, s23;
	_ =	sdelay $0x1  }
0x68: {  	s24 =	sadd.s32 s4, s23  }
0x69: {  	[tilespmem:s21], [sflag:$0x2] =	stream.linear.gather [hbm4b:s24+s21], $0x7D0, $0x38;
	[tilespmem:$0x19980] =	vst v63  }
0x6a: {  	_ =	swait.ge [sflag:s15], $0x7D0  }
0x6b: {  	[sflag:s15] =	ssyncset.done $0x0  }
0x6c: {  	s23 =	sadd.s32 s5, s23;
	[sflag:s15] =	ssyncadd.s32 $0xFFFFF830  }
0x6d: {  	[tilespmem:s16], [sflag:$0x2] =	stream.linear.gather [hbm4b:s23+s21], $0x7D0, $0x38;
	[tilespmem:$0x19980] =	vst v63  }
0x6e: {  	_ =	swait.ge [sflag:s15], $0x7D0  }
0x6f: {  	[sflag:s15] =	ssyncset.done $0x0  }
0x70: {  	s31 =	simm.s32 $0x0;
	[sflag:s15] =	ssyncadd.s32 $0xFFFFF830  }
0x71: {  	v31 =	vld [tilespmem:s31+$0x0];
	_ =	sdelay $0x4  }
0x72: {  	[tilespmem:$0x1000] =	vst v31  }
0x73: {  	v31 =	vld [tilespmem:s31+$0x800];
	_ =	sdelay $0x4  }
0x74: {  	[tilespmem:$0x1080] =	vst v31  }
0x75: {  	v31 =	vld [tilespmem:s31+$0x10];
	_ =	sdelay $0x4  }
0x76: {  	[tilespmem:$0x1010] =	vst v31  }
0x77: {  	v31 =	vld [tilespmem:s31+$0x810];
	_ =	sdelay $0x4  }
0x78: {  	[tilespmem:$0x1090] =	vst v31  }
0x79: {  	v31 =	vld [tilespmem:s31+$0x20];
	_ =	sdelay $0x4  }
0x7a: {  	[tilespmem:$0x1020] =	vst v31  }
0x7b: {  	v31 =	vld [tilespmem:s31+$0x820];
	_ =	sdelay $0x4  }
0x7c: {  	[tilespmem:$0x10A0] =	vst v31  }
0x7d: {  	v31 =	vld [tilespmem:s31+$0x30];
	_ =	sdelay $0x4  }
0x7e: {  	[tilespmem:$0x1030] =	vst v31  }
0x7f: {  	v31 =	vld [tilespmem:s31+$0x830];
	_ =	sdelay $0x4  }
0x80: {  	[tilespmem:$0x10B0] =	vst v31  }
0x81: {  	v31 =	vld [tilespmem:s31+$0x40];
	_ =	sdelay $0x4  }
0x82: {  	[tilespmem:$0x1040] =	vst v31  }
0x83: {  	v31 =	vld [tilespmem:s31+$0x840];
	_ =	sdelay $0x4  }
0x84: {  	[tilespmem:$0x10C0] =	vst v31  }
0x85: {  	[tilespmem:s18], [sflag:$0x1] =	stream.indirect.gather [hbm4b:s3+s12], $0x80, s17, s12, $0xb8;
	[tilespmem:$0x19980] =	vst v63  }
0x86: {  	_ =	swait.ge [sflag:s19], $0x2800  }
0x87: {  	[sflag:s19] =	ssyncset.done $0x0  }
0x88: {  	[sflag:s19] =	ssyncadd.s32 $0xFFFFD800  }
0x89: {  	[spmem:s1] =	stream.indirect.scatter.add.f32 [tilespmem:s18], [sflag:$0x2], $0x80, s13, s12, $0xb8;
	[tilespmem:$0x19980] =	vst v63  }
0x8a: {  	_ =	swait.ge [sflag:s15], $0x2800  }
0x8b: {  	s26 =	simm.s32 $0x280;
	s23 =	simm.s32 $0x140;
	[sflag:s15] =	ssyncset.done $0x0  }
.LBB2_10:
0x8c: {  	s25 =	sshra.s32 s23, $0x2  }
0x8d: {  	[sflag:s15] =	ssyncadd.s32 $0xFFFFD800;
	s23 =	smov.u32 s26;
	s24 =	sadd.s32 $0x140, s26  }
0x8e: {  	p1 =	sne.s32 s26, $0x1E00;
	v31 =	vld [tilespmem:s25+$0x0];
	_ =	sdelay $0x4  }
0x8f: {  	[tilespmem:$0x1000] =	vst v31  }
0x90: {  	v31 =	vld [tilespmem:s25+$0x800];
	_ =	sdelay $0x4  }
0x91: {  	[tilespmem:$0x1080] =	vst v31  }
0x92: {  	v31 =	vld [tilespmem:s25+$0x10];
	_ =	sdelay $0x4  }
0x93: {  	[tilespmem:$0x1010] =	vst v31  }
0x94: {  	v31 =	vld [tilespmem:s25+$0x810];
	_ =	sdelay $0x4  }
0x95: {  	[tilespmem:$0x1090] =	vst v31  }
0x96: {  	v31 =	vld [tilespmem:s25+$0x20];
	_ =	sdelay $0x4  }
0x97: {  	[tilespmem:$0x1020] =	vst v31  }
0x98: {  	v31 =	vld [tilespmem:s25+$0x820];
	_ =	sdelay $0x4  }
0x99: {  	[tilespmem:$0x10A0] =	vst v31  }
0x9a: {  	v31 =	vld [tilespmem:s25+$0x30];
	_ =	sdelay $0x4  }
0x9b: {  	[tilespmem:$0x1030] =	vst v31  }
0x9c: {  	v31 =	vld [tilespmem:s25+$0x830];
	_ =	sdelay $0x4  }
0x9d: {  	[tilespmem:$0x10B0] =	vst v31  }
0x9e: {  	v31 =	vld [tilespmem:s25+$0x40];
	_ =	sdelay $0x4  }
0x9f: {  	[tilespmem:$0x1040] =	vst v31  }
0xa0: {  	v31 =	vld [tilespmem:s25+$0x840];
	_ =	sdelay $0x4  }
0xa1: {  	[tilespmem:$0x10C0] =	vst v31  }
0xa2: {  	[tilespmem:s18], [sflag:$0x1] =	stream.indirect.gather [hbm4b:s3+s12], $0x80, s17, s12, $0xb8;
	[tilespmem:$0x19980] =	vst v63  }
0xa3: {  	_ =	swait.ge [sflag:s19], $0x2800  }
.Ltmp4:
0xa4: {  	[sflag:s19] =	ssyncset.done $0x0;
	(pc) =	sbr.rel @p1 .LBB2_10-.Ltmp4, $4  }
0xa5: {  	[sflag:s19] =	ssyncadd.s32 $0xFFFFD800  }
0xa6: {  	[spmem:s1] =	stream.indirect.scatter.add.f32 [tilespmem:s18], [sflag:$0x2], $0x80, s13, s12, $0xb8;
	[tilespmem:$0x19980] =	vst v63  }
0xa7: {  	_ =	swait.ge [sflag:s15], $0x2800  }
0xa8: {  	s26 =	smov.u32 s24;
	[sflag:s15] =	ssyncset.done $0x0  }
0xa9: {  	s23 =	sshra.s32 s23, $0x2;
	[sflag:s15] =	ssyncadd.s32 $0xFFFFD800  }
0xaa: {  	v31 =	vld [tilespmem:s23+$0x0];
	_ =	sdelay $0x4  }
0xab: {  	[tilespmem:$0x1000] =	vst v31  }
0xac: {  	v31 =	vld [tilespmem:s23+$0x800];
	_ =	sdelay $0x4  }
0xad: {  	[tilespmem:$0x1080] =	vst v31  }
0xae: {  	v31 =	vld [tilespmem:s23+$0x10];
	_ =	sdelay $0x4  }
0xaf: {  	[tilespmem:$0x1010] =	vst v31  }
0xb0: {  	v31 =	vld [tilespmem:s23+$0x810];
	_ =	sdelay $0x4  }
0xb1: {  	[tilespmem:$0x1090] =	vst v31  }
0xb2: {  	v31 =	vld [tilespmem:s23+$0x20];
	_ =	sdelay $0x4  }
0xb3: {  	[tilespmem:$0x1020] =	vst v31  }
0xb4: {  	v31 =	vld [tilespmem:s23+$0x820];
	_ =	sdelay $0x4  }
0xb5: {  	[tilespmem:$0x10A0] =	vst v31  }
0xb6: {  	v31 =	vld [tilespmem:s23+$0x30];
	_ =	sdelay $0x4  }
0xb7: {  	[tilespmem:$0x1030] =	vst v31  }
0xb8: {  	v31 =	vld [tilespmem:s23+$0x830];
	_ =	sdelay $0x4  }
0xb9: {  	[tilespmem:$0x10B0] =	vst v31  }
0xba: {  	v31 =	vld [tilespmem:s23+$0x40];
	_ =	sdelay $0x4  }
0xbb: {  	[tilespmem:$0x1040] =	vst v31  }
0xbc: {  	v31 =	vld [tilespmem:s23+$0x840];
	_ =	sdelay $0x4  }
0xbd: {  	[tilespmem:$0x10C0] =	vst v31  }
0xbe: {  	[tilespmem:s18], [sflag:$0x1] =	stream.indirect.gather [hbm4b:s3+s12], $0x80, s17, s12, $0xb8;
	[tilespmem:$0x19980] =	vst v63  }
0xbf: {  	s22 =	sadd.s32 $0x1, s22;
	_ =	swait.ge [sflag:s19], $0x2800  }
0xc0: {  	p1 =	sne.s32 s22, $0x5;
	[sflag:s19] =	ssyncset.done $0x0  }
.Ltmp5:
0xc1: {  	[sflag:s19] =	ssyncadd.s32 $0xFFFFD800;
	(pc) =	sbr.rel @p1 .LBB2_9-.Ltmp5, $4  }
0xc2: {  	[spmem:s1] =	stream.indirect.scatter.add.f32 [tilespmem:s18], [sflag:$0x2], $0x80, s13, s12, $0xb8;
	[tilespmem:$0x19980] =	vst v63  }
0xc3: {  	_ =	swait.ge [sflag:s15], $0x2800  }
0xc4: {  	[sflag:s15] =	ssyncset.done $0x0  }
0xc5: {  	[sflag:s15] =	ssyncadd.s32 $0xFFFFD800  }
0xc6: {  	[tilespmem:s18], [sflag:$0x2] =	stream.indirect.gather [spmem:s1], $0x80, s13, s12, $0xb8;
	[tilespmem:$0x19980] =	vst v63  }
0xc7: {  	_ =	swait.ge [sflag:s15], $0x2800  }
0xc8: {  	[sflag:s15] =	ssyncset.done $0x0  }
0xc9: {  	[sflag:s15] =	ssyncadd.s32 $0xFFFFD800  }
0xca: {  	v31 =	vor.u32 s7, v0;
	[bflag:$0x0] =	sbarrier.arrive $0xFFFF  }
0xcb: {  	v32 =	vadd.s32 s7, v29;
	[tilespmem:$0x1080] =	vst v31  }
0xcc: {  	v63 =	vadd.s32 s7, v27;
	[tilespmem:$0x10B0] =	vst v32  }
0xcd: {  	v31 =	vadd.s32 s7, v30;
	[tilespmem:$0x1090] =	vst v63  }
0xce: {  	[tilespmem:$0x10C0] =	vst v31;
	v31 =	vadd.s32 s7, v28  }
0xcf: {  	p1 =	sne.s32 s8, $0x1;
	[tilespmem:$0x10A0] =	vst v31  }
0xd0: {  	[tilespmem:s14], [sflag:$0x2] =	stream.indirect.gather [spmem:s1], $0x80, s13, s12, $0xb8;
	[tilespmem:$0x19980] =	vst v63  }
.Ltmp6:
0xd1: {  	_ = 	snop;
	(pc) =	sbr.rel @!p1 .LBB2_14-.Ltmp6, $4  }
0xd2: {  	_ =	swait.ge [sflag:s15], $0x2800  }
0xd3: {  	s21 =	sadd.s32 $0xFFFFFFFF, s8;
	[sflag:s15] =	ssyncset.done $0x0  }
0xd4: {  	s22 =	smov.u32 s11;
	s23 =	smov.u32 s7;
	[sflag:s15] =	ssyncadd.s32 $0xFFFFD800  }
0xd5: {  	[hbm4b:s11+s2] =	stream.linear.scatter [tilespmem:s14], [sflag:$0x2], $0x2800, $0x38;
	[tilespmem:$0x19980] =	vst v63  }
.LBB2_13:
0xd6: {  	_ =	swait.ge [sflag:s15], $0x2800;
	s22 =	sadd.s32 $0x500, s22;
	s23 =	sadd.s32 $0x50, s23  }
0xd7: {  	p1 =	sne.s32 s21, $0x1;
	s21 =	sadd.s32 $0xFFFFFFFF, s21;
	[sflag:s15] =	ssyncset.done $0x0  }
0xd8: {  	v31 =	vor.u32 s23, v0;
	[sflag:s15] =	ssyncadd.s32 $0xFFFFD800  }
0xd9: {  	[tilespmem:$0x1080] =	vst v31;
	v31 =	vadd.s32 s23, v30  }
0xda: {  	v32 =	vadd.s32 s23, v27;
	v33 =	vadd.s32 s23, v28;
	v34 =	vadd.s32 s23, v29;
	[tilespmem:$0x10C0] =	vst v31  }
0xdb: {  	[tilespmem:$0x10B0] =	vst v34  }
0xdc: {  	[tilespmem:$0x10A0] =	vst v33  }
0xdd: {  	[tilespmem:$0x1090] =	vst v32  }
0xde: {  	[tilespmem:s14], [sflag:$0x2] =	stream.indirect.gather [spmem:s1], $0x80, s13, s12, $0xb8;
	[tilespmem:$0x19980] =	vst v63  }
.Ltmp7:
0xdf: {  	_ = 	snop;
	(pc) =	sbr.rel @p1 .LBB2_13-.Ltmp7, $4  }
0xe0: {  	_ =	swait.ge [sflag:s15], $0x2800  }
0xe1: {  	[sflag:s15] =	ssyncset.done $0x0  }
0xe2: {  	[sflag:s15] =	ssyncadd.s32 $0xFFFFD800  }
0xe3: {  	[hbm4b:s22+s2] =	stream.linear.scatter [tilespmem:s14], [sflag:$0x2], $0x2800, $0x38;
	[tilespmem:$0x19980] =	vst v63  }
.LBB2_14:
0xe4: {  	s20 =	sadd.s32 $0x1, s20  }
0xe5: {  	p1 =	sne.s32 s20, s10  }
.Ltmp8:
0xe6: {  	_ = 	snop;
	(pc) =	sbr.rel @p1 .LBB2_1-.Ltmp8, $4  }
0xe7: {  	_ = 	snop  }
0xe8: {  	_ =	swait.ge [sflag:s15], $0x2800  }
0xe9: {  	[sflag:s15] =	ssyncset.done $0x0  }
0xea: {  	[sflag:s15] =	ssyncadd.s32 $0xFFFFD800  }
0xeb: {  	_ =	sfence.sel $0x180000  }
0xec: {  	[bflag:$0x0] =	sbarrier.arrive $0xFFFF  }
0xed: {  	p0 =	sne.s32 s6, $0x0;
	_ =	strace $0x9000004A  }
0xee: {  	s0 =	sadd.s32 @!p0 $0x100000, s0;
	[bflag:$0x2] =	sbarrier.arrive $0xFFFF  }
0xef: {  	[sflag:s0] =	ssyncadd.tile.s32 @!p0 $0x1;
	_ =	shalt  }
.Lfunc_end2:
_tile_overlayer_lowered:
.L_overlay_start_2:
0xf0: {  	(tag) =	ssettag $0x2  }
0xf1: {  	s0 =	rddreg [dreg:$0x0];
	s2 =	stileid.u32  }
0xf2: {  	s1 =	rddreg [dreg:$0x1];
	p0 =	sne.s32 s2, $0x0  }
0xf3: {  	s3 =	rddreg [dreg:$0x2];
	[bflag:$0x3] =	sbarrier.arrive $0xFFFF;
	s2 =	simm.s32 @!p0 $0x1C02  }
0xf4: {  	[timem:s3], [sflag:s2] =	dma.local @!p0 [hbm:s0], s1  }
0xf5: {  	s0 =	simm.s32 @!p0 $0x2  }
0xf6: {  	_ =	swait.ge @!p0 [sflag:s0], s1  }
0xf7: {  	s1 =	ssub.s32 @!p0 $0x0, s1;
	[sflag:s0] =	ssyncset.done @!p0 $0x0  }
0xf8: {  	[sflag:s0] =	ssyncadd.s32 @!p0 s1  }
0xf9: {  	[bflag:$0x3] =	sbarrier.arrive $0xFFFF  }
0xfa: {  	_ =	shalt  }

// kernel: kernel.14.cloned.1.call-start
scs
__scs_entry_jumppad:
0x0: {  	(pc) =	sbr.rel $0x88, $3  }
0x1: {  	(tag) =	ssettag $0x0;
	lr =	simm.s32 $0x1  }
0x2: {  	[smem:$0x3F96] =	sst lr;
	_ =	strace $0xD0000000  }
0x3: {  	_ = 	snop  }
0x4: {  	_ = 	snop  }
0x5: {  	_ = 	snop  }
0x6: {  	_ = 	snop  }
0x7: {  	_ = 	snop  }
__scs_overlays_trampoline_lowered:
0x8: {  	[smem:$0x3FA5] =	sst s0  }
0x9: {  	[smem:$0x3FA6] =	sst s1  }
0xa: {  	[smem:$0x3FA7] =	sst s2  }
0xb: {  	[smem:$0x3FA8] =	sst s3  }
0xc: {  	[smem:$0x3FA9] =	sst s4  }
0xd: {  	[smem:$0x3FAA] =	sst s5  }
0xe: {  	[smem:$0x3FAB] =	sst s6  }
0xf: {  	[smem:$0x3FAC] =	sst s7  }
0x10: {  	[smem:$0x3FAD] =	sst s8  }
0x11: {  	[smem:$0x3FAE] =	sst s9;
	s0 =	simm.s32 @!p0 $0x0  }
0x12: {  	s1 =	sld [smem:$0x3F94];
	s0 =	simm.s32 @p0 $0x1  }
0x13: {  	[smem:$0x3FAF] =	sst s0;
	s0 =	simm.s32 @!p1 $0x0  }
0x14: {  	s2 =	sld [smem:$0x3F93];
	s0 =	simm.s32 @p1 $0x1  }
0x15: {  	[smem:$0x3FB0] =	sst s0;
	s0 =	simm.s32 @!p2 $0x0  }
0x16: {  	s3 =	sld [smem:$0x3FDB];
	s0 =	simm.s32 @p2 $0x1  }
0x17: {  	s4 =	simm.s32 $0x1BF5;
	[smem:$0x3FB2] =	sst s0  }
0x18: {  	s0 =	sld [smem:$0x3F95];
	_ =	swait.ge [sflag:s4], $0x0  }
0x19: {  	s7 =	sld [smem:$0x3F96]  }
0x1a: {  	s8 =	sadd.s32 $0xFFFFE003, lr  }
0x1b: {  	s9 =	sadd.s32 $0xFFFFFEF7, lr;
	s5 =	simm.s32 $0xFFFFFFFF;
	p2 =	slt.u32 s8, $0xFFFFF086  }
0x1c: {  	p1 =	slt.u32 s9, $0xF7A;
	s5 =	simm.s32 @!p2 $0x0  }
0x1d: {  	s5 =	simm.s32 @p1 $0x1;
	p0 =	seq.s32 s7, s2  }
0x1e: {  	s7 =	smul.u32 @!p0 $0xF7A, s2;
	p2 =	seq.s32 @!p0 s5, $0x0  }
0x1f: {  	s9 =	smul.u32 $0xF7A, s1;
	s8 =	simm.s32 @!p0 $0x1BF5;
	p2 =	por !p2, p0  }
0x20: {  	[sflag:s8] =	ssyncset.s32 @!p0 $0xFFFFF086;
	s6 =	sadd.s32 @!p0 s3, s7;
	s7 =	simm.s32 @!p0 $0x108  }
0x21: {  	s3 =	sadd.s32 s3, s9;
	s6 =	sadd.s32 @!p0 $0x88, s6;
	s7 =	simm.s32 @p2 $0x1082  }
0x22: {  	[simem:s7], [sflag:s8] =	dma.local @!p0 [hbm:s6], $0xF7A  }
0x23: {  	s9 =	sor.u32 $0xD0000000, s2;
	s6 =	simm.s32 $0x108;
	_ =	swait.ge @!p0 [sflag:s8], $0x0  }
0x24: {  	s3 =	sadd.s32 $0x88, s3;
	s6 =	simm.s32 @!p1 $0x1082;
	[sflag:s4] =	ssyncset.s32 $0xFFFFF086  }
0x25: {  	[simem:s6], [sflag:s4] =	dma.local [hbm:s3], $0xF7A  }
0x26: {  	[smem:$0x3F96] =	sst s1;
	(tag) =	ssettag s2;
	_ =	strace s9  }
0x27: {  	s1 =	sld [smem:$0x3FA6]  }
0x28: {  	s2 =	sld [smem:$0x3FA7]  }
0x29: {  	s4 =	sld [smem:$0x3FA9]  }
0x2a: {  	p0 =	seq.s32 s5, $0x0;
	s5 =	sld [smem:$0x3FAA]  }
0x2b: {  	s6 =	sld [smem:$0x3FAB]  }
0x2c: {  	s7 =	sld [smem:$0x3FAC]  }
0x2d: {  	s3 =	simm.s32 $0x108;
	s8 =	sld [smem:$0x3FAD]  }
0x2e: {  	s3 =	simm.s32 @!p0 $0x1082;
	s9 =	sld [smem:$0x3FAE]  }
0x2f: {  	lr =	sadd.s32 s0, s3;
	s0 =	sld [smem:$0x3FA5]  }
0x30: {  	s3 =	sld [smem:$0x3FA8]  }
0x31: {  	[smem:$0x3FB1] =	sst s10  }
0x32: {  	s10 =	sld [smem:$0x3FAF];
	_ =	sdelay $0x3  }
0x33: {  	p0 =	seq.s32 s10, $0x1;
	s10 =	sld [smem:$0x3FB1];
	_ =	sdelay $0x3  }
0x34: {  	[smem:$0x3FB1] =	sst s10  }
0x35: {  	s10 =	sld [smem:$0x3FB0];
	_ =	sdelay $0x3  }
0x36: {  	p1 =	seq.s32 s10, $0x1;
	s10 =	sld [smem:$0x3FB1];
	_ =	sdelay $0x3  }
0x37: {  	[smem:$0x3FB1] =	sst s10  }
0x38: {  	s10 =	sld [smem:$0x3FB2]  }
0x39: {  	_ = 	snop;
	(pc) =	sbr.ind lr, $3  }
0x3a: {  	_ = 	snop  }
0x3b: {  	_ = 	snop  }
0x3c: {  	p2 =	seq.s32 s10, $0x1;
	s10 =	sld [smem:$0x3FB1]  }
0x3d: {  	_ =	shalt  }
0x3e: {  	_ =	shalt  }
0x3f: {  	_ =	shalt  }
0x40: {  	_ =	shalt  }
0x41: {  	_ =	shalt  }
0x42: {  	_ =	shalt  }
0x43: {  	_ =	shalt  }
0x44: {  	_ =	shalt  }
0x45: {  	_ =	shalt  }
0x46: {  	_ =	shalt  }
0x47: {  	_ =	shalt  }
0x48: {  	_ =	shalt  }
0x49: {  	_ =	shalt  }
0x4a: {  	_ =	shalt  }
0x4b: {  	_ =	shalt  }
0x4c: {  	_ =	shalt  }
0x4d: {  	_ =	shalt  }
0x4e: {  	_ =	shalt  }
0x4f: {  	_ =	shalt  }
0x50: {  	_ =	shalt  }
0x51: {  	_ =	shalt  }
0x52: {  	_ =	shalt  }
0x53: {  	_ =	shalt  }
0x54: {  	_ =	shalt  }
0x55: {  	_ =	shalt  }
0x56: {  	_ =	shalt  }
0x57: {  	_ =	shalt  }
0x58: {  	_ =	shalt  }
0x59: {  	_ =	shalt  }
0x5a: {  	_ =	shalt  }
0x5b: {  	_ =	shalt  }
0x5c: {  	_ =	shalt  }
0x5d: {  	_ =	shalt  }
0x5e: {  	_ =	shalt  }
0x5f: {  	_ =	shalt  }
0x60: {  	_ =	shalt  }
0x61: {  	_ =	shalt  }
0x62: {  	_ =	shalt  }
0x63: {  	_ =	shalt  }
0x64: {  	_ =	shalt  }
0x65: {  	_ =	shalt  }
0x66: {  	_ =	shalt  }
0x67: {  	_ =	shalt  }
0x68: {  	_ =	shalt  }
0x69: {  	_ =	shalt  }
0x6a: {  	_ =	shalt  }
0x6b: {  	_ =	shalt  }
0x6c: {  	_ =	shalt  }
0x6d: {  	_ =	shalt  }
0x6e: {  	_ =	shalt  }
0x6f: {  	_ =	shalt  }
0x70: {  	_ =	shalt  }
0x71: {  	_ =	shalt  }
0x72: {  	_ =	shalt  }
0x73: {  	_ =	shalt  }
0x74: {  	_ =	shalt  }
0x75: {  	_ =	shalt  }
0x76: {  	_ =	shalt  }
0x77: {  	_ =	shalt  }
0x78: {  	_ =	shalt  }
0x79: {  	_ =	shalt  }
0x7a: {  	_ =	shalt  }
0x7b: {  	_ =	shalt  }
0x7c: {  	_ =	shalt  }
0x7d: {  	_ =	shalt  }
0x7e: {  	_ =	shalt  }
0x7f: {  	_ =	shalt  }
0x80: {  	_ =	shalt  }
0x81: {  	_ =	shalt  }
0x82: {  	_ =	shalt  }
0x83: {  	_ =	shalt  }
0x84: {  	_ =	shalt  }
0x85: {  	_ =	shalt  }
0x86: {  	_ =	shalt  }
0x87: {  	_ =	shalt  }
.Lfunc_end0:
.L_simem_size_0:
called_computation.2_lowered:
.L_overlay_start_0:
0x88: {  	s2 =	sld [smem:$0x3FD9]  }
0x89: {  	s3 =	sld [smem:$0x3FFE];
	_ =	sdelay $0x1  }
0x8a: {  	s1 =	srdreg.scid  }
0x8b: {  	s0 =	sand.u32 $0x1, s1  }
0x8c: {  	s16 =	sshll.u32 s0, $0xA;
	s2 =	sadd.s32 s3, s2  }
0x8d: {  	s2 =	sadd.s32 s2, s16  }
0x8e: {  	[smem:$0x3FBD] =	sst s2  }
0x8f: {  	_ = 	snop  }
0x90: {  	(tm) =	ssettm $0x1  }
0x91: {  	s17 =	sld [smem:$0x3FFB];
	_ =	sdelay $0x3  }
0x92: {  	_ =	strace s17  }
0x93: {  	s2 =	sld [smem:$0x3FFC];
	_ =	sdelay $0x3  }
0x94: {  	_ =	strace s2  }
0x95: {  	s2 =	sld [smem:$0x3FFD];
	_ =	sdelay $0x3  }
0x96: {  	_ =	strace s2  }
0x97: {  	_ =	strace $0x8FFFFFFF  }
0x98: {  	s18 =	sld [smem:$0x3FDB];
	_ =	sdelay $0x1  }
0x99: {  	s19 =	simm.s32 $_scs_section_size  }
0x9a: {  	s4 =	simm.s32 $_size__tile_overlayer_lowered;
	s5 =	simm.s32 $_tile_overlayer_lowered  }
0x9b: {  	s22 =	simm.s32 $0x1BFF;
	s21 =	sshll.u32 s5, $0x1;
	s2 =	sadd.s32 s19, s18  }
0x9c: {  	s6 =	simm.s32 $0x0;
	s20 =	sshll.u32 s4, $0x1;
	s4 =	sadd.s32 s21, s2  }
0x9d: {  	[timem:s6], [sflag:s22] =	dma.local [hbm:s4], s20  }
0x9e: {  	_ =	swait.ge [sflag:s22], s20  }
0x9f: {  	s3 =	ssub.s32 $0x0, s20;
	[sflag:s22] =	ssyncset.done $0x0  }
0xa0: {  	[sflag:s22] =	ssyncadd.s32 s3;
	_ =	sdelay $0x1  }
0xa1: {  	s23 =	simm.s32 $0x1B8B  }
0xa2: {  	_ =	swait.ge [sflag:s23], $0x1  }
0xa3: {  	[sflag:s23] =	ssyncset.done $0x0  }
0xa4: {  	s25 =	simm.s32 $0x1B8E;
	s24 =	sld [smem:$0x3FFE];
	[sflag:s23] =	ssyncadd.s32 $0xFFFFFFFF  }
0xa5: {  	s26 =	simm.s32 $execute0_lowered;
	[smem:$0x3FD2] =	sst s25  }
0xa6: {  	s4 =	sshll.u32 s26, $0x1;
	_ =	strace $0x8000004C;
	[dreg:$0x1] =	wrdreg $0xFFFFFFFF  }
0xa7: {  	s28 =	simm.s32 $_size_execute0_lowered;
	s2 =	sadd.s32 s2, s4;
	[dreg:$0x0] =	wrdreg $0x0  }
0xa8: {  	s4 =	sshll.u32 s28, $0x1;
	[dreg:$0x2] =	wrdreg s2  }
0xa9: {  	[dreg:$0x3] =	wrdreg s4  }
0xaa: {  	[dreg:$0x4] =	wrdreg $0xC0  }
0xab: {  	_ =	task [dreg:s6], $0x5FFFF  }
0xac: {  	[dreg:$0x1] =	wrdreg $0xFFFFFFFF  }
0xad: {  	[dreg:$0x0] =	wrdreg $0x60  }
0xae: {  	[dreg:$0x2] =	wrdreg s24  }
0xaf: {  	[dreg:$0x3] =	wrdreg $0x61000  }
0xb0: {  	[dreg:$0x4] =	wrdreg $0x9  }
0xb1: {  	_ =	task.clear_ibuf [dreg:s6], $0x5FFFF;
	_ =	strace $0x9000004C  }
0xb2: {  	s29 =	simm.s32 $0x9;
	_ =	strace $0x8000004E  }
0xb3: {  	_ =	swait.ge [sflag:s29], $0x1  }
0xb4: {  	[sflag:s29] =	ssyncadd.s32 $0xFFFFFFFF  }
0xb5: {  	_ =	strace $0x9000004E  }
0xb6: {  	_ =	sfence  }
0xb7: {  	s30 =	sld [smem:$0x0];
	_ =	sdelay $0x2  }
0xb8: {  	s31 =	sshll.u32 s1, $0xD;
	s1 =	sshrl.u32 s1, $0x2  }
0xb9: {  	s3 =	sand.u32 $0x4000, s31;
	s1 =	sadd.s32 s1, s30  }
0xba: {  	s0 =	sor.u32 s3, s0;
	s1 =	sshll.u32 s1, $0x11  }
0xbb: {  	s0 =	sor.u32 s1, s0  }
0xbc: {  	s0 =	sadd.s32 $0x8F2B, s0  }
0xbd: {  	[sflag:s0] =	ssyncadd.remote.s32 $0x1  }
0xbe: {  	_ =	sfence.sel $0xFFFF  }
0xbf: {  	[dreg:$0x0] =	wrdreg $0xFFFFFFFF;
	(pc) =	sbr.abs _section_cstart, $3  }
0xc0: {  	[dreg:$0x1] =	wrdreg $0xFFFFFFFF  }
0xc1: {  	_ =	task.clear_ibuf [dreg:s6], $0x2FFFF;
	_ =	strace $0x9FFFFFFF  }
0xc2: {  	(tm) =	ssettm $0x7FFFFFFF  }
0xc3: {  	_ =	shalt  }
tec
execute0_lowered:
.L_overlay_start_1:
0x0: {  	(tag) =	ssettag $0x1  }
0x1: {  	s6 =	rddreg [dreg:$0x0]  }
0x2: {  	s1 =	rddreg [dreg:$0x1]  }
0x3: {  	s3 =	srdreg.scid;
	s0 =	rddreg [dreg:$0x2];
	s2 =	simm.s32 $0x0  }
0x4: {  	v0 =	vlaneseq.u32;
	s13 =	simm.s32 $0x1080;
	s14 =	simm.s32 $0x3900;
	s15 =	simm.s32 $0x2  }
0x5: {  	v1 =	vimm.f32 $0.0e+00;
	s16 =	simm.s32 $0x800;
	s17 =	simm.s32 $0x1000;
	s18 =	simm.s32 $0x1100;
	v2 =	vor.u32 $0x2580, v0;
	v3 =	vor.u32 $0x2590, v0  }
0x6: {  	s19 =	simm.s32 $0x1;
	s7 =	sand.u32 $0x1, s3;
	[smem:$0x7FF] =	sst s2;
	v4 =	vor.u32 $0x25A0, v0;
	v5 =	vor.u32 $0x25B0, v0;
	v6 =	vor.u32 $0x25C0, v0  }
0x7: {  	s3 =	sadd.s32 $0x17200, s6;
	s4 =	sadd.s32 $0x3600, s6;
	v7 =	vor.u32 $0x25D0, v0;
	v8 =	vor.u32 $0x25E0, v0;
	v9 =	vor.u32 $0x25F0, v0;
	s8 =	smul.u32 $0x27100, s7  }
0x8: {  	s20 =	simm.s32 $0x0;
	s5 =	sadd.s32 $0xD400, s6;
	v10 =	vor.u32 $0x2600, v0;
	v11 =	vor.u32 $0x2610, v0;
	v12 =	vor.u32 $0x2620, v0;
	_ =	strace $0x8000004D  }
0x9: {  	v13 =	vor.u32 $0x2630, v0;
	v14 =	vor.u32 $0x2640, v0;
	v15 =	vor.u32 $0x2650, v0;
	s30 =	ssub.s32 $0x2, s7;
	s10 =	sadd.s32 s8, s6;
	s6 =	stileid.u32  }
0xa: {  	v16 =	vor.u32 $0x2660, v0;
	v17 =	vor.u32 $0x2670, v0;
	v18 =	vor.u32 $0x2680, v0;
	s7 =	sshll.u32 s7, $0x4;
	s9 =	sshrl.u32 s30, $0x1;
	s12 =	smul.u32 $0x2800, s6  }
0xb: {  	v19 =	vor.u32 $0x2690, v0;
	v20 =	vor.u32 $0x26A0, v0;
	v21 =	vor.u32 $0x26B0, v0;
	s11 =	ssub.s32 s30, s9;
	s31 =	sor.u32 s6, s7;
	s7 =	smul.u32 $0x280, s6  }
0xc: {  	v22 =	vor.u32 $0x26C0, v0;
	v23 =	vor.u32 $0x26D0, v0;
	v24 =	vor.u32 $0x26E0, v0;
	s8 =	simm.s32 $0x5;
	p0 =	seq.s32 s6, $0xF;
	s9 =	smul.u32 $0x5, s31  }
0xd: {  	v25 =	vor.u32 $0x26F0, v0;
	v26 =	vor.u32 $0x2700, v0;
	v27 =	vor.u32 $0x10, v0;
	s8 =	simm.s32 @!p0 $0x8;
	p0 =	sne.s32 s6, $0xF;
	s12 =	sadd.s32 s12, s10  }
0xe: {  	v28 =	vor.u32 $0x20, v0;
	v29 =	vor.u32 $0x30, v0;
	v30 =	vor.u32 $0x40, v0;
	s10 =	smax.u32 s11, $0x1;
	s11 =	sadd.s32 $0x65600, s12;
	s12 =	simm.s32 $0x50  }
.LBB2_1:
0xf: {  	s21 =	simm.s32 $0x0;
	s22 =	simm.s32 $0x200  }
.LBB2_2:
0x10: {  	p1 =	sne.s32 s22, $0x9E00;
	[tilespmem:s21+$0x3970] =	vst v1  }
0x11: {  	[tilespmem:s21+$0x3900] =	vst v1  }
0x12: {  	[tilespmem:s21+$0x3910] =	vst v1  }
.Ltmp0:
0x13: {  	[tilespmem:s21+$0x3920] =	vst v1;
	(pc) =	sbr.rel @p1 .LBB2_2-.Ltmp0, $4  }
0x14: {  	[tilespmem:s21+$0x3930] =	vst v1  }
0x15: {  	[tilespmem:s21+$0x3940] =	vst v1  }
0x16: {  	[tilespmem:s21+$0x3950] =	vst v1  }
0x17: {  	[tilespmem:s21+$0x3960] =	vst v1;
	s21 =	sshra.s32 s22, $0x2;
	s22 =	sadd.s32 $0x200, s22  }
0x18: {  	[tilespmem:s21+$0x3970] =	vst v1  }
0x19: {  	[tilespmem:s21+$0x3900] =	vst v1  }
0x1a: {  	[tilespmem:s21+$0x3910] =	vst v1  }
.Ltmp1:
0x1b: {  	[tilespmem:s21+$0x3920] =	vst v1;
	(pc) =	sbr.rel @p0 .LBB2_5-.Ltmp1, $4  }
0x1c: {  	[tilespmem:s21+$0x3930] =	vst v1  }
0x1d: {  	[tilespmem:s21+$0x3940] =	vst v1  }
0x1e: {  	[tilespmem:s21+$0x3950] =	vst v1  }
0x1f: {  	[tilespmem:s21+$0x3960] =	vst v1  }
0x20: {  	[tilespmem:$0x1080] =	vst v2  }
0x21: {  	[tilespmem:$0x1090] =	vst v3  }
0x22: {  	[tilespmem:$0x10A0] =	vst v4  }
0x23: {  	[tilespmem:$0x10B0] =	vst v5  }
0x24: {  	[tilespmem:$0x10C0] =	vst v6  }
0x25: {  	[spmem:s1] =	stream.indirect.scatter [tilespmem:s14], [sflag:$0x2], $0x80, s13, s12, $0xb8;
	[tilespmem:$0x19980] =	vst v63  }
0x26: {  	_ =	swait.ge [sflag:s15], $0x2800  }
0x27: {  	[sflag:s15] =	ssyncset.done $0x0  }
0x28: {  	[sflag:s15] =	ssyncadd.s32 $0xFFFFD800  }
0x29: {  	[tilespmem:$0x1080] =	vst v7  }
0x2a: {  	[tilespmem:$0x1090] =	vst v8  }
0x2b: {  	[tilespmem:$0x10A0] =	vst v9  }
0x2c: {  	[tilespmem:$0x10B0] =	vst v10  }
0x2d: {  	[tilespmem:$0x10C0] =	vst v11  }
0x2e: {  	[spmem:s1] =	stream.indirect.scatter [tilespmem:s14], [sflag:$0x2], $0x80, s13, s12, $0xb8;
	[tilespmem:$0x19980] =	vst v63  }
0x2f: {  	_ =	swait.ge [sflag:s15], $0x2800  }
0x30: {  	[sflag:s15] =	ssyncset.done $0x0  }
0x31: {  	[sflag:s15] =	ssyncadd.s32 $0xFFFFD800  }
0x32: {  	[tilespmem:$0x1080] =	vst v12  }
0x33: {  	[tilespmem:$0x1090] =	vst v13  }
0x34: {  	[tilespmem:$0x10A0] =	vst v14  }
0x35: {  	[tilespmem:$0x10B0] =	vst v15  }
0x36: {  	[tilespmem:$0x10C0] =	vst v16  }
0x37: {  	[spmem:s1] =	stream.indirect.scatter [tilespmem:s14], [sflag:$0x2], $0x80, s13, s12, $0xb8;
	[tilespmem:$0x19980] =	vst v63  }
0x38: {  	_ =	swait.ge [sflag:s15], $0x2800  }
0x39: {  	[sflag:s15] =	ssyncset.done $0x0  }
0x3a: {  	[sflag:s15] =	ssyncadd.s32 $0xFFFFD800  }
0x3b: {  	[tilespmem:$0x1080] =	vst v17  }
0x3c: {  	[tilespmem:$0x1090] =	vst v18  }
0x3d: {  	[tilespmem:$0x10A0] =	vst v19  }
0x3e: {  	[tilespmem:$0x10B0] =	vst v20  }
0x3f: {  	[tilespmem:$0x10C0] =	vst v21  }
0x40: {  	[spmem:s1] =	stream.indirect.scatter [tilespmem:s14], [sflag:$0x2], $0x80, s13, s12, $0xb8;
	[tilespmem:$0x19980] =	vst v63  }
0x41: {  	_ =	swait.ge [sflag:s15], $0x2800  }
0x42: {  	[sflag:s15] =	ssyncset.done $0x0  }
0x43: {  	[sflag:s15] =	ssyncadd.s32 $0xFFFFD800  }
0x44: {  	[tilespmem:$0x1080] =	vst v22  }
0x45: {  	[tilespmem:$0x1090] =	vst v23  }
0x46: {  	[tilespmem:$0x10A0] =	vst v24  }
0x47: {  	[tilespmem:$0x10B0] =	vst v25  }
.Ltmp2:
0x48: {  	[tilespmem:$0x10C0] =	vst v26;
	(pc) =	sbr.rel .LBB2_8-.Ltmp2, $4  }
0x49: {  	[spmem:s1] =	stream.indirect.scatter [tilespmem:s14], [sflag:$0x2], $0x80, s13, s12, $0xb8;
	[tilespmem:$0x19980] =	vst v63  }
0x4a: {  	_ =	swait.ge [sflag:s15], $0x2800  }
0x4b: {  	[sflag:s15] =	ssyncset.done $0x0  }
0x4c: {  	[sflag:s15] =	ssyncadd.s32 $0xFFFFD800  }
.LBB2_5:
0x4d: {  	s22 =	sadd.s32 $0x0, s7  }
0x4e: {  	v31 =	vadd.s32 s22, v30  }
0x4f: {  	v32 =	vor.u32 s22, v0;
	[tilespmem:$0x10C0] =	vst v31  }
0x50: {  	v63 =	vadd.s32 s22, v28;
	[tilespmem:$0x1080] =	vst v32  }
0x51: {  	v31 =	vadd.s32 s22, v27;
	[tilespmem:$0x10A0] =	vst v63  }
0x52: {  	s21 =	simm.s32 $0x50;
	[tilespmem:$0x1090] =	vst v31;
	v31 =	vadd.s32 s22, v29  }
.LBB2_6:
0x53: {  	p1 =	sne.s32 s21, $0x230;
	[tilespmem:$0x10B0] =	vst v31;
	s22 =	smov.u32 s21;
	s21 =	sadd.s32 $0x50, s21  }
0x54: {  	[spmem:s1] =	stream.indirect.scatter [tilespmem:s14], [sflag:$0x2], $0x80, s13, s12, $0xb8;
	[tilespmem:$0x19980] =	vst v63  }
0x55: {  	_ =	swait.ge [sflag:s15], $0x2800  }
0x56: {  	s22 =	sadd.s32 s22, s7;
	[sflag:s15] =	ssyncset.done $0x0  }
.Ltmp3:
0x57: {  	v32 =	vor.u32 s22, v0;
	v33 =	vadd.s32 s22, v27;
	v34 =	vadd.s32 s22, v30;
	[sflag:s15] =	ssyncadd.s32 $0xFFFFD800;
	(pc) =	sbr.rel @p1 .LBB2_6-.Ltmp3, $4  }
0x58: {  	v35 =	vadd.s32 s22, v28;
	v31 =	vadd.s32 s22, v29;
	[tilespmem:$0x10C0] =	vst v34  }
0x59: {  	[tilespmem:$0x1080] =	vst v32  }
0x5a: {  	[tilespmem:$0x1090] =	vst v33  }
0x5b: {  	[tilespmem:$0x10A0] =	vst v35  }
0x5c: {  	[tilespmem:$0x10B0] =	vst v31  }
0x5d: {  	[spmem:s1] =	stream.indirect.scatter [tilespmem:s14], [sflag:$0x2], $0x80, s13, s12, $0xb8;
	[tilespmem:$0x19980] =	vst v63  }
0x5e: {  	_ =	swait.ge [sflag:s15], $0x2800  }
0x5f: {  	[sflag:s15] =	ssyncset.done $0x0  }
0x60: {  	[sflag:s15] =	ssyncadd.s32 $0xFFFFD800  }
.LBB2_8:
0x61: {  	[tilespmem:s14], [sflag:$0x2] =	stream.indirect.gather [spmem:s1], $0x80, s13, s12, $0xb8;
	[tilespmem:$0x19980] =	vst v63  }
0x62: {  	_ =	swait.ge [sflag:s15], $0x2800  }
0x63: {  	[sflag:s15] =	ssyncset.done $0x0  }
0x64: {  	[sflag:s15] =	ssyncadd.s32 $0xFFFFD800  }
0x65: {  	s21 =	simm.s32 $0x0;
	s22 =	simm.s32 $0x0;
	[bflag:$0x0] =	sbarrier.arrive $0xFFFF  }
.LBB2_9:
0x66: {  	s23 =	sadd.s32 s9, s22  }
0x67: {  	s23 =	smul.u32 $0xFA, s23;
	_ =	sdelay $0x1  }
0x68: {  	s24 =	sadd.s32 s4, s23  }
0x69: {  	[tilespmem:s21], [sflag:$0x2] =	stream.linear.gather [hbm4b:s24+s21], $0x7D0, $0x38;
	[tilespmem:$0x19980] =	vst v63  }
0x6a: {  	_ =	swait.ge [sflag:s15], $0x7D0  }
0x6b: {  	[sflag:s15] =	ssyncset.done $0x0  }
0x6c: {  	s23 =	sadd.s32 s5, s23;
	[sflag:s15] =	ssyncadd.s32 $0xFFFFF830  }
0x6d: {  	[tilespmem:s16], [sflag:$0x2] =	stream.linear.gather [hbm4b:s23+s21], $0x7D0, $0x38;
	[tilespmem:$0x19980] =	vst v63  }
0x6e: {  	_ =	swait.ge [sflag:s15], $0x7D0  }
0x6f: {  	[sflag:s15] =	ssyncset.done $0x0  }
0x70: {  	s31 =	simm.s32 $0x0;
	[sflag:s15] =	ssyncadd.s32 $0xFFFFF830  }
0x71: {  	v31 =	vld [tilespmem:s31+$0x0];
	_ =	sdelay $0x4  }
0x72: {  	[tilespmem:$0x1000] =	vst v31  }
0x73: {  	v31 =	vld [tilespmem:s31+$0x800];
	_ =	sdelay $0x4  }
0x74: {  	[tilespmem:$0x1080] =	vst v31  }
0x75: {  	v31 =	vld [tilespmem:s31+$0x10];
	_ =	sdelay $0x4  }
0x76: {  	[tilespmem:$0x1010] =	vst v31  }
0x77: {  	v31 =	vld [tilespmem:s31+$0x810];
	_ =	sdelay $0x4  }
0x78: {  	[tilespmem:$0x1090] =	vst v31  }
0x79: {  	v31 =	vld [tilespmem:s31+$0x20];
	_ =	sdelay $0x4  }
0x7a: {  	[tilespmem:$0x1020] =	vst v31  }
0x7b: {  	v31 =	vld [tilespmem:s31+$0x820];
	_ =	sdelay $0x4  }
0x7c: {  	[tilespmem:$0x10A0] =	vst v31  }
0x7d: {  	v31 =	vld [tilespmem:s31+$0x30];
	_ =	sdelay $0x4  }
0x7e: {  	[tilespmem:$0x1030] =	vst v31  }
0x7f: {  	v31 =	vld [tilespmem:s31+$0x830];
	_ =	sdelay $0x4  }
0x80: {  	[tilespmem:$0x10B0] =	vst v31  }
0x81: {  	v31 =	vld [tilespmem:s31+$0x40];
	_ =	sdelay $0x4  }
0x82: {  	[tilespmem:$0x1040] =	vst v31  }
0x83: {  	v31 =	vld [tilespmem:s31+$0x840];
	_ =	sdelay $0x4  }
0x84: {  	[tilespmem:$0x10C0] =	vst v31  }
0x85: {  	[tilespmem:s18], [sflag:$0x1] =	stream.indirect.gather [hbm4b:s3+s12], $0x80, s17, s12, $0xb8;
	[tilespmem:$0x19980] =	vst v63  }
0x86: {  	_ =	swait.ge [sflag:s19], $0x2800  }
0x87: {  	[sflag:s19] =	ssyncset.done $0x0  }
0x88: {  	[sflag:s19] =	ssyncadd.s32 $0xFFFFD800  }
0x89: {  	[spmem:s1] =	stream.indirect.scatter.add.f32 [tilespmem:s18], [sflag:$0x2], $0x80, s13, s12, $0xb8;
	[tilespmem:$0x19980] =	vst v63  }
0x8a: {  	_ =	swait.ge [sflag:s15], $0x2800  }
0x8b: {  	s26 =	simm.s32 $0x280;
	s23 =	simm.s32 $0x140;
	[sflag:s15] =	ssyncset.done $0x0  }
.LBB2_10:
0x8c: {  	s25 =	sshra.s32 s23, $0x2  }
0x8d: {  	[sflag:s15] =	ssyncadd.s32 $0xFFFFD800;
	s23 =	smov.u32 s26;
	s24 =	sadd.s32 $0x140, s26  }
0x8e: {  	p1 =	sne.s32 s26, $0x1E00;
	v31 =	vld [tilespmem:s25+$0x0];
	_ =	sdelay $0x4  }
0x8f: {  	[tilespmem:$0x1000] =	vst v31  }
0x90: {  	v31 =	vld [tilespmem:s25+$0x800];
	_ =	sdelay $0x4  }
0x91: {  	[tilespmem:$0x1080] =	vst v31  }
0x92: {  	v31 =	vld [tilespmem:s25+$0x10];
	_ =	sdelay $0x4  }
0x93: {  	[tilespmem:$0x1010] =	vst v31  }
0x94: {  	v31 =	vld [tilespmem:s25+$0x810];
	_ =	sdelay $0x4  }
0x95: {  	[tilespmem:$0x1090] =	vst v31  }
0x96: {  	v31 =	vld [tilespmem:s25+$0x20];
	_ =	sdelay $0x4  }
0x97: {  	[tilespmem:$0x1020] =	vst v31  }
0x98: {  	v31 =	vld [tilespmem:s25+$0x820];
	_ =	sdelay $0x4  }
0x99: {  	[tilespmem:$0x10A0] =	vst v31  }
0x9a: {  	v31 =	vld [tilespmem:s25+$0x30];
	_ =	sdelay $0x4  }
0x9b: {  	[tilespmem:$0x1030] =	vst v31  }
0x9c: {  	v31 =	vld [tilespmem:s25+$0x830];
	_ =	sdelay $0x4  }
0x9d: {  	[tilespmem:$0x10B0] =	vst v31  }
0x9e: {  	v31 =	vld [tilespmem:s25+$0x40];
	_ =	sdelay $0x4  }
0x9f: {  	[tilespmem:$0x1040] =	vst v31  }
0xa0: {  	v31 =	vld [tilespmem:s25+$0x840];
	_ =	sdelay $0x4  }
0xa1: {  	[tilespmem:$0x10C0] =	vst v31  }
0xa2: {  	[tilespmem:s18], [sflag:$0x1] =	stream.indirect.gather [hbm4b:s3+s12], $0x80, s17, s12, $0xb8;
	[tilespmem:$0x19980] =	vst v63  }
0xa3: {  	_ =	swait.ge [sflag:s19], $0x2800  }
.Ltmp4:
0xa4: {  	[sflag:s19] =	ssyncset.done $0x0;
	(pc) =	sbr.rel @p1 .LBB2_10-.Ltmp4, $4  }
0xa5: {  	[sflag:s19] =	ssyncadd.s32 $0xFFFFD800  }
0xa6: {  	[spmem:s1] =	stream.indirect.scatter.add.f32 [tilespmem:s18], [sflag:$0x2], $0x80, s13, s12, $0xb8;
	[tilespmem:$0x19980] =	vst v63  }
0xa7: {  	_ =	swait.ge [sflag:s15], $0x2800  }
0xa8: {  	s26 =	smov.u32 s24;
	[sflag:s15] =	ssyncset.done $0x0  }
0xa9: {  	s23 =	sshra.s32 s23, $0x2;
	[sflag:s15] =	ssyncadd.s32 $0xFFFFD800  }
0xaa: {  	v31 =	vld [tilespmem:s23+$0x0];
	_ =	sdelay $0x4  }
0xab: {  	[tilespmem:$0x1000] =	vst v31  }
0xac: {  	v31 =	vld [tilespmem:s23+$0x800];
	_ =	sdelay $0x4  }
0xad: {  	[tilespmem:$0x1080] =	vst v31  }
0xae: {  	v31 =	vld [tilespmem:s23+$0x10];
	_ =	sdelay $0x4  }
0xaf: {  	[tilespmem:$0x1010] =	vst v31  }
0xb0: {  	v31 =	vld [tilespmem:s23+$0x810];
	_ =	sdelay $0x4  }
0xb1: {  	[tilespmem:$0x1090] =	vst v31  }
0xb2: {  	v31 =	vld [tilespmem:s23+$0x20];
	_ =	sdelay $0x4  }
0xb3: {  	[tilespmem:$0x1020] =	vst v31  }
0xb4: {  	v31 =	vld [tilespmem:s23+$0x820];
	_ =	sdelay $0x4  }
0xb5: {  	[tilespmem:$0x10A0] =	vst v31  }
0xb6: {  	v31 =	vld [tilespmem:s23+$0x30];
	_ =	sdelay $0x4  }
0xb7: {  	[tilespmem:$0x1030] =	vst v31  }
0xb8: {  	v31 =	vld [tilespmem:s23+$0x830];
	_ =	sdelay $0x4  }
0xb9: {  	[tilespmem:$0x10B0] =	vst v31  }
0xba: {  	v31 =	vld [tilespmem:s23+$0x40];
	_ =	sdelay $0x4  }
0xbb: {  	[tilespmem:$0x1040] =	vst v31  }
0xbc: {  	v31 =	vld [tilespmem:s23+$0x840];
	_ =	sdelay $0x4  }
0xbd: {  	[tilespmem:$0x10C0] =	vst v31  }
0xbe: {  	[tilespmem:s18], [sflag:$0x1] =	stream.indirect.gather [hbm4b:s3+s12], $0x80, s17, s12, $0xb8;
	[tilespmem:$0x19980] =	vst v63  }
0xbf: {  	s22 =	sadd.s32 $0x1, s22;
	_ =	swait.ge [sflag:s19], $0x2800  }
0xc0: {  	p1 =	sne.s32 s22, $0x5;
	[sflag:s19] =	ssyncset.done $0x0  }
.Ltmp5:
0xc1: {  	[sflag:s19] =	ssyncadd.s32 $0xFFFFD800;
	(pc) =	sbr.rel @p1 .LBB2_9-.Ltmp5, $4  }
0xc2: {  	[spmem:s1] =	stream.indirect.scatter.add.f32 [tilespmem:s18], [sflag:$0x2], $0x80, s13, s12, $0xb8;
	[tilespmem:$0x19980] =	vst v63  }
0xc3: {  	_ =	swait.ge [sflag:s15], $0x2800  }
0xc4: {  	[sflag:s15] =	ssyncset.done $0x0  }
0xc5: {  	[sflag:s15] =	ssyncadd.s32 $0xFFFFD800  }
0xc6: {  	[tilespmem:s18], [sflag:$0x2] =	stream.indirect.gather [spmem:s1], $0x80, s13, s12, $0xb8;
	[tilespmem:$0x19980] =	vst v63  }
0xc7: {  	_ =	swait.ge [sflag:s15], $0x2800  }
0xc8: {  	[sflag:s15] =	ssyncset.done $0x0  }
0xc9: {  	[sflag:s15] =	ssyncadd.s32 $0xFFFFD800  }
0xca: {  	v31 =	vor.u32 s7, v0;
	[bflag:$0x0] =	sbarrier.arrive $0xFFFF  }
0xcb: {  	v32 =	vadd.s32 s7, v29;
	[tilespmem:$0x1080] =	vst v31  }
0xcc: {  	v63 =	vadd.s32 s7, v27;
	[tilespmem:$0x10B0] =	vst v32  }
0xcd: {  	v31 =	vadd.s32 s7, v30;
	[tilespmem:$0x1090] =	vst v63  }
0xce: {  	[tilespmem:$0x10C0] =	vst v31;
	v31 =	vadd.s32 s7, v28  }
0xcf: {  	p1 =	sne.s32 s8, $0x1;
	[tilespmem:$0x10A0] =	vst v31  }
0xd0: {  	[tilespmem:s14], [sflag:$0x2] =	stream.indirect.gather [spmem:s1], $0x80, s13, s12, $0xb8;
	[tilespmem:$0x19980] =	vst v63  }
.Ltmp6:
0xd1: {  	_ = 	snop;
	(pc) =	sbr.rel @!p1 .LBB2_14-.Ltmp6, $4  }
0xd2: {  	_ =	swait.ge [sflag:s15], $0x2800  }
0xd3: {  	s21 =	sadd.s32 $0xFFFFFFFF, s8;
	[sflag:s15] =	ssyncset.done $0x0  }
0xd4: {  	s22 =	smov.u32 s11;
	s23 =	smov.u32 s7;
	[sflag:s15] =	ssyncadd.s32 $0xFFFFD800  }
0xd5: {  	[hbm4b:s11+s2] =	stream.linear.scatter [tilespmem:s14], [sflag:$0x2], $0x2800, $0x38;
	[tilespmem:$0x19980] =	vst v63  }
.LBB2_13:
0xd6: {  	_ =	swait.ge [sflag:s15], $0x2800;
	s22 =	sadd.s32 $0x500, s22;
	s23 =	sadd.s32 $0x50, s23  }
0xd7: {  	p1 =	sne.s32 s21, $0x1;
	s21 =	sadd.s32 $0xFFFFFFFF, s21;
	[sflag:s15] =	ssyncset.done $0x0  }
0xd8: {  	v31 =	vor.u32 s23, v0;
	[sflag:s15] =	ssyncadd.s32 $0xFFFFD800  }
0xd9: {  	[tilespmem:$0x1080] =	vst v31;
	v31 =	vadd.s32 s23, v30  }
0xda: {  	v32 =	vadd.s32 s23, v27;
	v33 =	vadd.s32 s23, v28;
	v34 =	vadd.s32 s23, v29;
	[tilespmem:$0x10C0] =	vst v31  }
0xdb: {  	[tilespmem:$0x10B0] =	vst v34  }
0xdc: {  	[tilespmem:$0x10A0] =	vst v33  }
0xdd: {  	[tilespmem:$0x1090] =	vst v32  }
0xde: {  	[tilespmem:s14], [sflag:$0x2] =	stream.indirect.gather [spmem:s1], $0x80, s13, s12, $0xb8;
	[tilespmem:$0x19980] =	vst v63  }
.Ltmp7:
0xdf: {  	_ = 	snop;
	(pc) =	sbr.rel @p1 .LBB2_13-.Ltmp7, $4  }
0xe0: {  	_ =	swait.ge [sflag:s15], $0x2800  }
0xe1: {  	[sflag:s15] =	ssyncset.done $0x0  }
0xe2: {  	[sflag:s15] =	ssyncadd.s32 $0xFFFFD800  }
0xe3: {  	[hbm4b:s22+s2] =	stream.linear.scatter [tilespmem:s14], [sflag:$0x2], $0x2800, $0x38;
	[tilespmem:$0x19980] =	vst v63  }
.LBB2_14:
0xe4: {  	s20 =	sadd.s32 $0x1, s20  }
0xe5: {  	p1 =	sne.s32 s20, s10  }
.Ltmp8:
0xe6: {  	_ = 	snop;
	(pc) =	sbr.rel @p1 .LBB2_1-.Ltmp8, $4  }
0xe7: {  	_ = 	snop  }
0xe8: {  	_ =	swait.ge [sflag:s15], $0x2800  }
0xe9: {  	[sflag:s15] =	ssyncset.done $0x0  }
0xea: {  	[sflag:s15] =	ssyncadd.s32 $0xFFFFD800  }
0xeb: {  	_ =	sfence.sel $0x180000  }
0xec: {  	[bflag:$0x0] =	sbarrier.arrive $0xFFFF  }
0xed: {  	p0 =	sne.s32 s6, $0x0;
	_ =	strace $0x9000004D  }
0xee: {  	s0 =	sadd.s32 @!p0 $0x100000, s0;
	[bflag:$0x2] =	sbarrier.arrive $0xFFFF  }
0xef: {  	[sflag:s0] =	ssyncadd.tile.s32 @!p0 $0x1;
	_ =	shalt  }
.Lfunc_end2:
_tile_overlayer_lowered:
.L_overlay_start_2:
0xf0: {  	(tag) =	ssettag $0x2  }
0xf1: {  	s0 =	rddreg [dreg:$0x0];
	s2 =	stileid.u32  }
0xf2: {  	s1 =	rddreg [dreg:$0x1];
	p0 =	sne.s32 s2, $0x0  }
0xf3: {  	s3 =	rddreg [dreg:$0x2];
	[bflag:$0x3] =	sbarrier.arrive $0xFFFF;
	s2 =	simm.s32 @!p0 $0x1C02  }
0xf4: {  	[timem:s3], [sflag:s2] =	dma.local @!p0 [hbm:s0], s1  }
0xf5: {  	s0 =	simm.s32 @!p0 $0x2  }
0xf6: {  	_ =	swait.ge @!p0 [sflag:s0], s1  }
0xf7: {  	s1 =	ssub.s32 @!p0 $0x0, s1;
	[sflag:s0] =	ssyncset.done @!p0 $0x0  }
0xf8: {  	[sflag:s0] =	ssyncadd.s32 @!p0 s1  }
0xf9: {  	[bflag:$0x3] =	sbarrier.arrive $0xFFFF  }
0xfa: {  	_ =	shalt  }

// kernel: kernel.8.cloned.1.call-start
scs
__scs_entry_jumppad:
0x0: {  	(pc) =	sbr.rel $0x88, $3  }
0x1: {  	(tag) =	ssettag $0x0;
	lr =	simm.s32 $0x1  }
0x2: {  	[smem:$0x3F96] =	sst lr;
	_ =	strace $0xD0000000  }
0x3: {  	_ = 	snop  }
0x4: {  	_ = 	snop  }
0x5: {  	_ = 	snop  }
0x6: {  	_ = 	snop  }
0x7: {  	_ = 	snop  }
__scs_overlays_trampoline_lowered:
0x8: {  	[smem:$0x3FA5] =	sst s0  }
0x9: {  	[smem:$0x3FA6] =	sst s1  }
0xa: {  	[smem:$0x3FA7] =	sst s2  }
0xb: {  	[smem:$0x3FA8] =	sst s3  }
0xc: {  	[smem:$0x3FA9] =	sst s4  }
0xd: {  	[smem:$0x3FAA] =	sst s5  }
0xe: {  	[smem:$0x3FAB] =	sst s6  }
0xf: {  	[smem:$0x3FAC] =	sst s7  }
0x10: {  	[smem:$0x3FAD] =	sst s8  }
0x11: {  	[smem:$0x3FAE] =	sst s9;
	s0 =	simm.s32 @!p0 $0x0  }
0x12: {  	s1 =	sld [smem:$0x3F94];
	s0 =	simm.s32 @p0 $0x1  }
0x13: {  	[smem:$0x3FAF] =	sst s0;
	s0 =	simm.s32 @!p1 $0x0  }
0x14: {  	s2 =	sld [smem:$0x3F93];
	s0 =	simm.s32 @p1 $0x1  }
0x15: {  	[smem:$0x3FB0] =	sst s0;
	s0 =	simm.s32 @!p2 $0x0  }
0x16: {  	s3 =	sld [smem:$0x3FDB];
	s0 =	simm.s32 @p2 $0x1  }
0x17: {  	s4 =	simm.s32 $0x1BF5;
	[smem:$0x3FB2] =	sst s0  }
0x18: {  	s0 =	sld [smem:$0x3F95];
	_ =	swait.ge [sflag:s4], $0x0  }
0x19: {  	s7 =	sld [smem:$0x3F96]  }
0x1a: {  	s8 =	sadd.s32 $0xFFFFE003, lr  }
0x1b: {  	s9 =	sadd.s32 $0xFFFFFEF7, lr;
	s5 =	simm.s32 $0xFFFFFFFF;
	p2 =	slt.u32 s8, $0xFFFFF086  }
0x1c: {  	p1 =	slt.u32 s9, $0xF7A;
	s5 =	simm.s32 @!p2 $0x0  }
0x1d: {  	s5 =	simm.s32 @p1 $0x1;
	p0 =	seq.s32 s7, s2  }
0x1e: {  	s7 =	smul.u32 @!p0 $0xF7A, s2;
	p2 =	seq.s32 @!p0 s5, $0x0  }
0x1f: {  	s9 =	smul.u32 $0xF7A, s1;
	s8 =	simm.s32 @!p0 $0x1BF5;
	p2 =	por !p2, p0  }
0x20: {  	[sflag:s8] =	ssyncset.s32 @!p0 $0xFFFFF086;
	s6 =	sadd.s32 @!p0 s3, s7;
	s7 =	simm.s32 @!p0 $0x108  }
0x21: {  	s3 =	sadd.s32 s3, s9;
	s6 =	sadd.s32 @!p0 $0x88, s6;
	s7 =	simm.s32 @p2 $0x1082  }
0x22: {  	[simem:s7], [sflag:s8] =	dma.local @!p0 [hbm:s6], $0xF7A  }
0x23: {  	s9 =	sor.u32 $0xD0000000, s2;
	s6 =	simm.s32 $0x108;
	_ =	swait.ge @!p0 [sflag:s8], $0x0  }
0x24: {  	s3 =	sadd.s32 $0x88, s3;
	s6 =	simm.s32 @!p1 $0x1082;
	[sflag:s4] =	ssyncset.s32 $0xFFFFF086  }
0x25: {  	[simem:s6], [sflag:s4] =	dma.local [hbm:s3], $0xF7A  }
0x26: {  	[smem:$0x3F96] =	sst s1;
	(tag) =	ssettag s2;
	_ =	strace s9  }
0x27: {  	s1 =	sld [smem:$0x3FA6]  }
0x28: {  	s2 =	sld [smem:$0x3FA7]  }
0x29: {  	s4 =	sld [smem:$0x3FA9]  }
0x2a: {  	p0 =	seq.s32 s5, $0x0;
	s5 =	sld [smem:$0x3FAA]  }
0x2b: {  	s6 =	sld [smem:$0x3FAB]  }
0x2c: {  	s7 =	sld [smem:$0x3FAC]  }
0x2d: {  	s3 =	simm.s32 $0x108;
	s8 =	sld [smem:$0x3FAD]  }
0x2e: {  	s3 =	simm.s32 @!p0 $0x1082;
	s9 =	sld [smem:$0x3FAE]  }
0x2f: {  	lr =	sadd.s32 s0, s3;
	s0 =	sld [smem:$0x3FA5]  }
0x30: {  	s3 =	sld [smem:$0x3FA8]  }
0x31: {  	[smem:$0x3FB1] =	sst s10  }
0x32: {  	s10 =	sld [smem:$0x3FAF];
	_ =	sdelay $0x3  }
0x33: {  	p0 =	seq.s32 s10, $0x1;
	s10 =	sld [smem:$0x3FB1];
	_ =	sdelay $0x3  }
0x34: {  	[smem:$0x3FB1] =	sst s10  }
0x35: {  	s10 =	sld [smem:$0x3FB0];
	_ =	sdelay $0x3  }
0x36: {  	p1 =	seq.s32 s10, $0x1;
	s10 =	sld [smem:$0x3FB1];
	_ =	sdelay $0x3  }
0x37: {  	[smem:$0x3FB1] =	sst s10  }
0x38: {  	s10 =	sld [smem:$0x3FB2]  }
0x39: {  	_ = 	snop;
	(pc) =	sbr.ind lr, $3  }
0x3a: {  	_ = 	snop  }
0x3b: {  	_ = 	snop  }
0x3c: {  	p2 =	seq.s32 s10, $0x1;
	s10 =	sld [smem:$0x3FB1]  }
0x3d: {  	_ =	shalt  }
0x3e: {  	_ =	shalt  }
0x3f: {  	_ =	shalt  }
0x40: {  	_ =	shalt  }
0x41: {  	_ =	shalt  }
0x42: {  	_ =	shalt  }
0x43: {  	_ =	shalt  }
0x44: {  	_ =	shalt  }
0x45: {  	_ =	shalt  }
0x46: {  	_ =	shalt  }
0x47: {  	_ =	shalt  }
0x48: {  	_ =	shalt  }
0x49: {  	_ =	shalt  }
0x4a: {  	_ =	shalt  }
0x4b: {  	_ =	shalt  }
0x4c: {  	_ =	shalt  }
0x4d: {  	_ =	shalt  }
0x4e: {  	_ =	shalt  }
0x4f: {  	_ =	shalt  }
0x50: {  	_ =	shalt  }
0x51: {  	_ =	shalt  }
0x52: {  	_ =	shalt  }
0x53: {  	_ =	shalt  }
0x54: {  	_ =	shalt  }
0x55: {  	_ =	shalt  }
0x56: {  	_ =	shalt  }
0x57: {  	_ =	shalt  }
0x58: {  	_ =	shalt  }
0x59: {  	_ =	shalt  }
0x5a: {  	_ =	shalt  }
0x5b: {  	_ =	shalt  }
0x5c: {  	_ =	shalt  }
0x5d: {  	_ =	shalt  }
0x5e: {  	_ =	shalt  }
0x5f: {  	_ =	shalt  }
0x60: {  	_ =	shalt  }
0x61: {  	_ =	shalt  }
0x62: {  	_ =	shalt  }
0x63: {  	_ =	shalt  }
0x64: {  	_ =	shalt  }
0x65: {  	_ =	shalt  }
0x66: {  	_ =	shalt  }
0x67: {  	_ =	shalt  }
0x68: {  	_ =	shalt  }
0x69: {  	_ =	shalt  }
0x6a: {  	_ =	shalt  }
0x6b: {  	_ =	shalt  }
0x6c: {  	_ =	shalt  }
0x6d: {  	_ =	shalt  }
0x6e: {  	_ =	shalt  }
0x6f: {  	_ =	shalt  }
0x70: {  	_ =	shalt  }
0x71: {  	_ =	shalt  }
0x72: {  	_ =	shalt  }
0x73: {  	_ =	shalt  }
0x74: {  	_ =	shalt  }
0x75: {  	_ =	shalt  }
0x76: {  	_ =	shalt  }
0x77: {  	_ =	shalt  }
0x78: {  	_ =	shalt  }
0x79: {  	_ =	shalt  }
0x7a: {  	_ =	shalt  }
0x7b: {  	_ =	shalt  }
0x7c: {  	_ =	shalt  }
0x7d: {  	_ =	shalt  }
0x7e: {  	_ =	shalt  }
0x7f: {  	_ =	shalt  }
0x80: {  	_ =	shalt  }
0x81: {  	_ =	shalt  }
0x82: {  	_ =	shalt  }
0x83: {  	_ =	shalt  }
0x84: {  	_ =	shalt  }
0x85: {  	_ =	shalt  }
0x86: {  	_ =	shalt  }
0x87: {  	_ =	shalt  }
.Lfunc_end0:
.L_simem_size_0:
called_computation_lowered:
.L_overlay_start_0:
0x88: {  	s2 =	sld [smem:$0x3FD9]  }
0x89: {  	s3 =	sld [smem:$0x3FFE];
	_ =	sdelay $0x1  }
0x8a: {  	s1 =	srdreg.scid  }
0x8b: {  	s0 =	sand.u32 $0x1, s1  }
0x8c: {  	s16 =	sshll.u32 s0, $0xA;
	s2 =	sadd.s32 s3, s2  }
0x8d: {  	s2 =	sadd.s32 s2, s16  }
0x8e: {  	[smem:$0x3FBD] =	sst s2  }
0x8f: {  	_ = 	snop  }
0x90: {  	(tm) =	ssettm $0x1  }
0x91: {  	s17 =	sld [smem:$0x3FFB];
	_ =	sdelay $0x3  }
0x92: {  	_ =	strace s17  }
0x93: {  	s2 =	sld [smem:$0x3FFC];
	_ =	sdelay $0x3  }
0x94: {  	_ =	strace s2  }
0x95: {  	s2 =	sld [smem:$0x3FFD];
	_ =	sdelay $0x3  }
0x96: {  	_ =	strace s2  }
0x97: {  	_ =	strace $0x8FFFFFFF  }
0x98: {  	s18 =	sld [smem:$0x3FDB];
	_ =	sdelay $0x1  }
0x99: {  	s19 =	simm.s32 $_scs_section_size  }
0x9a: {  	s4 =	simm.s32 $_size__tile_overlayer_lowered;
	s5 =	simm.s32 $_tile_overlayer_lowered  }
0x9b: {  	s22 =	simm.s32 $0x1BFF;
	s21 =	sshll.u32 s5, $0x1;
	s2 =	sadd.s32 s19, s18  }
0x9c: {  	s6 =	simm.s32 $0x0;
	s20 =	sshll.u32 s4, $0x1;
	s4 =	sadd.s32 s21, s2  }
0x9d: {  	[timem:s6], [sflag:s22] =	dma.local [hbm:s4], s20  }
0x9e: {  	_ =	swait.ge [sflag:s22], s20  }
0x9f: {  	s3 =	ssub.s32 $0x0, s20;
	[sflag:s22] =	ssyncset.done $0x0  }
0xa0: {  	[sflag:s22] =	ssyncadd.s32 s3;
	_ =	sdelay $0x1  }
0xa1: {  	s23 =	simm.s32 $0x1B8B  }
0xa2: {  	_ =	swait.ge [sflag:s23], $0x1  }
0xa3: {  	[sflag:s23] =	ssyncset.done $0x0  }
0xa4: {  	s25 =	simm.s32 $0x1B8E;
	s24 =	sld [smem:$0x3FFE];
	[sflag:s23] =	ssyncadd.s32 $0xFFFFFFFF  }
0xa5: {  	s26 =	simm.s32 $execute0_lowered;
	[smem:$0x3FD2] =	sst s25  }
0xa6: {  	s4 =	sshll.u32 s26, $0x1;
	_ =	strace $0x80000046;
	[dreg:$0x1] =	wrdreg $0xFFFFFFFF  }
0xa7: {  	s28 =	simm.s32 $_size_execute0_lowered;
	s2 =	sadd.s32 s2, s4;
	[dreg:$0x0] =	wrdreg $0x0  }
0xa8: {  	s4 =	sshll.u32 s28, $0x1;
	[dreg:$0x2] =	wrdreg s2  }
0xa9: {  	[dreg:$0x3] =	wrdreg s4  }
0xaa: {  	[dreg:$0x4] =	wrdreg $0xC0  }
0xab: {  	_ =	task [dreg:s6], $0x5FFFF  }
0xac: {  	[dreg:$0x1] =	wrdreg $0xFFFFFFFF  }
0xad: {  	[dreg:$0x0] =	wrdreg $0x60  }
0xae: {  	[dreg:$0x2] =	wrdreg s24  }
0xaf: {  	[dreg:$0x3] =	wrdreg $0x58800  }
0xb0: {  	[dreg:$0x4] =	wrdreg $0x9  }
0xb1: {  	_ =	task.clear_ibuf [dreg:s6], $0x5FFFF;
	_ =	strace $0x90000046  }
0xb2: {  	s29 =	simm.s32 $0x9;
	_ =	strace $0x80000048  }
0xb3: {  	_ =	swait.ge [sflag:s29], $0x1  }
0xb4: {  	[sflag:s29] =	ssyncadd.s32 $0xFFFFFFFF  }
0xb5: {  	_ =	strace $0x90000048  }
0xb6: {  	_ =	sfence  }
0xb7: {  	s30 =	sld [smem:$0x0];
	_ =	sdelay $0x2  }
0xb8: {  	s31 =	sshll.u32 s1, $0xD;
	s1 =	sshrl.u32 s1, $0x2  }
0xb9: {  	s3 =	sand.u32 $0x4000, s31;
	s1 =	sadd.s32 s1, s30  }
0xba: {  	s0 =	sor.u32 s3, s0;
	s1 =	sshll.u32 s1, $0x11  }
0xbb: {  	s0 =	sor.u32 s1, s0  }
0xbc: {  	s0 =	sadd.s32 $0x8F2B, s0  }
0xbd: {  	[sflag:s0] =	ssyncadd.remote.s32 $0x1  }
0xbe: {  	_ =	sfence.sel $0xFFFF  }
0xbf: {  	[dreg:$0x0] =	wrdreg $0xFFFFFFFF;
	(pc) =	sbr.abs _section_cstart, $3  }
0xc0: {  	[dreg:$0x1] =	wrdreg $0xFFFFFFFF  }
0xc1: {  	_ =	task.clear_ibuf [dreg:s6], $0x2FFFF;
	_ =	strace $0x9FFFFFFF  }
0xc2: {  	(tm) =	ssettm $0x7FFFFFFF  }
0xc3: {  	_ =	shalt  }
tec
execute0_lowered:
.L_overlay_start_1:
0x0: {  	(tag) =	ssettag $0x1  }
0x1: {  	s3 =	rddreg [dreg:$0x0]  }
0x2: {  	s1 =	rddreg [dreg:$0x1]  }
0x3: {  	s4 =	srdreg.scid;
	s0 =	rddreg [dreg:$0x2];
	s2 =	simm.s32 $0x0  }
0x4: {  	s12 =	simm.s32 $0x3080;
	s13 =	simm.s32 $0x1;
	s5 =	sand.u32 $0x1, s4  }
0x5: {  	s14 =	simm.s32 $0x880;
	[smem:$0x7FF] =	sst s2;
	s6 =	smul.u32 $0x27100, s5  }
0x6: {  	s15 =	simm.s32 $0x0;
	s4 =	sadd.s32 $0xD400, s3;
	_ =	strace $0x80000047  }
0x7: {  	s7 =	ssub.s32 $0x2, s5;
	s8 =	sadd.s32 s6, s3;
	s3 =	stileid.u32  }
0x8: {  	s5 =	sshll.u32 s5, $0x4;
	s30 =	sshrl.u32 s7, $0x1;
	s31 =	smul.u32 $0x2800, s3  }
0x9: {  	s10 =	sor.u32 s3, s5;
	p0 =	seq.s32 s3, $0xF;
	s5 =	simm.s32 $0x5  }
0xa: {  	v0 =	vlaneseq.u32;
	s9 =	ssub.s32 s7, s30;
	s6 =	smul.u32 $0x280, s3;
	s5 =	simm.s32 @!p0 $0x8  }
0xb: {  	v1 =	vimm.f32 $1.000000000e+00;
	v2 =	vimm.f32 $0.0e+00;
	v3 =	vor.u32 $0x10, v0;
	s7 =	smul.u32 $0x5, s10;
	s10 =	simm.s32 $0x50;
	s11 =	sadd.s32 s31, s8  }
0xc: {  	v4 =	vor.u32 $0x20, v0;
	v5 =	vor.u32 $0x30, v0;
	v6 =	vor.u32 $0x40, v0;
	s8 =	smax.u32 s9, $0x1;
	s9 =	sadd.s32 $0x17200, s11;
	s11 =	simm.s32 $0x800  }
.LBB2_1:
0xd: {  	s16 =	simm.s32 $0x200;
	s17 =	simm.s32 $0x0  }
.LBB2_2:
0xe: {  	p0 =	sne.s32 s16, $0x9E00;
	[tilespmem:s17+$0x880] =	vst v1;
	s18 =	smov.u32 s16;
	s16 =	sadd.s32 $0x200, s16  }
.Ltmp0:
0xf: {  	[tilespmem:s17+$0x3080] =	vst v2;
	(pc) =	sbr.rel @p0 .LBB2_2-.Ltmp0, $2  }
0x10: {  	_ =	sdelay $0x2  }
0x11: {  	s17 =	sshra.s32 s18, $0x2  }
0x12: {  	[tilespmem:s17+$0x880] =	vst v1  }
0x13: {  	[tilespmem:s17+$0x3080] =	vst v2;
	v7 =	vor.u32 s6, v0  }
0x14: {  	v8 =	vadd.s32 s6, v6;
	p0 =	sne.s32 s5, $0x1;
	[tilespmem:$0x800] =	vst v7  }
.Ltmp1:
0x15: {  	v9 =	vadd.s32 s6, v5;
	[tilespmem:$0x840] =	vst v8;
	(pc) =	sbr.rel @!p0 .LBB2_5-.Ltmp1, $4  }
0x16: {  	v10 =	vadd.s32 s6, v4;
	[tilespmem:$0x830] =	vst v9  }
0x17: {  	v11 =	vadd.s32 s6, v3;
	[tilespmem:$0x820] =	vst v10  }
0x18: {  	s16 =	sadd.s32 $0xFFFFFFFF, s5;
	s17 =	smov.u32 s6;
	[tilespmem:$0x810] =	vst v11  }
0x19: {  	[spmem:s1] =	stream.indirect.scatter [tilespmem:s12], [sflag:$0x1], $0x10, s11, s10, $0xb8;
	[tilespmem:$0x7F90] =	vst v63  }
.LBB2_4:
0x1a: {  	p1 =	sne.s32 s16, $0x1;
	_ =	swait.ge [sflag:s13], $0x500  }
0x1b: {  	s17 =	sadd.s32 $0x50, s17;
	[sflag:s13] =	ssyncset.done $0x0  }
0x1c: {  	v12 =	vor.u32 s17, v0;
	[sflag:s13] =	ssyncadd.s32 $0xFFFFFB00  }
0x1d: {  	[tilespmem:$0x800] =	vst v12;
	v12 =	vadd.s32 s17, v6  }
.Ltmp2:
0x1e: {  	v13 =	vadd.s32 s17, v5;
	[tilespmem:$0x840] =	vst v12;
	(pc) =	sbr.rel @p1 .LBB2_4-.Ltmp2, $4  }
0x1f: {  	v12 =	vadd.s32 s17, v4;
	[tilespmem:$0x830] =	vst v13  }
0x20: {  	v13 =	vadd.s32 s17, v3;
	[tilespmem:$0x820] =	vst v12  }
0x21: {  	[tilespmem:$0x810] =	vst v13;
	[spmem:s1] =	stream.indirect.scatter [tilespmem:s12], [sflag:$0x1], $0x10, s11, s10, $0xb8  }
0x22: {  	s16 =	sadd.s32 $0xFFFFFFFF, s16  }
.LBB2_5:
0x23: {  	_ =	swait.ge [sflag:s13], $0x500  }
0x24: {  	[sflag:s13] =	ssyncset.done $0x0  }
0x25: {  	[sflag:s13] =	ssyncadd.s32 $0xFFFFFB00  }
0x26: {  	[tilespmem:s12], [sflag:$0x1] =	stream.indirect.gather [spmem:s1], $0x10, s11, s10, $0xb8;
	[tilespmem:$0x7F90] =	vst v63  }
0x27: {  	_ =	swait.ge [sflag:s13], $0x500  }
0x28: {  	[sflag:s13] =	ssyncset.done $0x0  }
0x29: {  	[sflag:s13] =	ssyncadd.s32 $0xFFFFFB00  }
0x2a: {  	s16 =	simm.s32 $0x0;
	s17 =	simm.s32 $0x0;
	[bflag:$0x0] =	sbarrier.arrive $0xFFFF  }
.LBB2_6:
0x2b: {  	s18 =	sadd.s32 s7, s17  }
0x2c: {  	s18 =	smul.u32 $0xFA, s18;
	_ =	sdelay $0x1  }
0x2d: {  	s18 =	sadd.s32 s4, s18  }
0x2e: {  	[tilespmem:s16], [sflag:$0x1] =	stream.linear.gather [hbm4b:s18+s16], $0x7D0, $0x38;
	[tilespmem:$0x7F90] =	vst v63  }
0x2f: {  	_ =	swait.ge [sflag:s13], $0x7D0  }
0x30: {  	[sflag:s13] =	ssyncset.done $0x0  }
0x31: {  	s31 =	simm.s32 $0x0;
	[sflag:s13] =	ssyncadd.s32 $0xFFFFF830  }
0x32: {  	v12 =	vld [tilespmem:s31+$0x0];
	_ =	sdelay $0x4  }
0x33: {  	[tilespmem:$0x800] =	vst v12  }
0x34: {  	v12 =	vld [tilespmem:s31+$0x10];
	_ =	sdelay $0x4  }
0x35: {  	[tilespmem:$0x810] =	vst v12  }
0x36: {  	v12 =	vld [tilespmem:s31+$0x20];
	_ =	sdelay $0x4  }
0x37: {  	[tilespmem:$0x820] =	vst v12  }
0x38: {  	v12 =	vld [tilespmem:s31+$0x30];
	_ =	sdelay $0x4  }
0x39: {  	[tilespmem:$0x830] =	vst v12  }
0x3a: {  	v12 =	vld [tilespmem:s31+$0x40];
	_ =	sdelay $0x4  }
0x3b: {  	[tilespmem:$0x840] =	vst v12  }
0x3c: {  	[spmem:s1] =	stream.indirect.scatter.add.f32 [tilespmem:s14], [sflag:$0x1], $0x10, s11, s10, $0xb8;
	[tilespmem:$0x7F90] =	vst v63  }
0x3d: {  	_ =	swait.ge [sflag:s13], $0x500  }
0x3e: {  	s19 =	simm.s32 $0x280;
	s18 =	simm.s32 $0x140;
	[sflag:s13] =	ssyncset.done $0x0  }
.LBB2_7:
0x3f: {  	s20 =	sshra.s32 s18, $0x2  }
0x40: {  	[sflag:s13] =	ssyncadd.s32 $0xFFFFFB00;
	s18 =	smov.u32 s19;
	s21 =	sadd.s32 $0x140, s19  }
0x41: {  	p1 =	sne.s32 s19, $0x1E00;
	v12 =	vld [tilespmem:s20+$0x0];
	_ =	sdelay $0x4  }
0x42: {  	[tilespmem:$0x800] =	vst v12  }
0x43: {  	v12 =	vld [tilespmem:s20+$0x10];
	_ =	sdelay $0x4  }
0x44: {  	[tilespmem:$0x810] =	vst v12  }
0x45: {  	v12 =	vld [tilespmem:s20+$0x20];
	_ =	sdelay $0x4  }
0x46: {  	[tilespmem:$0x820] =	vst v12  }
0x47: {  	v12 =	vld [tilespmem:s20+$0x30];
	_ =	sdelay $0x4  }
0x48: {  	[tilespmem:$0x830] =	vst v12  }
0x49: {  	v12 =	vld [tilespmem:s20+$0x40];
	_ =	sdelay $0x3  }
.Ltmp3:
0x4a: {  	(pc) =	sbr.rel @p1 .LBB2_7-.Ltmp3, $4  }
0x4b: {  	[tilespmem:$0x840] =	vst v12  }
0x4c: {  	[spmem:s1] =	stream.indirect.scatter.add.f32 [tilespmem:s14], [sflag:$0x1], $0x10, s11, s10, $0xb8;
	[tilespmem:$0x7F90] =	vst v63  }
0x4d: {  	_ =	swait.ge [sflag:s13], $0x500  }
0x4e: {  	s19 =	smov.u32 s21;
	[sflag:s13] =	ssyncset.done $0x0  }
0x4f: {  	s18 =	sshra.s32 s18, $0x2;
	[sflag:s13] =	ssyncadd.s32 $0xFFFFFB00  }
0x50: {  	v12 =	vld [tilespmem:s18+$0x0];
	_ =	sdelay $0x4  }
0x51: {  	[tilespmem:$0x800] =	vst v12  }
0x52: {  	v12 =	vld [tilespmem:s18+$0x10];
	_ =	sdelay $0x4  }
0x53: {  	[tilespmem:$0x810] =	vst v12  }
0x54: {  	v12 =	vld [tilespmem:s18+$0x20];
	_ =	sdelay $0x4  }
0x55: {  	[tilespmem:$0x820] =	vst v12  }
0x56: {  	v12 =	vld [tilespmem:s18+$0x30];
	_ =	sdelay $0x4  }
0x57: {  	[tilespmem:$0x830] =	vst v12  }
0x58: {  	v12 =	vld [tilespmem:s18+$0x40];
	_ =	sdelay $0x2  }
0x59: {  	s17 =	sadd.s32 $0x1, s17  }
0x5a: {  	p1 =	sne.s32 s17, $0x5  }
.Ltmp4:
0x5b: {  	[tilespmem:$0x840] =	vst v12;
	(pc) =	sbr.rel @p1 .LBB2_6-.Ltmp4, $4  }
0x5c: {  	[spmem:s1] =	stream.indirect.scatter.add.f32 [tilespmem:s14], [sflag:$0x1], $0x10, s11, s10, $0xb8;
	[tilespmem:$0x7F90] =	vst v63  }
0x5d: {  	_ =	swait.ge [sflag:s13], $0x500  }
0x5e: {  	[sflag:s13] =	ssyncset.done $0x0  }
0x5f: {  	[sflag:s13] =	ssyncadd.s32 $0xFFFFFB00  }
0x60: {  	[tilespmem:s14], [sflag:$0x1] =	stream.indirect.gather [spmem:s1], $0x10, s11, s10, $0xb8;
	[tilespmem:$0x7F90] =	vst v63  }
0x61: {  	_ =	swait.ge [sflag:s13], $0x500  }
0x62: {  	[sflag:s13] =	ssyncset.done $0x0  }
0x63: {  	[sflag:s13] =	ssyncadd.s32 $0xFFFFFB00  }
0x64: {  	[bflag:$0x0] =	sbarrier.arrive $0xFFFF  }
0x65: {  	[tilespmem:$0x800] =	vst v7  }
0x66: {  	[tilespmem:$0x840] =	vst v8  }
0x67: {  	[tilespmem:$0x830] =	vst v9  }
0x68: {  	[tilespmem:$0x820] =	vst v10  }
0x69: {  	[tilespmem:$0x810] =	vst v11  }
0x6a: {  	[tilespmem:s12], [sflag:$0x1] =	stream.indirect.gather [spmem:s1], $0x10, s11, s10, $0xb8;
	[tilespmem:$0x7F90] =	vst v63  }
.Ltmp5:
0x6b: {  	_ = 	snop;
	(pc) =	sbr.rel @!p0 .LBB2_11-.Ltmp5, $4  }
0x6c: {  	_ =	swait.ge [sflag:s13], $0x500  }
0x6d: {  	s16 =	sadd.s32 $0xFFFFFFFF, s5;
	[sflag:s13] =	ssyncset.done $0x0  }
0x6e: {  	s17 =	smov.u32 s9;
	s18 =	smov.u32 s6;
	[sflag:s13] =	ssyncadd.s32 $0xFFFFFB00  }
0x6f: {  	[hbm4b:s9+s2] =	stream.linear.scatter [tilespmem:s12], [sflag:$0x1], $0x2800, $0x38;
	[tilespmem:$0x7F90] =	vst v63  }
.LBB2_10:
0x70: {  	_ =	swait.ge [sflag:s13], $0x2800;
	s17 =	sadd.s32 $0x500, s17;
	s18 =	sadd.s32 $0x50, s18  }
0x71: {  	p0 =	sne.s32 s16, $0x1;
	s16 =	sadd.s32 $0xFFFFFFFF, s16;
	[sflag:s13] =	ssyncset.done $0x0  }
0x72: {  	v7 =	vor.u32 s18, v0;
	[sflag:s13] =	ssyncadd.s32 $0xFFFFD800  }
0x73: {  	[tilespmem:$0x800] =	vst v7;
	v7 =	vadd.s32 s18, v6  }
0x74: {  	v8 =	vadd.s32 s18, v3;
	v9 =	vadd.s32 s18, v4;
	v10 =	vadd.s32 s18, v5;
	[tilespmem:$0x840] =	vst v7  }
0x75: {  	[tilespmem:$0x830] =	vst v10  }
0x76: {  	[tilespmem:$0x820] =	vst v9  }
0x77: {  	[tilespmem:$0x810] =	vst v8  }
0x78: {  	[tilespmem:s12], [sflag:$0x1] =	stream.indirect.gather [spmem:s1], $0x10, s11, s10, $0xb8;
	[tilespmem:$0x7F90] =	vst v63  }
.Ltmp6:
0x79: {  	_ = 	snop;
	(pc) =	sbr.rel @p0 .LBB2_10-.Ltmp6, $4  }
0x7a: {  	_ =	swait.ge [sflag:s13], $0x500  }
0x7b: {  	[sflag:s13] =	ssyncset.done $0x0  }
0x7c: {  	[sflag:s13] =	ssyncadd.s32 $0xFFFFFB00  }
0x7d: {  	[hbm4b:s17+s2] =	stream.linear.scatter [tilespmem:s12], [sflag:$0x1], $0x2800, $0x38;
	[tilespmem:$0x7F90] =	vst v63  }
.LBB2_11:
0x7e: {  	s15 =	sadd.s32 $0x1, s15  }
0x7f: {  	p0 =	sne.s32 s15, s8  }
.Ltmp7:
0x80: {  	_ = 	snop;
	(pc) =	sbr.rel @p0 .LBB2_1-.Ltmp7, $4  }
0x81: {  	_ = 	snop  }
0x82: {  	_ =	swait.ge [sflag:s13], $0x2800  }
0x83: {  	[sflag:s13] =	ssyncset.done $0x0  }
0x84: {  	[sflag:s13] =	ssyncadd.s32 $0xFFFFD800  }
0x85: {  	_ =	sfence.sel $0x180000  }
0x86: {  	[bflag:$0x0] =	sbarrier.arrive $0xFFFF  }
0x87: {  	p0 =	sne.s32 s3, $0x0;
	_ =	strace $0x90000047  }
0x88: {  	s0 =	sadd.s32 @!p0 $0x100000, s0;
	[bflag:$0x2] =	sbarrier.arrive $0xFFFF  }
0x89: {  	[sflag:s0] =	ssyncadd.tile.s32 @!p0 $0x1;
	_ =	shalt  }
.Lfunc_end2:
_tile_overlayer_lowered:
.L_overlay_start_2:
0x8a: {  	(tag) =	ssettag $0x2  }
0x8b: {  	s0 =	rddreg [dreg:$0x0];
	s2 =	stileid.u32  }
0x8c: {  	s1 =	rddreg [dreg:$0x1];
	p0 =	sne.s32 s2, $0x0  }
0x8d: {  	s3 =	rddreg [dreg:$0x2];
	[bflag:$0x3] =	sbarrier.arrive $0xFFFF;
	s2 =	simm.s32 @!p0 $0x1C01  }
0x8e: {  	[timem:s3], [sflag:s2] =	dma.local @!p0 [hbm:s0], s1  }
0x8f: {  	s0 =	simm.s32 @!p0 $0x1  }
0x90: {  	_ =	swait.ge @!p0 [sflag:s0], s1  }
0x91: {  	s1 =	ssub.s32 @!p0 $0x0, s1;
	[sflag:s0] =	ssyncset.done @!p0 $0x0  }
0x92: {  	[sflag:s0] =	ssyncadd.s32 @!p0 s1  }
0x93: {  	[bflag:$0x3] =	sbarrier.arrive $0xFFFF  }
0x94: {  	_ =	shalt  }

</sc_bundles>
